<compile_context>
chip_gen: v7x
topology: tpu7x:2x2x1
jax: 0.10.2.dev20260603
libtpu: 0.0.44.dev20260713+nightly
codegen_flags: <defaults>
</compile_context>

<pallas_src>
import functools

import jax
import jax.numpy as jnp
from jax import lax
from jax.experimental import pallas as pl
from jax.experimental.pallas import tpu as pltpu
from jax.experimental.pallas import tpu_sc as plsc


def _transform_body(w_ref, table_ref, b_ref, out_ref):
    out_ref[...] = (
        lax.dot_general(
            w_ref[...],
            table_ref[...],
            (((1,), (1,)), ((), ())),
            preferred_element_type=jnp.float32,
        )
        + b_ref[...]
    )


def _make_gather(seq: int, n_b: int, d: int, v_pad: int):
    mesh = plsc.VectorSubcoreMesh(core_axis_name="c", subcore_axis_name="s")
    nw = mesh.num_cores * mesh.num_subcores
    assert n_b % nw == 0 and seq % 2 == 0
    b_per_w = n_b // nw

    nbuf = 1
    bc = b_per_w // nbuf
    nslot = 2
    n_chunks = seq * nbuf
    assert n_chunks % nslot == 0 and bc % 16 == 0

    @functools.partial(
        pl.kernel,
        mesh=mesh,
        out_type=jax.ShapeDtypeStruct((seq, d, n_b), jnp.float32),
        scratch_types=[
            pltpu.VMEM((d * v_pad,), jnp.float32),
            pltpu.VMEM((nslot * bc,), jnp.int32),
            [pltpu.VMEM((d, bc), jnp.float32)] * nslot,
            [pltpu.SemaphoreType.DMA] * nslot,
            [pltpu.SemaphoreType.DMA] * nslot,
        ],
        compiler_params=pltpu.CompilerParams(needs_layout_passes=False),
    )
    def gather(t2t_hbm, idx_hbm, out_hbm, t2t_v, idx_v, slabs, isems, osems):
        wid = lax.axis_index("s") * mesh.num_cores + lax.axis_index("c")
        b0 = wid * b_per_w
        pltpu.sync_copy(t2t_hbm, t2t_v)

        def chunk_coords(cc):
            l = cc // nbuf
            boff = b0 + (cc % nbuf) * bc
            return l, boff

        def idx_start(cc, slot):
            l, boff = chunk_coords(cc)
            pltpu.async_copy(
                idx_hbm.at[l, pl.ds(boff, bc)],
                idx_v.at[pl.ds(slot * bc, bc)], isems[slot])

        def idx_wait(slot):
            pltpu.make_async_copy(
                idx_hbm.at[0, pl.ds(b0, bc)],
                idx_v.at[pl.ds(slot * bc, bc)], isems[slot]).wait()

        for s in range(nslot - 1):
            idx_start(s, s)

        @pl.loop(0, n_chunks, step=nslot)
        def _ring(q):
            for s in range(nslot):
                cc = q + s
                l, boff = chunk_coords(cc)
                out_slice = out_hbm.at[l, :, pl.ds(boff, bc)]

                @pl.when(cc + nslot - 1 < n_chunks)
                def _prefetch():
                    idx_start(cc + nslot - 1, (s + nslot - 1) % nslot)

                idx_wait(s)

                @pl.when(cc >= nslot)
                def _drain():
                    pltpu.make_async_copy(slabs[s], out_slice, osems[s]).wait()

                @plsc.parallel_loop(0, bc // 16, unroll=4)
                def _grp(g):
                    ids16 = idx_v[pl.ds(s * bc + g * 16, 16)]
                    for o in range(d):
                        vals = plsc.load_gather(t2t_v, [ids16 + o * v_pad])
                        slabs[s][o, pl.ds(g * 16, 16)] = vals

                pltpu.async_copy(slabs[s], out_slice, osems[s])

        for s in range(nslot):
            pltpu.make_async_copy(
                slabs[s], out_hbm.at[0, :, pl.ds(b0, bc)], osems[s]).wait()

    return gather


def kernel(input_ids, table, W, b):
    bsz, seq = input_ids.shape
    v, d = table.shape

    v_pad = 128
    table_pad = jnp.zeros((v_pad, d), jnp.float32).at[:v].set(table)

    t2t = pl.pallas_call(
        _transform_body,
        out_shape=jax.ShapeDtypeStruct((d, v_pad), jnp.float32),
    )(W, table_pad, jnp.reshape(b, (d, 1)))

    ids_t = input_ids.T.astype(jnp.int32)
    out_lob = _make_gather(seq, bsz, d, v_pad)(t2t.reshape(d * v_pad), ids_t)
    return jnp.transpose(out_lob, (2, 0, 1))

# --- scband reference (transcript-rebuilt; emitter-appended) ---
"""Pipeline reference for scband-my-model-61933428410053 (READ-ONLY COPY).

The authoritative reference and input builder live on the scoring server;
editing this copy changes nothing except your own understanding.
"""

import jax, jax.numpy as jnp
import numpy as np

def setup_inputs(seed: int = 0) -> dict:
    key = jax.random.key(seed)
    k1, k2, k3, k4 = jax.random.split(key, 4)
    input_ids = jax.random.randint(k1, (16384, 200), 0, 100, dtype=jnp.int64)
    table = jax.random.normal(k2, (100, 64), dtype=jnp.float32)
    W = jax.random.normal(k3, (64, 64), dtype=jnp.float32) * (1.0 / np.sqrt(64))
    b = jax.random.normal(k4, (64,), dtype=jnp.float32) * 0.01
    return {"input_ids": input_ids, "table": table, "W": W, "b": b}

def reference(input_ids, table, W, b):
    # nn.Embedding lookup
    embeddings = jnp.take(table, input_ids, axis=0)  # [B, L, 64]
    # nn.Linear: x @ W^T + b (torch Linear stores weight as [out, in])
    output = jnp.einsum('bld,od->blo', embeddings, W) + b
    return output

if __name__ == "__main__":
    import jax
    _d = setup_inputs()
    print(jax.jit(kernel)(*tuple(_d.values())))

</pallas_src>

<mosaic_0001>
#map = affine_map<(d0, d1) -> (0)>
#map1 = affine_map<(d0, d1) -> (0, 0)>
#map2 = affine_map<(d0, d1) -> (0, 0, 0)>
module attributes {stable_mosaic.version = 14 : i64} {
  func.func @gather(%arg0: i32, %arg1: i32, %arg2: memref<8192xf32, #tpu.memory_space<hbm>>, %arg3: memref<200x16384xi32, #tpu.memory_space<hbm>>, %arg4: memref<200x64x16384xf32, #tpu.memory_space<hbm>>, %arg5: memref<8192xf32, #tpu.memory_space<vmem>>, %arg6: memref<1024xi32, #tpu.memory_space<vmem>>, %arg7: memref<64x512xf32, #tpu.memory_space<vmem>>, %arg8: memref<64x512xf32, #tpu.memory_space<vmem>>, %arg9: memref<!tpu.dma_semaphore, #tpu.memory_space<semaphore_mem>>, %arg10: memref<!tpu.dma_semaphore, #tpu.memory_space<semaphore_mem>>, %arg11: memref<!tpu.dma_semaphore, #tpu.memory_space<semaphore_mem>>, %arg12: memref<!tpu.dma_semaphore, #tpu.memory_space<semaphore_mem>>) attributes {dimension_semantics = [#tpu.dimension_semantics<core_parallel>, #tpu.dimension_semantics<subcore_parallel>], iteration_bounds = array<i64: 2, 16>, scalar_prefetch = 0 : i64, scratch_operands = 8 : i64, tpu.core_type = #tpu.core_type<sc_vector_subcore>, window_params = [{transform_indices = #map}, {transform_indices = #map1}, {transform_indices = #map2}]} {
    %mul3A = arith.constant 2 : i32
    %mul3A_0 = arith.muli %arg1, %mul3A : i32
    %add3A = arith.addi %mul3A_0, %arg0 : i32
    %mul3A_1 = arith.constant 512 : i32
    %mul3A_2 = arith.muli %add3A, %mul3A_1 : i32
    "tpu.region"() ({
      %run_scoped3A = tpu.sem_alloc : memref<!tpu.dma_semaphore, #tpu.memory_space<semaphore_mem>>
      tpu.enqueue_dma source(%arg2 : memref<8192xf32, #tpu.memory_space<hbm>>) target(%arg5 : memref<8192xf32, #tpu.memory_space<vmem>>) target_semaphore(%run_scoped3A : memref<!tpu.dma_semaphore, #tpu.memory_space<semaphore_mem>>)
      tpu.wait_dma2 semaphore(%run_scoped3A : memref<!tpu.dma_semaphore, #tpu.memory_space<semaphore_mem>>) src(%arg2 : memref<8192xf32, #tpu.memory_space<hbm>>) dst(%arg5 : memref<8192xf32, #tpu.memory_space<vmem>>)
      tpu.yield
    }) : () -> ()
    %add3A_3 = arith.constant 0 : i32
    %add3A_4 = arith.addi %mul3A_2, %add3A_3 : i32
    %dma_start3A = arith.constant 0 : i32
    %dma_start3A_5 = arith.constant 0 : i32
    %dma_start3A_6 = tpu.memref_slice %arg6[%dma_start3A_5] : memref<1024xi32, #tpu.memory_space<vmem>> -> memref<512xi32, #tpu.memory_space<vmem>>
    %dma_start3A_7 = tpu.memref_slice %arg3[%dma_start3A, %add3A_4] : memref<200x16384xi32, #tpu.memory_space<hbm>> -> memref<1x512xi32, #tpu.memory_space<hbm>>
    %dma_start3A_8 = tpu.memref_squeeze %dma_start3A_7 : memref<1x512xi32, #tpu.memory_space<hbm>> -> memref<512xi32, #tpu.memory_space<hbm>>
    %dma_start3A_9 = arith.constant 0 : i32
    %dma_start3A_10 = tpu.memref_slice %arg6[%dma_start3A_9] : memref<1024xi32, #tpu.memory_space<vmem>> -> memref<512xi32, #tpu.memory_space<vmem>>
    %dma_start3A_11 = tpu.memref_slice %arg3[%dma_start3A, %add3A_4] : memref<200x16384xi32, #tpu.memory_space<hbm>> -> memref<1x512xi32, #tpu.memory_space<hbm>>
    %dma_start3A_12 = tpu.memref_squeeze %dma_start3A_11 : memref<1x512xi32, #tpu.memory_space<hbm>> -> memref<512xi32, #tpu.memory_space<hbm>>
    tpu.enqueue_dma source(%dma_start3A_12 : memref<512xi32, #tpu.memory_space<hbm>>) target(%dma_start3A_10 : memref<512xi32, #tpu.memory_space<vmem>>) target_semaphore(%arg9 : memref<!tpu.dma_semaphore, #tpu.memory_space<semaphore_mem>>)
    %scan3A = arith.constant 0 : i32
    %scan3A_13 = arith.constant 100 : i32
    %scan3A_14 = arith.addi %scan3A, %scan3A_13 : i32
    %scan3A_15 = arith.constant 1 : i32
    scf.for %scan3A_30 = %scan3A to %scan3A_14 step %scan3A_15  : i32 {
      %mul3A_31 = arith.constant 2 : i32
      %mul3A_32 = arith.muli %scan3A_30, %mul3A_31 : i32
      %add3A_33 = arith.constant 0 : i32
      %add3A_34 = arith.addi %add3A_33, %mul3A_32 : i32
      %add3A_35 = arith.constant 0 : i32
      %add3A_36 = arith.addi %add3A_34, %add3A_35 : i32
      %jit3A = arith.constant 1 : i32
      %div3A = arith.divsi %add3A_36, %jit3A : i32
      %sign3A = arith.constant 0 : i32
      %sign3A_37 = arith.cmpi sgt, %add3A_36, %sign3A : i32
      %sign3A_38 = arith.extui %sign3A_37 : i1 to i32
      %sign3A_39 = arith.constant 0 : i32
      %sign3A_40 = arith.cmpi slt, %add3A_36, %sign3A_39 : i32
      %sign3A_41 = arith.extui %sign3A_40 : i1 to i32
      %sign3A_42 = arith.subi %sign3A_38, %sign3A_41 : i32
      %sign3A_43 = arith.constant 0 : i32
      %sign3A_44 = arith.cmpi sgt, %jit3A, %sign3A_43 : i32
      %sign3A_45 = arith.extui %sign3A_44 : i1 to i32
      %sign3A_46 = arith.constant 0 : i32
      %sign3A_47 = arith.cmpi slt, %jit3A, %sign3A_46 : i32
      %sign3A_48 = arith.extui %sign3A_47 : i1 to i32
      %sign3A_49 = arith.subi %sign3A_45, %sign3A_48 : i32
      %ne3A = arith.cmpi ne, %sign3A_42, %sign3A_49 : i32
      %rem3A = arith.remsi %add3A_36, %jit3A : i32
      %ne3A_50 = arith.constant 0 : i32
      %ne3A_51 = arith.cmpi ne, %rem3A, %ne3A_50 : i32
      %and3A = arith.andi %ne3A, %ne3A_51 : i1
      %sub3A = arith.constant 1 : i32
      %sub3A_52 = arith.subi %div3A, %sub3A : i32
      %select_n3A = arith.select %and3A, %sub3A_52, %div3A : i32
      %jit3A_53 = arith.constant 1 : i32
      %eq3A = arith.constant 0 : i32
      %eq3A_54 = arith.cmpi eq, %jit3A_53, %eq3A : i32
      %jit3A_55 = arith.constant 1 : i32
      %select_n3A_56 = arith.select %eq3A_54, %jit3A_55, %jit3A_53 : i32
      %rem3A_57 = arith.remsi %add3A_36, %select_n3A_56 : i32
      %ne3A_58 = arith.constant 0 : i32
      %ne3A_59 = arith.cmpi ne, %rem3A_57, %ne3A_58 : i32
      %lt3A = arith.constant 0 : i32
      %lt3A_60 = arith.cmpi slt, %rem3A_57, %lt3A : i32
      %lt3A_61 = arith.constant 0 : i32
      %lt3A_62 = arith.cmpi slt, %select_n3A_56, %lt3A_61 : i32
      %ne3A_63 = arith.xori %lt3A_60, %lt3A_62 : i1
      %and3A_64 = arith.andi %ne3A_63, %ne3A_59 : i1
      %add3A_65 = arith.addi %rem3A_57, %select_n3A_56 : i32
      %select_n3A_66 = arith.select %and3A_64, %add3A_65, %rem3A_57 : i32
      %mul3A_67 = arith.constant 512 : i32
      %mul3A_68 = arith.muli %select_n3A_66, %mul3A_67 : i32
      %add3A_69 = arith.addi %mul3A_2, %mul3A_68 : i32
      %add3A_70 = arith.constant 2 : i32
      %add3A_71 = arith.addi %add3A_36, %add3A_70 : i32
      %sub3A_72 = arith.constant 1 : i32
      %sub3A_73 = arith.subi %add3A_71, %sub3A_72 : i32
      %lt3A_74 = arith.constant 200 : i32
      %lt3A_75 = arith.cmpi slt, %sub3A_73, %lt3A_74 : i32
      %convert_element_type3A = arith.extui %lt3A_75 : i1 to i32
      %cond3A = arith.constant 0 : i32
      %cond3A_76 = arith.cmpi ne, %convert_element_type3A, %cond3A : i32
      scf.if %cond3A_76 {
        %add3A_175 = arith.constant 2 : i32
        %add3A_176 = arith.addi %add3A_36, %add3A_175 : i32
        %sub3A_177 = arith.constant 1 : i32
        %sub3A_178 = arith.subi %add3A_176, %sub3A_177 : i32
        %jit3A_179 = arith.constant 1 : i32
        %div3A_180 = arith.divsi %sub3A_178, %jit3A_179 : i32
        %sign3A_181 = arith.constant 0 : i32
        %sign3A_182 = arith.cmpi sgt, %sub3A_178, %sign3A_181 : i32
        %sign3A_183 = arith.extui %sign3A_182 : i1 to i32
        %sign3A_184 = arith.constant 0 : i32
        %sign3A_185 = arith.cmpi slt, %sub3A_178, %sign3A_184 : i32
        %sign3A_186 = arith.extui %sign3A_185 : i1 to i32
        %sign3A_187 = arith.subi %sign3A_183, %sign3A_186 : i32
        %sign3A_188 = arith.constant 0 : i32
        %sign3A_189 = arith.cmpi sgt, %jit3A_179, %sign3A_188 : i32
        %sign3A_190 = arith.extui %sign3A_189 : i1 to i32
        %sign3A_191 = arith.constant 0 : i32
        %sign3A_192 = arith.cmpi slt, %jit3A_179, %sign3A_191 : i32
        %sign3A_193 = arith.extui %sign3A_192 : i1 to i32
        %sign3A_194 = arith.subi %sign3A_190, %sign3A_193 : i32
        %ne3A_195 = arith.cmpi ne, %sign3A_187, %sign3A_194 : i32
        %rem3A_196 = arith.remsi %sub3A_178, %jit3A_179 : i32
        %ne3A_197 = arith.constant 0 : i32
        %ne3A_198 = arith.cmpi ne, %rem3A_196, %ne3A_197 : i32
        %and3A_199 = arith.andi %ne3A_195, %ne3A_198 : i1
        %sub3A_200 = arith.constant 1 : i32
        %sub3A_201 = arith.subi %div3A_180, %sub3A_200 : i32
        %select_n3A_202 = arith.select %and3A_199, %sub3A_201, %div3A_180 : i32
        %jit3A_203 = arith.constant 1 : i32
        %eq3A_204 = arith.constant 0 : i32
        %eq3A_205 = arith.cmpi eq, %jit3A_203, %eq3A_204 : i32
        %jit3A_206 = arith.constant 1 : i32
        %select_n3A_207 = arith.select %eq3A_205, %jit3A_206, %jit3A_203 : i32
        %rem3A_208 = arith.remsi %sub3A_178, %select_n3A_207 : i32
        %ne3A_209 = arith.constant 0 : i32
        %ne3A_210 = arith.cmpi ne, %rem3A_208, %ne3A_209 : i32
        %lt3A_211 = arith.constant 0 : i32
        %lt3A_212 = arith.cmpi slt, %rem3A_208, %lt3A_211 : i32
        %lt3A_213 = arith.constant 0 : i32
        %lt3A_214 = arith.cmpi slt, %select_n3A_207, %lt3A_213 : i32
        %ne3A_215 = arith.xori %lt3A_212, %lt3A_214 : i1
        %and3A_216 = arith.andi %ne3A_215, %ne3A_210 : i1
        %add3A_217 = arith.addi %rem3A_208, %select_n3A_207 : i32
        %select_n3A_218 = arith.select %and3A_216, %add3A_217, %rem3A_208 : i32
        %mul3A_219 = arith.constant 512 : i32
        %mul3A_220 = arith.muli %select_n3A_218, %mul3A_219 : i32
        %add3A_221 = arith.addi %mul3A_2, %mul3A_220 : i32
        %dma_start3A_222 = arith.constant 512 : i32
        %dma_start3A_223 = tpu.memref_slice %arg6[%dma_start3A_222] : memref<1024xi32, #tpu.memory_space<vmem>> -> memref<512xi32, #tpu.memory_space<vmem>>
        %dma_start3A_224 = tpu.memref_slice %arg3[%select_n3A_202, %add3A_221] : memref<200x16384xi32, #tpu.memory_space<hbm>> -> memref<1x512xi32, #tpu.memory_space<hbm>>
        %dma_start3A_225 = tpu.memref_squeeze %dma_start3A_224 : memref<1x512xi32, #tpu.memory_space<hbm>> -> memref<512xi32, #tpu.memory_space<hbm>>
        %dma_start3A_226 = arith.constant 512 : i32
        %dma_start3A_227 = tpu.memref_slice %arg6[%dma_start3A_226] : memref<1024xi32, #tpu.memory_space<vmem>> -> memref<512xi32, #tpu.memory_space<vmem>>
        %dma_start3A_228 = tpu.memref_slice %arg3[%select_n3A_202, %add3A_221] : memref<200x16384xi32, #tpu.memory_space<hbm>> -> memref<1x512xi32, #tpu.memory_space<hbm>>
        %dma_start3A_229 = tpu.memref_squeeze %dma_start3A_228 : memref<1x512xi32, #tpu.memory_space<hbm>> -> memref<512xi32, #tpu.memory_space<hbm>>
        tpu.enqueue_dma source(%dma_start3A_229 : memref<512xi32, #tpu.memory_space<hbm>>) target(%dma_start3A_227 : memref<512xi32, #tpu.memory_space<vmem>>) target_semaphore(%arg10 : memref<!tpu.dma_semaphore, #tpu.memory_space<semaphore_mem>>)
      } else {
      }
      %dma_wait3A_77 = arith.constant 0 : i32
      %dma_wait3A_78 = arith.constant 0 : i32
      %dma_wait3A_79 = tpu.memref_slice %arg6[%dma_wait3A_78] : memref<1024xi32, #tpu.memory_space<vmem>> -> memref<512xi32, #tpu.memory_space<vmem>>
      %dma_wait3A_80 = tpu.memref_slice %arg3[%dma_wait3A_77, %mul3A_2] : memref<200x16384xi32, #tpu.memory_space<hbm>> -> memref<1x512xi32, #tpu.memory_space<hbm>>
      %dma_wait3A_81 = tpu.memref_squeeze %dma_wait3A_80 : memref<1x512xi32, #tpu.memory_space<hbm>> -> memref<512xi32, #tpu.memory_space<hbm>>
      %dma_wait3A_82 = arith.constant 0 : i32
      %dma_wait3A_83 = tpu.memref_slice %arg6[%dma_wait3A_82] : memref<1024xi32, #tpu.memory_space<vmem>> -> memref<512xi32, #tpu.memory_space<vmem>>
      %dma_wait3A_84 = tpu.memref_slice %arg3[%dma_wait3A_77, %mul3A_2] : memref<200x16384xi32, #tpu.memory_space<hbm>> -> memref<1x512xi32, #tpu.memory_space<hbm>>
      %dma_wait3A_85 = tpu.memref_squeeze %dma_wait3A_84 : memref<1x512xi32, #tpu.memory_space<hbm>> -> memref<512xi32, #tpu.memory_space<hbm>>
      tpu.wait_dma2 semaphore(%arg9 : memref<!tpu.dma_semaphore, #tpu.memory_space<semaphore_mem>>) src(%dma_wait3A_85 : memref<512xi32, #tpu.memory_space<hbm>>) dst(%dma_wait3A_83 : memref<512xi32, #tpu.memory_space<vmem>>)
      %ge3A = arith.constant 2 : i32
      %ge3A_86 = arith.cmpi sge, %add3A_36, %ge3A : i32
      %convert_element_type3A_87 = arith.extui %ge3A_86 : i1 to i32
      %cond3A_88 = arith.constant 0 : i32
      %cond3A_89 = arith.cmpi ne, %convert_element_type3A_87, %cond3A_88 : i32
      scf.if %cond3A_89 {
        %dma_wait3A_175 = arith.constant 0 : i32
        %dma_wait3A_176 = tpu.memref_slice %arg4[%select_n3A, %dma_wait3A_175, %add3A_69] : memref<200x64x16384xf32, #tpu.memory_space<hbm>> -> memref<1x64x512xf32, #tpu.memory_space<hbm>>
        %dma_wait3A_177 = tpu.memref_squeeze %dma_wait3A_176 : memref<1x64x512xf32, #tpu.memory_space<hbm>> -> memref<64x512xf32, #tpu.memory_space<hbm>>
        %dma_wait3A_178 = arith.constant 0 : i32
        %dma_wait3A_179 = tpu.memref_slice %arg4[%select_n3A, %dma_wait3A_178, %add3A_69] : memref<200x64x16384xf32, #tpu.memory_space<hbm>> -> memref<1x64x512xf32, #tpu.memory_space<hbm>>
        %dma_wait3A_180 = tpu.memref_squeeze %dma_wait3A_179 : memref<1x64x512xf32, #tpu.memory_space<hbm>> -> memref<64x512xf32, #tpu.memory_space<hbm>>
        tpu.wait_dma2 semaphore(%arg11 : memref<!tpu.dma_semaphore, #tpu.memory_space<semaphore_mem>>) src(%arg7 : memref<64x512xf32, #tpu.memory_space<vmem>>) dst(%dma_wait3A_180 : memref<64x512xf32, #tpu.memory_space<hbm>>)
      } else {
      }
      %parallel_loop3A = arith.constant 0 : i32
      %parallel_loop3A_90 = arith.constant 32 : i32
      %parallel_loop3A_91 = arith.constant 1 : i32
      scf.for %parallel_loop3A_175 = %parallel_loop3A to %parallel_loop3A_90 step %parallel_loop3A_91  : i32 {
        %parallel_loop3A_176 = arith.constant 16 : i32
        %parallel_loop3A_177 = arith.muli %parallel_loop3A_175, %parallel_loop3A_176 : i32
        %parallel_loop3A_178 = arith.constant 0 : i32
        %parallel_loop3A_179 = arith.addi %parallel_loop3A_178, %parallel_loop3A_177 : i32
        %parallel_loop3A_180 = arith.index_cast %parallel_loop3A_179 : i32 to index
        %parallel_loop3A_181 = tpu.vector_load %arg6[%parallel_loop3A_180] {strides = array<i32>} : memref<1024xi32, #tpu.memory_space<vmem>>, vector<16xi32>,
        %parallel_loop3A_182 = arith.constant 0 : i32
        %parallel_loop3A_183 = vector.broadcast %parallel_loop3A_182 : i32 to vector<16xi32>
        %parallel_loop3A_184 = arith.addi %parallel_loop3A_181, %parallel_loop3A_183 : vector<16xi32>
        %parallel_loop3A_185 = tpu.vector_load_idx %arg5[%parallel_loop3A_184] : memref<8192xf32, #tpu.memory_space<vmem>>[vector<16xi32>], vector<16xf32>,
        %parallel_loop3A_186 = arith.constant 16 : i32
        %parallel_loop3A_187 = arith.muli %parallel_loop3A_175, %parallel_loop3A_186 : i32
        %parallel_loop3A_188 = arith.constant 0 : i32
        %parallel_loop3A_189 = arith.index_cast %parallel_loop3A_188 : i32 to index
        %parallel_loop3A_190 = arith.index_cast %parallel_loop3A_187 : i32 to index
        %parallel_loop3A_191 = tpu.vector_load %arg7[%parallel_loop3A_189, %parallel_loop3A_190] {strides = array<i32>} : memref<64x512xf32, #tpu.memory_space<vmem>>, vector<16xf32>,
        tpu.vector_store %arg7[%parallel_loop3A_189, %parallel_loop3A_190], %parallel_loop3A_185 {strides = array<i32>} : memref<64x512xf32, #tpu.memory_space<vmem>>, vector<16xf32>,
        %parallel_loop3A_192 = arith.constant 128 : i32
        %parallel_loop3A_193 = vector.broadcast %parallel_loop3A_192 : i32 to vector<16xi32>
        %parallel_loop3A_194 = arith.addi %parallel_loop3A_181, %parallel_loop3A_193 : vector<16xi32>
        %parallel_loop3A_195 = tpu.vector_load_idx %arg5[%parallel_loop3A_194] : memref<8192xf32, #tpu.memory_space<vmem>>[vector<16xi32>], vector<16xf32>,
        %parallel_loop3A_196 = arith.constant 16 : i32
        %parallel_loop3A_197 = arith.muli %parallel_loop3A_175, %parallel_loop3A_196 : i32
        %parallel_loop3A_198 = arith.constant 1 : i32
        %parallel_loop3A_199 = arith.index_cast %parallel_loop3A_198 : i32 to index
        %parallel_loop3A_200 = arith.index_cast %parallel_loop3A_197 : i32 to index
        %parallel_loop3A_201 = tpu.vector_load %arg7[%parallel_loop3A_199, %parallel_loop3A_200] {strides = array<i32>} : memref<64x512xf32, #tpu.memory_space<vmem>>, vector<16xf32>,
        tpu.vector_store %arg7[%parallel_loop3A_199, %parallel_loop3A_200], %parallel_loop3A_195 {strides = array<i32>} : memref<64x512xf32, #tpu.memory_space<vmem>>, vector<16xf32>,
        %parallel_loop3A_202 = arith.constant 256 : i32
        %parallel_loop3A_203 = vector.broadcast %parallel_loop3A_202 : i32 to vector<16xi32>
        %parallel_loop3A_204 = arith.addi %parallel_loop3A_181, %parallel_loop3A_203 : vector<16xi32>
        %parallel_loop3A_205 = tpu.vector_load_idx %arg5[%parallel_loop3A_204] : memref<8192xf32, #tpu.memory_space<vmem>>[vector<16xi32>], vector<16xf32>,
        %parallel_loop3A_206 = arith.constant 16 : i32
        %parallel_loop3A_207 = arith.muli %parallel_loop3A_175, %parallel_loop3A_206 : i32
        %parallel_loop3A_208 = arith.constant 2 : i32
        %parallel_loop3A_209 = arith.index_cast %parallel_loop3A_208 : i32 to index
        %parallel_loop3A_210 = arith.index_cast %parallel_loop3A_207 : i32 to index
        %parallel_loop3A_211 = tpu.vector_load %arg7[%parallel_loop3A_209, %parallel_loop3A_210] {strides = array<i32>} : memref<64x512xf32, #tpu.memory_space<vmem>>, vector<16xf32>,
        tpu.vector_store %arg7[%parallel_loop3A_209, %parallel_loop3A_210], %parallel_loop3A_205 {strides = array<i32>} : memref<64x512xf32, #tpu.memory_space<vmem>>, vector<16xf32>,
        %parallel_loop3A_212 = arith.constant 384 : i32
        %parallel_loop3A_213 = vector.broadcast %parallel_loop3A_212 : i32 to vector<16xi32>
        %parallel_loop3A_214 = arith.addi %parallel_loop3A_181, %parallel_loop3A_213 : vector<16xi32>
        %parallel_loop3A_215 = tpu.vector_load_idx %arg5[%parallel_loop3A_214] : memref<8192xf32, #tpu.memory_space<vmem>>[vector<16xi32>], vector<16xf32>,
        %parallel_loop3A_216 = arith.constant 16 : i32
        %parallel_loop3A_217 = arith.muli %parallel_loop3A_175, %parallel_loop3A_216 : i32
        %parallel_loop3A_218 = arith.constant 3 : i32
        %parallel_loop3A_219 = arith.index_cast %parallel_loop3A_218 : i32 to index
        %parallel_loop3A_220 = arith.index_cast %parallel_loop3A_217 : i32 to index
        %parallel_loop3A_221 = tpu.vector_load %arg7[%parallel_loop3A_219, %parallel_loop3A_220] {strides = array<i32>} : memref<64x512xf32, #tpu.memory_space<vmem>>, vector<16xf32>,
        tpu.vector_store %arg7[%parallel_loop3A_219, %parallel_loop3A_220], %parallel_loop3A_215 {strides = array<i32>} : memref<64x512xf32, #tpu.memory_space<vmem>>, vector<16xf32>,
        %parallel_loop3A_222 = arith.constant 512 : i32
        %parallel_loop3A_223 = vector.broadcast %parallel_loop3A_222 : i32 to vector<16xi32>
        %parallel_loop3A_224 = arith.addi %parallel_loop3A_181, %parallel_loop3A_223 : vector<16xi32>
        %parallel_loop3A_225 = tpu.vector_load_idx %arg5[%parallel_loop3A_224] : memref<8192xf32, #tpu.memory_space<vmem>>[vector<16xi32>], vector<16xf32>,
        %parallel_loop3A_226 = arith.constant 16 : i32
        %parallel_loop3A_227 = arith.muli %parallel_loop3A_175, %parallel_loop3A_226 : i32
        %parallel_loop3A_228 = arith.constant 4 : i32
        %parallel_loop3A_229 = arith.index_cast %parallel_loop3A_228 : i32 to index
        %parallel_loop3A_230 = arith.index_cast %parallel_loop3A_227 : i32 to index
        %parallel_loop3A_231 = tpu.vector_load %arg7[%parallel_loop3A_229, %parallel_loop3A_230] {strides = array<i32>} : memref<64x512xf32, #tpu.memory_space<vmem>>, vector<16xf32>,
        tpu.vector_store %arg7[%parallel_loop3A_229, %parallel_loop3A_230], %parallel_loop3A_225 {strides = array<i32>} : memref<64x512xf32, #tpu.memory_space<vmem>>, vector<16xf32>,
        %parallel_loop3A_232 = arith.constant 640 : i32
        %parallel_loop3A_233 = vector.broadcast %parallel_loop3A_232 : i32 to vector<16xi32>
        %parallel_loop3A_234 = arith.addi %parallel_loop3A_181, %parallel_loop3A_233 : vector<16xi32>
        %parallel_loop3A_235 = tpu.vector_load_idx %arg5[%parallel_loop3A_234] : memref<8192xf32, #tpu.memory_space<vmem>>[vector<16xi32>], vector<16xf32>,
        %parallel_loop3A_236 = arith.constant 16 : i32
        %parallel_loop3A_237 = arith.muli %parallel_loop3A_175, %parallel_loop3A_236 : i32
        %parallel_loop3A_238 = arith.constant 5 : i32
        %parallel_loop3A_239 = arith.index_cast %parallel_loop3A_238 : i32 to index
        %parallel_loop3A_240 = arith.index_cast %parallel_loop3A_237 : i32 to index
        %parallel_loop3A_241 = tpu.vector_load %arg7[%parallel_loop3A_239, %parallel_loop3A_240] {strides = array<i32>} : memref<64x512xf32, #tpu.memory_space<vmem>>, vector<16xf32>,
        tpu.vector_store %arg7[%parallel_loop3A_239, %parallel_loop3A_240], %parallel_loop3A_235 {strides = array<i32>} : memref<64x512xf32, #tpu.memory_space<vmem>>, vector<16xf32>,
        %parallel_loop3A_242 = arith.constant 768 : i32
        %parallel_loop3A_243 = vector.broadcast %parallel_loop3A_242 : i32 to vector<16xi32>
        %parallel_loop3A_244 = arith.addi %parallel_loop3A_181, %parallel_loop3A_243 : vector<16xi32>
        %parallel_loop3A_245 = tpu.vector_load_idx %arg5[%parallel_loop3A_244] : memref<8192xf32, #tpu.memory_space<vmem>>[vector<16xi32>], vector<16xf32>,
        %parallel_loop3A_246 = arith.constant 16 : i32
        %parallel_loop3A_247 = arith.muli %parallel_loop3A_175, %parallel_loop3A_246 : i32
        %parallel_loop3A_248 = arith.constant 6 : i32
        %parallel_loop3A_249 = arith.index_cast %parallel_loop3A_248 : i32 to index
        %parallel_loop3A_250 = arith.index_cast %parallel_loop3A_247 : i32 to index
        %parallel_loop3A_251 = tpu.vector_load %arg7[%parallel_loop3A_249, %parallel_loop3A_250] {strides = array<i32>} : memref<64x512xf32, #tpu.memory_space<vmem>>, vector<16xf32>,
        tpu.vector_store %arg7[%parallel_loop3A_249, %parallel_loop3A_250], %parallel_loop3A_245 {strides = array<i32>} : memref<64x512xf32, #tpu.memory_space<vmem>>, vector<16xf32>,
        %parallel_loop3A_252 = arith.constant 896 : i32
        %parallel_loop3A_253 = vector.broadcast %parallel_loop3A_252 : i32 to vector<16xi32>
        %parallel_loop3A_254 = arith.addi %parallel_loop3A_181, %parallel_loop3A_253 : vector<16xi32>
        %parallel_loop3A_255 = tpu.vector_load_idx %arg5[%parallel_loop3A_254] : memref<8192xf32, #tpu.memory_space<vmem>>[vector<16xi32>], vector<16xf32>,
        %parallel_loop3A_256 = arith.constant 16 : i32
        %parallel_loop3A_257 = arith.muli %parallel_loop3A_175, %parallel_loop3A_256 : i32
        %parallel_loop3A_258 = arith.constant 7 : i32
        %parallel_loop3A_259 = arith.index_cast %parallel_loop3A_258 : i32 to index
        %parallel_loop3A_260 = arith.index_cast %parallel_loop3A_257 : i32 to index
        %parallel_loop3A_261 = tpu.vector_load %arg7[%parallel_loop3A_259, %parallel_loop3A_260] {strides = array<i32>} : memref<64x512xf32, #tpu.memory_space<vmem>>, vector<16xf32>,
        tpu.vector_store %arg7[%parallel_loop3A_259, %parallel_loop3A_260], %parallel_loop3A_255 {strides = array<i32>} : memref<64x512xf32, #tpu.memory_space<vmem>>, vector<16xf32>,
        %parallel_loop3A_262 = arith.constant 1024 : i32
        %parallel_loop3A_263 = vector.broadcast %parallel_loop3A_262 : i32 to vector<16xi32>
        %parallel_loop3A_264 = arith.addi %parallel_loop3A_181, %parallel_loop3A_263 : vector<16xi32>
        %parallel_loop3A_265 = tpu.vector_load_idx %arg5[%parallel_loop3A_264] : memref<8192xf32, #tpu.memory_space<vmem>>[vector<16xi32>], vector<16xf32>,
        %parallel_loop3A_266 = arith.constant 16 : i32
        %parallel_loop3A_267 = arith.muli %parallel_loop3A_175, %parallel_loop3A_266 : i32
        %parallel_loop3A_268 = arith.constant 8 : i32
        %parallel_loop3A_269 = arith.index_cast %parallel_loop3A_268 : i32 to index
        %parallel_loop3A_270 = arith.index_cast %parallel_loop3A_267 : i32 to index
        %parallel_loop3A_271 = tpu.vector_load %arg7[%parallel_loop3A_269, %parallel_loop3A_270] {strides = array<i32>} : memref<64x512xf32, #tpu.memory_space<vmem>>, vector<16xf32>,
        tpu.vector_store %arg7[%parallel_loop3A_269, %parallel_loop3A_270], %parallel_loop3A_265 {strides = array<i32>} : memref<64x512xf32, #tpu.memory_space<vmem>>, vector<16xf32>,
        %parallel_loop3A_272 = arith.constant 1152 : i32
        %parallel_loop3A_273 = vector.broadcast %parallel_loop3A_272 : i32 to vector<16xi32>
        %parallel_loop3A_274 = arith.addi %parallel_loop3A_181, %parallel_loop3A_273 : vector<16xi32>
        %parallel_loop3A_275 = tpu.vector_load_idx %arg5[%parallel_loop3A_274] : memref<8192xf32, #tpu.memory_space<vmem>>[vector<16xi32>], vector<16xf32>,
        %parallel_loop3A_276 = arith.constant 16 : i32
        %parallel_loop3A_277 = arith.muli %parallel_loop3A_175, %parallel_loop3A_276 : i32
        %parallel_loop3A_278 = arith.constant 9 : i32
        %parallel_loop3A_279 = arith.index_cast %parallel_loop3A_278 : i32 to index
        %parallel_loop3A_280 = arith.index_cast %parallel_loop3A_277 : i32 to index
        %parallel_loop3A_281 = tpu.vector_load %arg7[%parallel_loop3A_279, %parallel_loop3A_280] {strides = array<i32>} : memref<64x512xf32, #tpu.memory_space<vmem>>, vector<16xf32>,
        tpu.vector_store %arg7[%parallel_loop3A_279, %parallel_loop3A_280], %parallel_loop3A_275 {strides = array<i32>} : memref<64x512xf32, #tpu.memory_space<vmem>>, vector<16xf32>,
        %parallel_loop3A_282 = arith.constant 1280 : i32
        %parallel_loop3A_283 = vector.broadcast %parallel_loop3A_282 : i32 to vector<16xi32>
        %parallel_loop3A_284 = arith.addi %parallel_loop3A_181, %parallel_loop3A_283 : vector<16xi32>
        %parallel_loop3A_285 = tpu.vector_load_idx %arg5[%parallel_loop3A_284] : memref<8192xf32, #tpu.memory_space<vmem>>[vector<16xi32>], vector<16xf32>,
        %parallel_loop3A_286 = arith.constant 16 : i32
        %parallel_loop3A_287 = arith.muli %parallel_loop3A_175, %parallel_loop3A_286 : i32
        %parallel_loop3A_288 = arith.constant 10 : i32
        %parallel_loop3A_289 = arith.index_cast %parallel_loop3A_288 : i32 to index
        %parallel_loop3A_290 = arith.index_cast %parallel_loop3A_287 : i32 to index
        %parallel_loop3A_291 = tpu.vector_load %arg7[%parallel_loop3A_289, %parallel_loop3A_290] {strides = array<i32>} : memref<64x512xf32, #tpu.memory_space<vmem>>, vector<16xf32>,
        tpu.vector_store %arg7[%parallel_loop3A_289, %parallel_loop3A_290], %parallel_loop3A_285 {strides = array<i32>} : memref<64x512xf32, #tpu.memory_space<vmem>>, vector<16xf32>,
        %parallel_loop3A_292 = arith.constant 1408 : i32
        %parallel_loop3A_293 = vector.broadcast %parallel_loop3A_292 : i32 to vector<16xi32>
        %parallel_loop3A_294 = arith.addi %parallel_loop3A_181, %parallel_loop3A_293 : vector<16xi32>
        %parallel_loop3A_295 = tpu.vector_load_idx %arg5[%parallel_loop3A_294] : memref<8192xf32, #tpu.memory_space<vmem>>[vector<16xi32>], vector<16xf32>,
        %parallel_loop3A_296 = arith.constant 16 : i32
        %parallel_loop3A_297 = arith.muli %parallel_loop3A_175, %parallel_loop3A_296 : i32
        %parallel_loop3A_298 = arith.constant 11 : i32
        %parallel_loop3A_299 = arith.index_cast %parallel_loop3A_298 : i32 to index
        %parallel_loop3A_300 = arith.index_cast %parallel_loop3A_297 : i32 to index
        %parallel_loop3A_301 = tpu.vector_load %arg7[%parallel_loop3A_299, %parallel_loop3A_300] {strides = array<i32>} : memref<64x512xf32, #tpu.memory_space<vmem>>, vector<16xf32>,
        tpu.vector_store %arg7[%parallel_loop3A_299, %parallel_loop3A_300], %parallel_loop3A_295 {strides = array<i32>} : memref<64x512xf32, #tpu.memory_space<vmem>>, vector<16xf32>,
        %parallel_loop3A_302 = arith.constant 1536 : i32
        %parallel_loop3A_303 = vector.broadcast %parallel_loop3A_302 : i32 to vector<16xi32>
        %parallel_loop3A_304 = arith.addi %parallel_loop3A_181, %parallel_loop3A_303 : vector<16xi32>
        %parallel_loop3A_305 = tpu.vector_load_idx %arg5[%parallel_loop3A_304] : memref<8192xf32, #tpu.memory_space<vmem>>[vector<16xi32>], vector<16xf32>,
        %parallel_loop3A_306 = arith.constant 16 : i32
        %parallel_loop3A_307 = arith.muli %parallel_loop3A_175, %parallel_loop3A_306 : i32
        %parallel_loop3A_308 = arith.constant 12 : i32
        %parallel_loop3A_309 = arith.index_cast %parallel_loop3A_308 : i32 to index
        %parallel_loop3A_310 = arith.index_cast %parallel_loop3A_307 : i32 to index
        %parallel_loop3A_311 = tpu.vector_load %arg7[%parallel_loop3A_309, %parallel_loop3A_310] {strides = array<i32>} : memref<64x512xf32, #tpu.memory_space<vmem>>, vector<16xf32>,
        tpu.vector_store %arg7[%parallel_loop3A_309, %parallel_loop3A_310], %parallel_loop3A_305 {strides = array<i32>} : memref<64x512xf32, #tpu.memory_space<vmem>>, vector<16xf32>,
        %parallel_loop3A_312 = arith.constant 1664 : i32
        %parallel_loop3A_313 = vector.broadcast %parallel_loop3A_312 : i32 to vector<16xi32>
        %parallel_loop3A_314 = arith.addi %parallel_loop3A_181, %parallel_loop3A_313 : vector<16xi32>
        %parallel_loop3A_315 = tpu.vector_load_idx %arg5[%parallel_loop3A_314] : memref<8192xf32, #tpu.memory_space<vmem>>[vector<16xi32>], vector<16xf32>,
        %parallel_loop3A_316 = arith.constant 16 : i32
        %parallel_loop3A_317 = arith.muli %parallel_loop3A_175, %parallel_loop3A_316 : i32
        %parallel_loop3A_318 = arith.constant 13 : i32
        %parallel_loop3A_319 = arith.index_cast %parallel_loop3A_318 : i32 to index
        %parallel_loop3A_320 = arith.index_cast %parallel_loop3A_317 : i32 to index
        %parallel_loop3A_321 = tpu.vector_load %arg7[%parallel_loop3A_319, %parallel_loop3A_320] {strides = array<i32>} : memref<64x512xf32, #tpu.memory_space<vmem>>, vector<16xf32>,
        tpu.vector_store %arg7[%parallel_loop3A_319, %parallel_loop3A_320], %parallel_loop3A_315 {strides = array<i32>} : memref<64x512xf32, #tpu.memory_space<vmem>>, vector<16xf32>,
        %parallel_loop3A_322 = arith.constant 1792 : i32
        %parallel_loop3A_323 = vector.broadcast %parallel_loop3A_322 : i32 to vector<16xi32>
        %parallel_loop3A_324 = arith.addi %parallel_loop3A_181, %parallel_loop3A_323 : vector<16xi32>
        %parallel_loop3A_325 = tpu.vector_load_idx %arg5[%parallel_loop3A_324] : memref<8192xf32, #tpu.memory_space<vmem>>[vector<16xi32>], vector<16xf32>,
        %parallel_loop3A_326 = arith.constant 16 : i32
        %parallel_loop3A_327 = arith.muli %parallel_loop3A_175, %parallel_loop3A_326 : i32
        %parallel_loop3A_328 = arith.constant 14 : i32
        %parallel_loop3A_329 = arith.index_cast %parallel_loop3A_328 : i32 to index
        %parallel_loop3A_330 = arith.index_cast %parallel_loop3A_327 : i32 to index
        %parallel_loop3A_331 = tpu.vector_load %arg7[%parallel_loop3A_329, %parallel_loop3A_330] {strides = array<i32>} : memref<64x512xf32, #tpu.memory_space<vmem>>, vector<16xf32>,
        tpu.vector_store %arg7[%parallel_loop3A_329, %parallel_loop3A_330], %parallel_loop3A_325 {strides = array<i32>} : memref<64x512xf32, #tpu.memory_space<vmem>>, vector<16xf32>,
        %parallel_loop3A_332 = arith.constant 1920 : i32
        %parallel_loop3A_333 = vector.broadcast %parallel_loop3A_332 : i32 to vector<16xi32>
        %parallel_loop3A_334 = arith.addi %parallel_loop3A_181, %parallel_loop3A_333 : vector<16xi32>
        %parallel_loop3A_335 = tpu.vector_load_idx %arg5[%parallel_loop3A_334] : memref<8192xf32, #tpu.memory_space<vmem>>[vector<16xi32>], vector<16xf32>,
        %parallel_loop3A_336 = arith.constant 16 : i32
        %parallel_loop3A_337 = arith.muli %parallel_loop3A_175, %parallel_loop3A_336 : i32
        %parallel_loop3A_338 = arith.constant 15 : i32
        %parallel_loop3A_339 = arith.index_cast %parallel_loop3A_338 : i32 to index
        %parallel_loop3A_340 = arith.index_cast %parallel_loop3A_337 : i32 to index
        %parallel_loop3A_341 = tpu.vector_load %arg7[%parallel_loop3A_339, %parallel_loop3A_340] {strides = array<i32>} : memref<64x512xf32, #tpu.memory_space<vmem>>, vector<16xf32>,
        tpu.vector_store %arg7[%parallel_loop3A_339, %parallel_loop3A_340], %parallel_loop3A_335 {strides = array<i32>} : memref<64x512xf32, #tpu.memory_space<vmem>>, vector<16xf32>,
        %parallel_loop3A_342 = arith.constant 2048 : i32
        %parallel_loop3A_343 = vector.broadcast %parallel_loop3A_342 : i32 to vector<16xi32>
        %parallel_loop3A_344 = arith.addi %parallel_loop3A_181, %parallel_loop3A_343 : vector<16xi32>
        %parallel_loop3A_345 = tpu.vector_load_idx %arg5[%parallel_loop3A_344] : memref<8192xf32, #tpu.memory_space<vmem>>[vector<16xi32>], vector<16xf32>,
        %parallel_loop3A_346 = arith.constant 16 : i32
        %parallel_loop3A_347 = arith.muli %parallel_loop3A_175, %parallel_loop3A_346 : i32
        %parallel_loop3A_348 = arith.constant 16 : i32
        %parallel_loop3A_349 = arith.index_cast %parallel_loop3A_348 : i32 to index
        %parallel_loop3A_350 = arith.index_cast %parallel_loop3A_347 : i32 to index
        %parallel_loop3A_351 = tpu.vector_load %arg7[%parallel_loop3A_349, %parallel_loop3A_350] {strides = array<i32>} : memref<64x512xf32, #tpu.memory_space<vmem>>, vector<16xf32>,
        tpu.vector_store %arg7[%parallel_loop3A_349, %parallel_loop3A_350], %parallel_loop3A_345 {strides = array<i32>} : memref<64x512xf32, #tpu.memory_space<vmem>>, vector<16xf32>,
        %parallel_loop3A_352 = arith.constant 2176 : i32
        %parallel_loop3A_353 = vector.broadcast %parallel_loop3A_352 : i32 to vector<16xi32>
        %parallel_loop3A_354 = arith.addi %parallel_loop3A_181, %parallel_loop3A_353 : vector<16xi32>
        %parallel_loop3A_355 = tpu.vector_load_idx %arg5[%parallel_loop3A_354] : memref<8192xf32, #tpu.memory_space<vmem>>[vector<16xi32>], vector<16xf32>,
        %parallel_loop3A_356 = arith.constant 16 : i32
        %parallel_loop3A_357 = arith.muli %parallel_loop3A_175, %parallel_loop3A_356 : i32
        %parallel_loop3A_358 = arith.constant 17 : i32
        %parallel_loop3A_359 = arith.index_cast %parallel_loop3A_358 : i32 to index
        %parallel_loop3A_360 = arith.index_cast %parallel_loop3A_357 : i32 to index
        %parallel_loop3A_361 = tpu.vector_load %arg7[%parallel_loop3A_359, %parallel_loop3A_360] {strides = array<i32>} : memref<64x512xf32, #tpu.memory_space<vmem>>, vector<16xf32>,
        tpu.vector_store %arg7[%parallel_loop3A_359, %parallel_loop3A_360], %parallel_loop3A_355 {strides = array<i32>} : memref<64x512xf32, #tpu.memory_space<vmem>>, vector<16xf32>,
        %parallel_loop3A_362 = arith.constant 2304 : i32
        %parallel_loop3A_363 = vector.broadcast %parallel_loop3A_362 : i32 to vector<16xi32>
        %parallel_loop3A_364 = arith.addi %parallel_loop3A_181, %parallel_loop3A_363 : vector<16xi32>
        %parallel_loop3A_365 = tpu.vector_load_idx %arg5[%parallel_loop3A_364] : memref<8192xf32, #tpu.memory_space<vmem>>[vector<16xi32>], vector<16xf32>,
        %parallel_loop3A_366 = arith.constant 16 : i32
        %parallel_loop3A_367 = arith.muli %parallel_loop3A_175, %parallel_loop3A_366 : i32
        %parallel_loop3A_368 = arith.constant 18 : i32
        %parallel_loop3A_369 = arith.index_cast %parallel_loop3A_368 : i32 to index
        %parallel_loop3A_370 = arith.index_cast %parallel_loop3A_367 : i32 to index
        %parallel_loop3A_371 = tpu.vector_load %arg7[%parallel_loop3A_369, %parallel_loop3A_370] {strides = array<i32>} : memref<64x512xf32, #tpu.memory_space<vmem>>, vector<16xf32>,
        tpu.vector_store %arg7[%parallel_loop3A_369, %parallel_loop3A_370], %parallel_loop3A_365 {strides = array<i32>} : memref<64x512xf32, #tpu.memory_space<vmem>>, vector<16xf32>,
        %parallel_loop3A_372 = arith.constant 2432 : i32
        %parallel_loop3A_373 = vector.broadcast %parallel_loop3A_372 : i32 to vector<16xi32>
        %parallel_loop3A_374 = arith.addi %parallel_loop3A_181, %parallel_loop3A_373 : vector<16xi32>
        %parallel_loop3A_375 = tpu.vector_load_idx %arg5[%parallel_loop3A_374] : memref<8192xf32, #tpu.memory_space<vmem>>[vector<16xi32>], vector<16xf32>,
        %parallel_loop3A_376 = arith.constant 16 : i32
        %parallel_loop3A_377 = arith.muli %parallel_loop3A_175, %parallel_loop3A_376 : i32
        %parallel_loop3A_378 = arith.constant 19 : i32
        %parallel_loop3A_379 = arith.index_cast %parallel_loop3A_378 : i32 to index
        %parallel_loop3A_380 = arith.index_cast %parallel_loop3A_377 : i32 to index
        %parallel_loop3A_381 = tpu.vector_load %arg7[%parallel_loop3A_379, %parallel_loop3A_380] {strides = array<i32>} : memref<64x512xf32, #tpu.memory_space<vmem>>, vector<16xf32>,
        tpu.vector_store %arg7[%parallel_loop3A_379, %parallel_loop3A_380], %parallel_loop3A_375 {strides = array<i32>} : memref<64x512xf32, #tpu.memory_space<vmem>>, vector<16xf32>,
        %parallel_loop3A_382 = arith.constant 2560 : i32
        %parallel_loop3A_383 = vector.broadcast %parallel_loop3A_382 : i32 to vector<16xi32>
        %parallel_loop3A_384 = arith.addi %parallel_loop3A_181, %parallel_loop3A_383 : vector<16xi32>
        %parallel_loop3A_385 = tpu.vector_load_idx %arg5[%parallel_loop3A_384] : memref<8192xf32, #tpu.memory_space<vmem>>[vector<16xi32>], vector<16xf32>,
        %parallel_loop3A_386 = arith.constant 16 : i32
        %parallel_loop3A_387 = arith.muli %parallel_loop3A_175, %parallel_loop3A_386 : i32
        %parallel_loop3A_388 = arith.constant 20 : i32
        %parallel_loop3A_389 = arith.index_cast %parallel_loop3A_388 : i32 to index
        %parallel_loop3A_390 = arith.index_cast %parallel_loop3A_387 : i32 to index
        %parallel_loop3A_391 = tpu.vector_load %arg7[%parallel_loop3A_389, %parallel_loop3A_390] {strides = array<i32>} : memref<64x512xf32, #tpu.memory_space<vmem>>, vector<16xf32>,
        tpu.vector_store %arg7[%parallel_loop3A_389, %parallel_loop3A_390], %parallel_loop3A_385 {strides = array<i32>} : memref<64x512xf32, #tpu.memory_space<vmem>>, vector<16xf32>,
        %parallel_loop3A_392 = arith.constant 2688 : i32
        %parallel_loop3A_393 = vector.broadcast %parallel_loop3A_392 : i32 to vector<16xi32>
        %parallel_loop3A_394 = arith.addi %parallel_loop3A_181, %parallel_loop3A_393 : vector<16xi32>
        %parallel_loop3A_395 = tpu.vector_load_idx %arg5[%parallel_loop3A_394] : memref<8192xf32, #tpu.memory_space<vmem>>[vector<16xi32>], vector<16xf32>,
        %parallel_loop3A_396 = arith.constant 16 : i32
        %parallel_loop3A_397 = arith.muli %parallel_loop3A_175, %parallel_loop3A_396 : i32
        %parallel_loop3A_398 = arith.constant 21 : i32
        %parallel_loop3A_399 = arith.index_cast %parallel_loop3A_398 : i32 to index
        %parallel_loop3A_400 = arith.index_cast %parallel_loop3A_397 : i32 to index
        %parallel_loop3A_401 = tpu.vector_load %arg7[%parallel_loop3A_399, %parallel_loop3A_400] {strides = array<i32>} : memref<64x512xf32, #tpu.memory_space<vmem>>, vector<16xf32>,
        tpu.vector_store %arg7[%parallel_loop3A_399, %parallel_loop3A_400], %parallel_loop3A_395 {strides = array<i32>} : memref<64x512xf32, #tpu.memory_space<vmem>>, vector<16xf32>,
        %parallel_loop3A_402 = arith.constant 2816 : i32
        %parallel_loop3A_403 = vector.broadcast %parallel_loop3A_402 : i32 to vector<16xi32>
        %parallel_loop3A_404 = arith.addi %parallel_loop3A_181, %parallel_loop3A_403 : vector<16xi32>
        %parallel_loop3A_405 = tpu.vector_load_idx %arg5[%parallel_loop3A_404] : memref<8192xf32, #tpu.memory_space<vmem>>[vector<16xi32>], vector<16xf32>,
        %parallel_loop3A_406 = arith.constant 16 : i32
        %parallel_loop3A_407 = arith.muli %parallel_loop3A_175, %parallel_loop3A_406 : i32
        %parallel_loop3A_408 = arith.constant 22 : i32
        %parallel_loop3A_409 = arith.index_cast %parallel_loop3A_408 : i32 to index
        %parallel_loop3A_410 = arith.index_cast %parallel_loop3A_407 : i32 to index
        %parallel_loop3A_411 = tpu.vector_load %arg7[%parallel_loop3A_409, %parallel_loop3A_410] {strides = array<i32>} : memref<64x512xf32, #tpu.memory_space<vmem>>, vector<16xf32>,
        tpu.vector_store %arg7[%parallel_loop3A_409, %parallel_loop3A_410], %parallel_loop3A_405 {strides = array<i32>} : memref<64x512xf32, #tpu.memory_space<vmem>>, vector<16xf32>,
        %parallel_loop3A_412 = arith.constant 2944 : i32
        %parallel_loop3A_413 = vector.broadcast %parallel_loop3A_412 : i32 to vector<16xi32>
        %parallel_loop3A_414 = arith.addi %parallel_loop3A_181, %parallel_loop3A_413 : vector<16xi32>
        %parallel_loop3A_415 = tpu.vector_load_idx %arg5[%parallel_loop3A_414] : memref<8192xf32, #tpu.memory_space<vmem>>[vector<16xi32>], vector<16xf32>,
        %parallel_loop3A_416 = arith.constant 16 : i32
        %parallel_loop3A_417 = arith.muli %parallel_loop3A_175, %parallel_loop3A_416 : i32
        %parallel_loop3A_418 = arith.constant 23 : i32
        %parallel_loop3A_419 = arith.index_cast %parallel_loop3A_418 : i32 to index
        %parallel_loop3A_420 = arith.index_cast %parallel_loop3A_417 : i32 to index
        %parallel_loop3A_421 = tpu.vector_load %arg7[%parallel_loop3A_419, %parallel_loop3A_420] {strides = array<i32>} : memref<64x512xf32, #tpu.memory_space<vmem>>, vector<16xf32>,
        tpu.vector_store %arg7[%parallel_loop3A_419, %parallel_loop3A_420], %parallel_loop3A_415 {strides = array<i32>} : memref<64x512xf32, #tpu.memory_space<vmem>>, vector<16xf32>,
        %parallel_loop3A_422 = arith.constant 3072 : i32
        %parallel_loop3A_423 = vector.broadcast %parallel_loop3A_422 : i32 to vector<16xi32>
        %parallel_loop3A_424 = arith.addi %parallel_loop3A_181, %parallel_loop3A_423 : vector<16xi32>
        %parallel_loop3A_425 = tpu.vector_load_idx %arg5[%parallel_loop3A_424] : memref<8192xf32, #tpu.memory_space<vmem>>[vector<16xi32>], vector<16xf32>,
        %parallel_loop3A_426 = arith.constant 16 : i32
        %parallel_loop3A_427 = arith.muli %parallel_loop3A_175, %parallel_loop3A_426 : i32
        %parallel_loop3A_428 = arith.constant 24 : i32
        %parallel_loop3A_429 = arith.index_cast %parallel_loop3A_428 : i32 to index
        %parallel_loop3A_430 = arith.index_cast %parallel_loop3A_427 : i32 to index
        %parallel_loop3A_431 = tpu.vector_load %arg7[%parallel_loop3A_429, %parallel_loop3A_430] {strides = array<i32>} : memref<64x512xf32, #tpu.memory_space<vmem>>, vector<16xf32>,
        tpu.vector_store %arg7[%parallel_loop3A_429, %parallel_loop3A_430], %parallel_loop3A_425 {strides = array<i32>} : memref<64x512xf32, #tpu.memory_space<vmem>>, vector<16xf32>,
        %parallel_loop3A_432 = arith.constant 3200 : i32
        %parallel_loop3A_433 = vector.broadcast %parallel_loop3A_432 : i32 to vector<16xi32>
        %parallel_loop3A_434 = arith.addi %parallel_loop3A_181, %parallel_loop3A_433 : vector<16xi32>
        %parallel_loop3A_435 = tpu.vector_load_idx %arg5[%parallel_loop3A_434] : memref<8192xf32, #tpu.memory_space<vmem>>[vector<16xi32>], vector<16xf32>,
        %parallel_loop3A_436 = arith.constant 16 : i32
        %parallel_loop3A_437 = arith.muli %parallel_loop3A_175, %parallel_loop3A_436 : i32
        %parallel_loop3A_438 = arith.constant 25 : i32
        %parallel_loop3A_439 = arith.index_cast %parallel_loop3A_438 : i32 to index
        %parallel_loop3A_440 = arith.index_cast %parallel_loop3A_437 : i32 to index
        %parallel_loop3A_441 = tpu.vector_load %arg7[%parallel_loop3A_439, %parallel_loop3A_440] {strides = array<i32>} : memref<64x512xf32, #tpu.memory_space<vmem>>, vector<16xf32>,
        tpu.vector_store %arg7[%parallel_loop3A_439, %parallel_loop3A_440], %parallel_loop3A_435 {strides = array<i32>} : memref<64x512xf32, #tpu.memory_space<vmem>>, vector<16xf32>,
        %parallel_loop3A_442 = arith.constant 3328 : i32
        %parallel_loop3A_443 = vector.broadcast %parallel_loop3A_442 : i32 to vector<16xi32>
        %parallel_loop3A_444 = arith.addi %parallel_loop3A_181, %parallel_loop3A_443 : vector<16xi32>
        %parallel_loop3A_445 = tpu.vector_load_idx %arg5[%parallel_loop3A_444] : memref<8192xf32, #tpu.memory_space<vmem>>[vector<16xi32>], vector<16xf32>,
        %parallel_loop3A_446 = arith.constant 16 : i32
        %parallel_loop3A_447 = arith.muli %parallel_loop3A_175, %parallel_loop3A_446 : i32
        %parallel_loop3A_448 = arith.constant 26 : i32
        %parallel_loop3A_449 = arith.index_cast %parallel_loop3A_448 : i32 to index
        %parallel_loop3A_450 = arith.index_cast %parallel_loop3A_447 : i32 to index
        %parallel_loop3A_451 = tpu.vector_load %arg7[%parallel_loop3A_449, %parallel_loop3A_450] {strides = array<i32>} : memref<64x512xf32, #tpu.memory_space<vmem>>, vector<16xf32>,
        tpu.vector_store %arg7[%parallel_loop3A_449, %parallel_loop3A_450], %parallel_loop3A_445 {strides = array<i32>} : memref<64x512xf32, #tpu.memory_space<vmem>>, vector<16xf32>,
        %parallel_loop3A_452 = arith.constant 3456 : i32
        %parallel_loop3A_453 = vector.broadcast %parallel_loop3A_452 : i32 to vector<16xi32>
        %parallel_loop3A_454 = arith.addi %parallel_loop3A_181, %parallel_loop3A_453 : vector<16xi32>
        %parallel_loop3A_455 = tpu.vector_load_idx %arg5[%parallel_loop3A_454] : memref<8192xf32, #tpu.memory_space<vmem>>[vector<16xi32>], vector<16xf32>,
        %parallel_loop3A_456 = arith.constant 16 : i32
        %parallel_loop3A_457 = arith.muli %parallel_loop3A_175, %parallel_loop3A_456 : i32
        %parallel_loop3A_458 = arith.constant 27 : i32
        %parallel_loop3A_459 = arith.index_cast %parallel_loop3A_458 : i32 to index
        %parallel_loop3A_460 = arith.index_cast %parallel_loop3A_457 : i32 to index
        %parallel_loop3A_461 = tpu.vector_load %arg7[%parallel_loop3A_459, %parallel_loop3A_460] {strides = array<i32>} : memref<64x512xf32, #tpu.memory_space<vmem>>, vector<16xf32>,
        tpu.vector_store %arg7[%parallel_loop3A_459, %parallel_loop3A_460], %parallel_loop3A_455 {strides = array<i32>} : memref<64x512xf32, #tpu.memory_space<vmem>>, vector<16xf32>,
        %parallel_loop3A_462 = arith.constant 3584 : i32
        %parallel_loop3A_463 = vector.broadcast %parallel_loop3A_462 : i32 to vector<16xi32>
        %parallel_loop3A_464 = arith.addi %parallel_loop3A_181, %parallel_loop3A_463 : vector<16xi32>
        %parallel_loop3A_465 = tpu.vector_load_idx %arg5[%parallel_loop3A_464] : memref<8192xf32, #tpu.memory_space<vmem>>[vector<16xi32>], vector<16xf32>,
        %parallel_loop3A_466 = arith.constant 16 : i32
        %parallel_loop3A_467 = arith.muli %parallel_loop3A_175, %parallel_loop3A_466 : i32
        %parallel_loop3A_468 = arith.constant 28 : i32
        %parallel_loop3A_469 = arith.index_cast %parallel_loop3A_468 : i32 to index
        %parallel_loop3A_470 = arith.index_cast %parallel_loop3A_467 : i32 to index
        %parallel_loop3A_471 = tpu.vector_load %arg7[%parallel_loop3A_469, %parallel_loop3A_470] {strides = array<i32>} : memref<64x512xf32, #tpu.memory_space<vmem>>, vector<16xf32>,
        tpu.vector_store %arg7[%parallel_loop3A_469, %parallel_loop3A_470], %parallel_loop3A_465 {strides = array<i32>} : memref<64x512xf32, #tpu.memory_space<vmem>>, vector<16xf32>,
        %parallel_loop3A_472 = arith.constant 3712 : i32
        %parallel_loop3A_473 = vector.broadcast %parallel_loop3A_472 : i32 to vector<16xi32>
        %parallel_loop3A_474 = arith.addi %parallel_loop3A_181, %parallel_loop3A_473 : vector<16xi32>
        %parallel_loop3A_475 = tpu.vector_load_idx %arg5[%parallel_loop3A_474] : memref<8192xf32, #tpu.memory_space<vmem>>[vector<16xi32>], vector<16xf32>,
        %parallel_loop3A_476 = arith.constant 16 : i32
        %parallel_loop3A_477 = arith.muli %parallel_loop3A_175, %parallel_loop3A_476 : i32
        %parallel_loop3A_478 = arith.constant 29 : i32
        %parallel_loop3A_479 = arith.index_cast %parallel_loop3A_478 : i32 to index
        %parallel_loop3A_480 = arith.index_cast %parallel_loop3A_477 : i32 to index
        %parallel_loop3A_481 = tpu.vector_load %arg7[%parallel_loop3A_479, %parallel_loop3A_480] {strides = array<i32>} : memref<64x512xf32, #tpu.memory_space<vmem>>, vector<16xf32>,
        tpu.vector_store %arg7[%parallel_loop3A_479, %parallel_loop3A_480], %parallel_loop3A_475 {strides = array<i32>} : memref<64x512xf32, #tpu.memory_space<vmem>>, vector<16xf32>,
        %parallel_loop3A_482 = arith.constant 3840 : i32
        %parallel_loop3A_483 = vector.broadcast %parallel_loop3A_482 : i32 to vector<16xi32>
        %parallel_loop3A_484 = arith.addi %parallel_loop3A_181, %parallel_loop3A_483 : vector<16xi32>
        %parallel_loop3A_485 = tpu.vector_load_idx %arg5[%parallel_loop3A_484] : memref<8192xf32, #tpu.memory_space<vmem>>[vector<16xi32>], vector<16xf32>,
        %parallel_loop3A_486 = arith.constant 16 : i32
        %parallel_loop3A_487 = arith.muli %parallel_loop3A_175, %parallel_loop3A_486 : i32
        %parallel_loop3A_488 = arith.constant 30 : i32
        %parallel_loop3A_489 = arith.index_cast %parallel_loop3A_488 : i32 to index
        %parallel_loop3A_490 = arith.index_cast %parallel_loop3A_487 : i32 to index
        %parallel_loop3A_491 = tpu.vector_load %arg7[%parallel_loop3A_489, %parallel_loop3A_490] {strides = array<i32>} : memref<64x512xf32, #tpu.memory_space<vmem>>, vector<16xf32>,
        tpu.vector_store %arg7[%parallel_loop3A_489, %parallel_loop3A_490], %parallel_loop3A_485 {strides = array<i32>} : memref<64x512xf32, #tpu.memory_space<vmem>>, vector<16xf32>,
        %parallel_loop3A_492 = arith.constant 3968 : i32
        %parallel_loop3A_493 = vector.broadcast %parallel_loop3A_492 : i32 to vector<16xi32>
        %parallel_loop3A_494 = arith.addi %parallel_loop3A_181, %parallel_loop3A_493 : vector<16xi32>
        %parallel_loop3A_495 = tpu.vector_load_idx %arg5[%parallel_loop3A_494] : memref<8192xf32, #tpu.memory_space<vmem>>[vector<16xi32>], vector<16xf32>,
        %parallel_loop3A_496 = arith.constant 16 : i32
        %parallel_loop3A_497 = arith.muli %parallel_loop3A_175, %parallel_loop3A_496 : i32
        %parallel_loop3A_498 = arith.constant 31 : i32
        %parallel_loop3A_499 = arith.index_cast %parallel_loop3A_498 : i32 to index
        %parallel_loop3A_500 = arith.index_cast %parallel_loop3A_497 : i32 to index
        %parallel_loop3A_501 = tpu.vector_load %arg7[%parallel_loop3A_499, %parallel_loop3A_500] {strides = array<i32>} : memref<64x512xf32, #tpu.memory_space<vmem>>, vector<16xf32>,
        tpu.vector_store %arg7[%parallel_loop3A_499, %parallel_loop3A_500], %parallel_loop3A_495 {strides = array<i32>} : memref<64x512xf32, #tpu.memory_space<vmem>>, vector<16xf32>,
        %parallel_loop3A_502 = arith.constant 4096 : i32
        %parallel_loop3A_503 = vector.broadcast %parallel_loop3A_502 : i32 to vector<16xi32>
        %parallel_loop3A_504 = arith.addi %parallel_loop3A_181, %parallel_loop3A_503 : vector<16xi32>
        %parallel_loop3A_505 = tpu.vector_load_idx %arg5[%parallel_loop3A_504] : memref<8192xf32, #tpu.memory_space<vmem>>[vector<16xi32>], vector<16xf32>,
        %parallel_loop3A_506 = arith.constant 16 : i32
        %parallel_loop3A_507 = arith.muli %parallel_loop3A_175, %parallel_loop3A_506 : i32
        %parallel_loop3A_508 = arith.constant 32 : i32
        %parallel_loop3A_509 = arith.index_cast %parallel_loop3A_508 : i32 to index
        %parallel_loop3A_510 = arith.index_cast %parallel_loop3A_507 : i32 to index
        %parallel_loop3A_511 = tpu.vector_load %arg7[%parallel_loop3A_509, %parallel_loop3A_510] {strides = array<i32>} : memref<64x512xf32, #tpu.memory_space<vmem>>, vector<16xf32>,
        tpu.vector_store %arg7[%parallel_loop3A_509, %parallel_loop3A_510], %parallel_loop3A_505 {strides = array<i32>} : memref<64x512xf32, #tpu.memory_space<vmem>>, vector<16xf32>,
        %parallel_loop3A_512 = arith.constant 4224 : i32
        %parallel_loop3A_513 = vector.broadcast %parallel_loop3A_512 : i32 to vector<16xi32>
        %parallel_loop3A_514 = arith.addi %parallel_loop3A_181, %parallel_loop3A_513 : vector<16xi32>
        %parallel_loop3A_515 = tpu.vector_load_idx %arg5[%parallel_loop3A_514] : memref<8192xf32, #tpu.memory_space<vmem>>[vector<16xi32>], vector<16xf32>,
        %parallel_loop3A_516 = arith.constant 16 : i32
        %parallel_loop3A_517 = arith.muli %parallel_loop3A_175, %parallel_loop3A_516 : i32
        %parallel_loop3A_518 = arith.constant 33 : i32
        %parallel_loop3A_519 = arith.index_cast %parallel_loop3A_518 : i32 to index
        %parallel_loop3A_520 = arith.index_cast %parallel_loop3A_517 : i32 to index
        %parallel_loop3A_521 = tpu.vector_load %arg7[%parallel_loop3A_519, %parallel_loop3A_520] {strides = array<i32>} : memref<64x512xf32, #tpu.memory_space<vmem>>, vector<16xf32>,
        tpu.vector_store %arg7[%parallel_loop3A_519, %parallel_loop3A_520], %parallel_loop3A_515 {strides = array<i32>} : memref<64x512xf32, #tpu.memory_space<vmem>>, vector<16xf32>,
        %parallel_loop3A_522 = arith.constant 4352 : i32
        %parallel_loop3A_523 = vector.broadcast %parallel_loop3A_522 : i32 to vector<16xi32>
        %parallel_loop3A_524 = arith.addi %parallel_loop3A_181, %parallel_loop3A_523 : vector<16xi32>
        %parallel_loop3A_525 = tpu.vector_load_idx %arg5[%parallel_loop3A_524] : memref<8192xf32, #tpu.memory_space<vmem>>[vector<16xi32>], vector<16xf32>,
        %parallel_loop3A_526 = arith.constant 16 : i32
        %parallel_loop3A_527 = arith.muli %parallel_loop3A_175, %parallel_loop3A_526 : i32
        %parallel_loop3A_528 = arith.constant 34 : i32
        %parallel_loop3A_529 = arith.index_cast %parallel_loop3A_528 : i32 to index
        %parallel_loop3A_530 = arith.index_cast %parallel_loop3A_527 : i32 to index
        %parallel_loop3A_531 = tpu.vector_load %arg7[%parallel_loop3A_529, %parallel_loop3A_530] {strides = array<i32>} : memref<64x512xf32, #tpu.memory_space<vmem>>, vector<16xf32>,
        tpu.vector_store %arg7[%parallel_loop3A_529, %parallel_loop3A_530], %parallel_loop3A_525 {strides = array<i32>} : memref<64x512xf32, #tpu.memory_space<vmem>>, vector<16xf32>,
        %parallel_loop3A_532 = arith.constant 4480 : i32
        %parallel_loop3A_533 = vector.broadcast %parallel_loop3A_532 : i32 to vector<16xi32>
        %parallel_loop3A_534 = arith.addi %parallel_loop3A_181, %parallel_loop3A_533 : vector<16xi32>
        %parallel_loop3A_535 = tpu.vector_load_idx %arg5[%parallel_loop3A_534] : memref<8192xf32, #tpu.memory_space<vmem>>[vector<16xi32>], vector<16xf32>,
        %parallel_loop3A_536 = arith.constant 16 : i32
        %parallel_loop3A_537 = arith.muli %parallel_loop3A_175, %parallel_loop3A_536 : i32
        %parallel_loop3A_538 = arith.constant 35 : i32
        %parallel_loop3A_539 = arith.index_cast %parallel_loop3A_538 : i32 to index
        %parallel_loop3A_540 = arith.index_cast %parallel_loop3A_537 : i32 to index
        %parallel_loop3A_541 = tpu.vector_load %arg7[%parallel_loop3A_539, %parallel_loop3A_540] {strides = array<i32>} : memref<64x512xf32, #tpu.memory_space<vmem>>, vector<16xf32>,
        tpu.vector_store %arg7[%parallel_loop3A_539, %parallel_loop3A_540], %parallel_loop3A_535 {strides = array<i32>} : memref<64x512xf32, #tpu.memory_space<vmem>>, vector<16xf32>,
        %parallel_loop3A_542 = arith.constant 4608 : i32
        %parallel_loop3A_543 = vector.broadcast %parallel_loop3A_542 : i32 to vector<16xi32>
        %parallel_loop3A_544 = arith.addi %parallel_loop3A_181, %parallel_loop3A_543 : vector<16xi32>
        %parallel_loop3A_545 = tpu.vector_load_idx %arg5[%parallel_loop3A_544] : memref<8192xf32, #tpu.memory_space<vmem>>[vector<16xi32>], vector<16xf32>,
        %parallel_loop3A_546 = arith.constant 16 : i32
        %parallel_loop3A_547 = arith.muli %parallel_loop3A_175, %parallel_loop3A_546 : i32
        %parallel_loop3A_548 = arith.constant 36 : i32
        %parallel_loop3A_549 = arith.index_cast %parallel_loop3A_548 : i32 to index
        %parallel_loop3A_550 = arith.index_cast %parallel_loop3A_547 : i32 to index
        %parallel_loop3A_551 = tpu.vector_load %arg7[%parallel_loop3A_549, %parallel_loop3A_550] {strides = array<i32>} : memref<64x512xf32, #tpu.memory_space<vmem>>, vector<16xf32>,
        tpu.vector_store %arg7[%parallel_loop3A_549, %parallel_loop3A_550], %parallel_loop3A_545 {strides = array<i32>} : memref<64x512xf32, #tpu.memory_space<vmem>>, vector<16xf32>,
        %parallel_loop3A_552 = arith.constant 4736 : i32
        %parallel_loop3A_553 = vector.broadcast %parallel_loop3A_552 : i32 to vector<16xi32>
        %parallel_loop3A_554 = arith.addi %parallel_loop3A_181, %parallel_loop3A_553 : vector<16xi32>
        %parallel_loop3A_555 = tpu.vector_load_idx %arg5[%parallel_loop3A_554] : memref<8192xf32, #tpu.memory_space<vmem>>[vector<16xi32>], vector<16xf32>,
        %parallel_loop3A_556 = arith.constant 16 : i32
        %parallel_loop3A_557 = arith.muli %parallel_loop3A_175, %parallel_loop3A_556 : i32
        %parallel_loop3A_558 = arith.constant 37 : i32
        %parallel_loop3A_559 = arith.index_cast %parallel_loop3A_558 : i32 to index
        %parallel_loop3A_560 = arith.index_cast %parallel_loop3A_557 : i32 to index
        %parallel_loop3A_561 = tpu.vector_load %arg7[%parallel_loop3A_559, %parallel_loop3A_560] {strides = array<i32>} : memref<64x512xf32, #tpu.memory_space<vmem>>, vector<16xf32>,
        tpu.vector_store %arg7[%parallel_loop3A_559, %parallel_loop3A_560], %parallel_loop3A_555 {strides = array<i32>} : memref<64x512xf32, #tpu.memory_space<vmem>>, vector<16xf32>,
        %parallel_loop3A_562 = arith.constant 4864 : i32
        %parallel_loop3A_563 = vector.broadcast %parallel_loop3A_562 : i32 to vector<16xi32>
        %parallel_loop3A_564 = arith.addi %parallel_loop3A_181, %parallel_loop3A_563 : vector<16xi32>
        %parallel_loop3A_565 = tpu.vector_load_idx %arg5[%parallel_loop3A_564] : memref<8192xf32, #tpu.memory_space<vmem>>[vector<16xi32>], vector<16xf32>,
        %parallel_loop3A_566 = arith.constant 16 : i32
        %parallel_loop3A_567 = arith.muli %parallel_loop3A_175, %parallel_loop3A_566 : i32
        %parallel_loop3A_568 = arith.constant 38 : i32
        %parallel_loop3A_569 = arith.index_cast %parallel_loop3A_568 : i32 to index
        %parallel_loop3A_570 = arith.index_cast %parallel_loop3A_567 : i32 to index
        %parallel_loop3A_571 = tpu.vector_load %arg7[%parallel_loop3A_569, %parallel_loop3A_570] {strides = array<i32>} : memref<64x512xf32, #tpu.memory_space<vmem>>, vector<16xf32>,
        tpu.vector_store %arg7[%parallel_loop3A_569, %parallel_loop3A_570], %parallel_loop3A_565 {strides = array<i32>} : memref<64x512xf32, #tpu.memory_space<vmem>>, vector<16xf32>,
        %parallel_loop3A_572 = arith.constant 4992 : i32
        %parallel_loop3A_573 = vector.broadcast %parallel_loop3A_572 : i32 to vector<16xi32>
        %parallel_loop3A_574 = arith.addi %parallel_loop3A_181, %parallel_loop3A_573 : vector<16xi32>
        %parallel_loop3A_575 = tpu.vector_load_idx %arg5[%parallel_loop3A_574] : memref<8192xf32, #tpu.memory_space<vmem>>[vector<16xi32>], vector<16xf32>,
        %parallel_loop3A_576 = arith.constant 16 : i32
        %parallel_loop3A_577 = arith.muli %parallel_loop3A_175, %parallel_loop3A_576 : i32
        %parallel_loop3A_578 = arith.constant 39 : i32
        %parallel_loop3A_579 = arith.index_cast %parallel_loop3A_578 : i32 to index
        %parallel_loop3A_580 = arith.index_cast %parallel_loop3A_577 : i32 to index
        %parallel_loop3A_581 = tpu.vector_load %arg7[%parallel_loop3A_579, %parallel_loop3A_580] {strides = array<i32>} : memref<64x512xf32, #tpu.memory_space<vmem>>, vector<16xf32>,
        tpu.vector_store %arg7[%parallel_loop3A_579, %parallel_loop3A_580], %parallel_loop3A_575 {strides = array<i32>} : memref<64x512xf32, #tpu.memory_space<vmem>>, vector<16xf32>,
        %parallel_loop3A_582 = arith.constant 5120 : i32
        %parallel_loop3A_583 = vector.broadcast %parallel_loop3A_582 : i32 to vector<16xi32>
        %parallel_loop3A_584 = arith.addi %parallel_loop3A_181, %parallel_loop3A_583 : vector<16xi32>
        %parallel_loop3A_585 = tpu.vector_load_idx %arg5[%parallel_loop3A_584] : memref<8192xf32, #tpu.memory_space<vmem>>[vector<16xi32>], vector<16xf32>,
        %parallel_loop3A_586 = arith.constant 16 : i32
        %parallel_loop3A_587 = arith.muli %parallel_loop3A_175, %parallel_loop3A_586 : i32
        %parallel_loop3A_588 = arith.constant 40 : i32
        %parallel_loop3A_589 = arith.index_cast %parallel_loop3A_588 : i32 to index
        %parallel_loop3A_590 = arith.index_cast %parallel_loop3A_587 : i32 to index
        %parallel_loop3A_591 = tpu.vector_load %arg7[%parallel_loop3A_589, %parallel_loop3A_590] {strides = array<i32>} : memref<64x512xf32, #tpu.memory_space<vmem>>, vector<16xf32>,
        tpu.vector_store %arg7[%parallel_loop3A_589, %parallel_loop3A_590], %parallel_loop3A_585 {strides = array<i32>} : memref<64x512xf32, #tpu.memory_space<vmem>>, vector<16xf32>,
        %parallel_loop3A_592 = arith.constant 5248 : i32
        %parallel_loop3A_593 = vector.broadcast %parallel_loop3A_592 : i32 to vector<16xi32>
        %parallel_loop3A_594 = arith.addi %parallel_loop3A_181, %parallel_loop3A_593 : vector<16xi32>
        %parallel_loop3A_595 = tpu.vector_load_idx %arg5[%parallel_loop3A_594] : memref<8192xf32, #tpu.memory_space<vmem>>[vector<16xi32>], vector<16xf32>,
        %parallel_loop3A_596 = arith.constant 16 : i32
        %parallel_loop3A_597 = arith.muli %parallel_loop3A_175, %parallel_loop3A_596 : i32
        %parallel_loop3A_598 = arith.constant 41 : i32
        %parallel_loop3A_599 = arith.index_cast %parallel_loop3A_598 : i32 to index
        %parallel_loop3A_600 = arith.index_cast %parallel_loop3A_597 : i32 to index
        %parallel_loop3A_601 = tpu.vector_load %arg7[%parallel_loop3A_599, %parallel_loop3A_600] {strides = array<i32>} : memref<64x512xf32, #tpu.memory_space<vmem>>, vector<16xf32>,
        tpu.vector_store %arg7[%parallel_loop3A_599, %parallel_loop3A_600], %parallel_loop3A_595 {strides = array<i32>} : memref<64x512xf32, #tpu.memory_space<vmem>>, vector<16xf32>,
        %parallel_loop3A_602 = arith.constant 5376 : i32
        %parallel_loop3A_603 = vector.broadcast %parallel_loop3A_602 : i32 to vector<16xi32>
        %parallel_loop3A_604 = arith.addi %parallel_loop3A_181, %parallel_loop3A_603 : vector<16xi32>
        %parallel_loop3A_605 = tpu.vector_load_idx %arg5[%parallel_loop3A_604] : memref<8192xf32, #tpu.memory_space<vmem>>[vector<16xi32>], vector<16xf32>,
        %parallel_loop3A_606 = arith.constant 16 : i32
        %parallel_loop3A_607 = arith.muli %parallel_loop3A_175, %parallel_loop3A_606 : i32
        %parallel_loop3A_608 = arith.constant 42 : i32
        %parallel_loop3A_609 = arith.index_cast %parallel_loop3A_608 : i32 to index
        %parallel_loop3A_610 = arith.index_cast %parallel_loop3A_607 : i32 to index
        %parallel_loop3A_611 = tpu.vector_load %arg7[%parallel_loop3A_609, %parallel_loop3A_610] {strides = array<i32>} : memref<64x512xf32, #tpu.memory_space<vmem>>, vector<16xf32>,
        tpu.vector_store %arg7[%parallel_loop3A_609, %parallel_loop3A_610], %parallel_loop3A_605 {strides = array<i32>} : memref<64x512xf32, #tpu.memory_space<vmem>>, vector<16xf32>,
        %parallel_loop3A_612 = arith.constant 5504 : i32
        %parallel_loop3A_613 = vector.broadcast %parallel_loop3A_612 : i32 to vector<16xi32>
        %parallel_loop3A_614 = arith.addi %parallel_loop3A_181, %parallel_loop3A_613 : vector<16xi32>
        %parallel_loop3A_615 = tpu.vector_load_idx %arg5[%parallel_loop3A_614] : memref<8192xf32, #tpu.memory_space<vmem>>[vector<16xi32>], vector<16xf32>,
        %parallel_loop3A_616 = arith.constant 16 : i32
        %parallel_loop3A_617 = arith.muli %parallel_loop3A_175, %parallel_loop3A_616 : i32
        %parallel_loop3A_618 = arith.constant 43 : i32
        %parallel_loop3A_619 = arith.index_cast %parallel_loop3A_618 : i32 to index
        %parallel_loop3A_620 = arith.index_cast %parallel_loop3A_617 : i32 to index
        %parallel_loop3A_621 = tpu.vector_load %arg7[%parallel_loop3A_619, %parallel_loop3A_620] {strides = array<i32>} : memref<64x512xf32, #tpu.memory_space<vmem>>, vector<16xf32>,
        tpu.vector_store %arg7[%parallel_loop3A_619, %parallel_loop3A_620], %parallel_loop3A_615 {strides = array<i32>} : memref<64x512xf32, #tpu.memory_space<vmem>>, vector<16xf32>,
        %parallel_loop3A_622 = arith.constant 5632 : i32
        %parallel_loop3A_623 = vector.broadcast %parallel_loop3A_622 : i32 to vector<16xi32>
        %parallel_loop3A_624 = arith.addi %parallel_loop3A_181, %parallel_loop3A_623 : vector<16xi32>
        %parallel_loop3A_625 = tpu.vector_load_idx %arg5[%parallel_loop3A_624] : memref<8192xf32, #tpu.memory_space<vmem>>[vector<16xi32>], vector<16xf32>,
        %parallel_loop3A_626 = arith.constant 16 : i32
        %parallel_loop3A_627 = arith.muli %parallel_loop3A_175, %parallel_loop3A_626 : i32
        %parallel_loop3A_628 = arith.constant 44 : i32
        %parallel_loop3A_629 = arith.index_cast %parallel_loop3A_628 : i32 to index
        %parallel_loop3A_630 = arith.index_cast %parallel_loop3A_627 : i32 to index
        %parallel_loop3A_631 = tpu.vector_load %arg7[%parallel_loop3A_629, %parallel_loop3A_630] {strides = array<i32>} : memref<64x512xf32, #tpu.memory_space<vmem>>, vector<16xf32>,
        tpu.vector_store %arg7[%parallel_loop3A_629, %parallel_loop3A_630], %parallel_loop3A_625 {strides = array<i32>} : memref<64x512xf32, #tpu.memory_space<vmem>>, vector<16xf32>,
        %parallel_loop3A_632 = arith.constant 5760 : i32
        %parallel_loop3A_633 = vector.broadcast %parallel_loop3A_632 : i32 to vector<16xi32>
        %parallel_loop3A_634 = arith.addi %parallel_loop3A_181, %parallel_loop3A_633 : vector<16xi32>
        %parallel_loop3A_635 = tpu.vector_load_idx %arg5[%parallel_loop3A_634] : memref<8192xf32, #tpu.memory_space<vmem>>[vector<16xi32>], vector<16xf32>,
        %parallel_loop3A_636 = arith.constant 16 : i32
        %parallel_loop3A_637 = arith.muli %parallel_loop3A_175, %parallel_loop3A_636 : i32
        %parallel_loop3A_638 = arith.constant 45 : i32
        %parallel_loop3A_639 = arith.index_cast %parallel_loop3A_638 : i32 to index
        %parallel_loop3A_640 = arith.index_cast %parallel_loop3A_637 : i32 to index
        %parallel_loop3A_641 = tpu.vector_load %arg7[%parallel_loop3A_639, %parallel_loop3A_640] {strides = array<i32>} : memref<64x512xf32, #tpu.memory_space<vmem>>, vector<16xf32>,
        tpu.vector_store %arg7[%parallel_loop3A_639, %parallel_loop3A_640], %parallel_loop3A_635 {strides = array<i32>} : memref<64x512xf32, #tpu.memory_space<vmem>>, vector<16xf32>,
        %parallel_loop3A_642 = arith.constant 5888 : i32
        %parallel_loop3A_643 = vector.broadcast %parallel_loop3A_642 : i32 to vector<16xi32>
        %parallel_loop3A_644 = arith.addi %parallel_loop3A_181, %parallel_loop3A_643 : vector<16xi32>
        %parallel_loop3A_645 = tpu.vector_load_idx %arg5[%parallel_loop3A_644] : memref<8192xf32, #tpu.memory_space<vmem>>[vector<16xi32>], vector<16xf32>,
        %parallel_loop3A_646 = arith.constant 16 : i32
        %parallel_loop3A_647 = arith.muli %parallel_loop3A_175, %parallel_loop3A_646 : i32
        %parallel_loop3A_648 = arith.constant 46 : i32
        %parallel_loop3A_649 = arith.index_cast %parallel_loop3A_648 : i32 to index
        %parallel_loop3A_650 = arith.index_cast %parallel_loop3A_647 : i32 to index
        %parallel_loop3A_651 = tpu.vector_load %arg7[%parallel_loop3A_649, %parallel_loop3A_650] {strides = array<i32>} : memref<64x512xf32, #tpu.memory_space<vmem>>, vector<16xf32>,
        tpu.vector_store %arg7[%parallel_loop3A_649, %parallel_loop3A_650], %parallel_loop3A_645 {strides = array<i32>} : memref<64x512xf32, #tpu.memory_space<vmem>>, vector<16xf32>,
        %parallel_loop3A_652 = arith.constant 6016 : i32
        %parallel_loop3A_653 = vector.broadcast %parallel_loop3A_652 : i32 to vector<16xi32>
        %parallel_loop3A_654 = arith.addi %parallel_loop3A_181, %parallel_loop3A_653 : vector<16xi32>
        %parallel_loop3A_655 = tpu.vector_load_idx %arg5[%parallel_loop3A_654] : memref<8192xf32, #tpu.memory_space<vmem>>[vector<16xi32>], vector<16xf32>,
        %parallel_loop3A_656 = arith.constant 16 : i32
        %parallel_loop3A_657 = arith.muli %parallel_loop3A_175, %parallel_loop3A_656 : i32
        %parallel_loop3A_658 = arith.constant 47 : i32
        %parallel_loop3A_659 = arith.index_cast %parallel_loop3A_658 : i32 to index
        %parallel_loop3A_660 = arith.index_cast %parallel_loop3A_657 : i32 to index
        %parallel_loop3A_661 = tpu.vector_load %arg7[%parallel_loop3A_659, %parallel_loop3A_660] {strides = array<i32>} : memref<64x512xf32, #tpu.memory_space<vmem>>, vector<16xf32>,
        tpu.vector_store %arg7[%parallel_loop3A_659, %parallel_loop3A_660], %parallel_loop3A_655 {strides = array<i32>} : memref<64x512xf32, #tpu.memory_space<vmem>>, vector<16xf32>,
        %parallel_loop3A_662 = arith.constant 6144 : i32
        %parallel_loop3A_663 = vector.broadcast %parallel_loop3A_662 : i32 to vector<16xi32>
        %parallel_loop3A_664 = arith.addi %parallel_loop3A_181, %parallel_loop3A_663 : vector<16xi32>
        %parallel_loop3A_665 = tpu.vector_load_idx %arg5[%parallel_loop3A_664] : memref<8192xf32, #tpu.memory_space<vmem>>[vector<16xi32>], vector<16xf32>,
        %parallel_loop3A_666 = arith.constant 16 : i32
        %parallel_loop3A_667 = arith.muli %parallel_loop3A_175, %parallel_loop3A_666 : i32
        %parallel_loop3A_668 = arith.constant 48 : i32
        %parallel_loop3A_669 = arith.index_cast %parallel_loop3A_668 : i32 to index
        %parallel_loop3A_670 = arith.index_cast %parallel_loop3A_667 : i32 to index
        %parallel_loop3A_671 = tpu.vector_load %arg7[%parallel_loop3A_669, %parallel_loop3A_670] {strides = array<i32>} : memref<64x512xf32, #tpu.memory_space<vmem>>, vector<16xf32>,
        tpu.vector_store %arg7[%parallel_loop3A_669, %parallel_loop3A_670], %parallel_loop3A_665 {strides = array<i32>} : memref<64x512xf32, #tpu.memory_space<vmem>>, vector<16xf32>,
        %parallel_loop3A_672 = arith.constant 6272 : i32
        %parallel_loop3A_673 = vector.broadcast %parallel_loop3A_672 : i32 to vector<16xi32>
        %parallel_loop3A_674 = arith.addi %parallel_loop3A_181, %parallel_loop3A_673 : vector<16xi32>
        %parallel_loop3A_675 = tpu.vector_load_idx %arg5[%parallel_loop3A_674] : memref<8192xf32, #tpu.memory_space<vmem>>[vector<16xi32>], vector<16xf32>,
        %parallel_loop3A_676 = arith.constant 16 : i32
        %parallel_loop3A_677 = arith.muli %parallel_loop3A_175, %parallel_loop3A_676 : i32
        %parallel_loop3A_678 = arith.constant 49 : i32
        %parallel_loop3A_679 = arith.index_cast %parallel_loop3A_678 : i32 to index
        %parallel_loop3A_680 = arith.index_cast %parallel_loop3A_677 : i32 to index
        %parallel_loop3A_681 = tpu.vector_load %arg7[%parallel_loop3A_679, %parallel_loop3A_680] {strides = array<i32>} : memref<64x512xf32, #tpu.memory_space<vmem>>, vector<16xf32>,
        tpu.vector_store %arg7[%parallel_loop3A_679, %parallel_loop3A_680], %parallel_loop3A_675 {strides = array<i32>} : memref<64x512xf32, #tpu.memory_space<vmem>>, vector<16xf32>,
        %parallel_loop3A_682 = arith.constant 6400 : i32
        %parallel_loop3A_683 = vector.broadcast %parallel_loop3A_682 : i32 to vector<16xi32>
        %parallel_loop3A_684 = arith.addi %parallel_loop3A_181, %parallel_loop3A_683 : vector<16xi32>
        %parallel_loop3A_685 = tpu.vector_load_idx %arg5[%parallel_loop3A_684] : memref<8192xf32, #tpu.memory_space<vmem>>[vector<16xi32>], vector<16xf32>,
        %parallel_loop3A_686 = arith.constant 16 : i32
        %parallel_loop3A_687 = arith.muli %parallel_loop3A_175, %parallel_loop3A_686 : i32
        %parallel_loop3A_688 = arith.constant 50 : i32
        %parallel_loop3A_689 = arith.index_cast %parallel_loop3A_688 : i32 to index
        %parallel_loop3A_690 = arith.index_cast %parallel_loop3A_687 : i32 to index
        %parallel_loop3A_691 = tpu.vector_load %arg7[%parallel_loop3A_689, %parallel_loop3A_690] {strides = array<i32>} : memref<64x512xf32, #tpu.memory_space<vmem>>, vector<16xf32>,
        tpu.vector_store %arg7[%parallel_loop3A_689, %parallel_loop3A_690], %parallel_loop3A_685 {strides = array<i32>} : memref<64x512xf32, #tpu.memory_space<vmem>>, vector<16xf32>,
        %parallel_loop3A_692 = arith.constant 6528 : i32
        %parallel_loop3A_693 = vector.broadcast %parallel_loop3A_692 : i32 to vector<16xi32>
        %parallel_loop3A_694 = arith.addi %parallel_loop3A_181, %parallel_loop3A_693 : vector<16xi32>
        %parallel_loop3A_695 = tpu.vector_load_idx %arg5[%parallel_loop3A_694] : memref<8192xf32, #tpu.memory_space<vmem>>[vector<16xi32>], vector<16xf32>,
        %parallel_loop3A_696 = arith.constant 16 : i32
        %parallel_loop3A_697 = arith.muli %parallel_loop3A_175, %parallel_loop3A_696 : i32
        %parallel_loop3A_698 = arith.constant 51 : i32
        %parallel_loop3A_699 = arith.index_cast %parallel_loop3A_698 : i32 to index
        %parallel_loop3A_700 = arith.index_cast %parallel_loop3A_697 : i32 to index
        %parallel_loop3A_701 = tpu.vector_load %arg7[%parallel_loop3A_699, %parallel_loop3A_700] {strides = array<i32>} : memref<64x512xf32, #tpu.memory_space<vmem>>, vector<16xf32>,
        tpu.vector_store %arg7[%parallel_loop3A_699, %parallel_loop3A_700], %parallel_loop3A_695 {strides = array<i32>} : memref<64x512xf32, #tpu.memory_space<vmem>>, vector<16xf32>,
        %parallel_loop3A_702 = arith.constant 6656 : i32
        %parallel_loop3A_703 = vector.broadcast %parallel_loop3A_702 : i32 to vector<16xi32>
        %parallel_loop3A_704 = arith.addi %parallel_loop3A_181, %parallel_loop3A_703 : vector<16xi32>
        %parallel_loop3A_705 = tpu.vector_load_idx %arg5[%parallel_loop3A_704] : memref<8192xf32, #tpu.memory_space<vmem>>[vector<16xi32>], vector<16xf32>,
        %parallel_loop3A_706 = arith.constant 16 : i32
        %parallel_loop3A_707 = arith.muli %parallel_loop3A_175, %parallel_loop3A_706 : i32
        %parallel_loop3A_708 = arith.constant 52 : i32
        %parallel_loop3A_709 = arith.index_cast %parallel_loop3A_708 : i32 to index
        %parallel_loop3A_710 = arith.index_cast %parallel_loop3A_707 : i32 to index
        %parallel_loop3A_711 = tpu.vector_load %arg7[%parallel_loop3A_709, %parallel_loop3A_710] {strides = array<i32>} : memref<64x512xf32, #tpu.memory_space<vmem>>, vector<16xf32>,
        tpu.vector_store %arg7[%parallel_loop3A_709, %parallel_loop3A_710], %parallel_loop3A_705 {strides = array<i32>} : memref<64x512xf32, #tpu.memory_space<vmem>>, vector<16xf32>,
        %parallel_loop3A_712 = arith.constant 6784 : i32
        %parallel_loop3A_713 = vector.broadcast %parallel_loop3A_712 : i32 to vector<16xi32>
        %parallel_loop3A_714 = arith.addi %parallel_loop3A_181, %parallel_loop3A_713 : vector<16xi32>
        %parallel_loop3A_715 = tpu.vector_load_idx %arg5[%parallel_loop3A_714] : memref<8192xf32, #tpu.memory_space<vmem>>[vector<16xi32>], vector<16xf32>,
        %parallel_loop3A_716 = arith.constant 16 : i32
        %parallel_loop3A_717 = arith.muli %parallel_loop3A_175, %parallel_loop3A_716 : i32
        %parallel_loop3A_718 = arith.constant 53 : i32
        %parallel_loop3A_719 = arith.index_cast %parallel_loop3A_718 : i32 to index
        %parallel_loop3A_720 = arith.index_cast %parallel_loop3A_717 : i32 to index
        %parallel_loop3A_721 = tpu.vector_load %arg7[%parallel_loop3A_719, %parallel_loop3A_720] {strides = array<i32>} : memref<64x512xf32, #tpu.memory_space<vmem>>, vector<16xf32>,
        tpu.vector_store %arg7[%parallel_loop3A_719, %parallel_loop3A_720], %parallel_loop3A_715 {strides = array<i32>} : memref<64x512xf32, #tpu.memory_space<vmem>>, vector<16xf32>,
        %parallel_loop3A_722 = arith.constant 6912 : i32
        %parallel_loop3A_723 = vector.broadcast %parallel_loop3A_722 : i32 to vector<16xi32>
        %parallel_loop3A_724 = arith.addi %parallel_loop3A_181, %parallel_loop3A_723 : vector<16xi32>
        %parallel_loop3A_725 = tpu.vector_load_idx %arg5[%parallel_loop3A_724] : memref<8192xf32, #tpu.memory_space<vmem>>[vector<16xi32>], vector<16xf32>,
        %parallel_loop3A_726 = arith.constant 16 : i32
        %parallel_loop3A_727 = arith.muli %parallel_loop3A_175, %parallel_loop3A_726 : i32
        %parallel_loop3A_728 = arith.constant 54 : i32
        %parallel_loop3A_729 = arith.index_cast %parallel_loop3A_728 : i32 to index
        %parallel_loop3A_730 = arith.index_cast %parallel_loop3A_727 : i32 to index
        %parallel_loop3A_731 = tpu.vector_load %arg7[%parallel_loop3A_729, %parallel_loop3A_730] {strides = array<i32>} : memref<64x512xf32, #tpu.memory_space<vmem>>, vector<16xf32>,
        tpu.vector_store %arg7[%parallel_loop3A_729, %parallel_loop3A_730], %parallel_loop3A_725 {strides = array<i32>} : memref<64x512xf32, #tpu.memory_space<vmem>>, vector<16xf32>,
        %parallel_loop3A_732 = arith.constant 7040 : i32
        %parallel_loop3A_733 = vector.broadcast %parallel_loop3A_732 : i32 to vector<16xi32>
        %parallel_loop3A_734 = arith.addi %parallel_loop3A_181, %parallel_loop3A_733 : vector<16xi32>
        %parallel_loop3A_735 = tpu.vector_load_idx %arg5[%parallel_loop3A_734] : memref<8192xf32, #tpu.memory_space<vmem>>[vector<16xi32>], vector<16xf32>,
        %parallel_loop3A_736 = arith.constant 16 : i32
        %parallel_loop3A_737 = arith.muli %parallel_loop3A_175, %parallel_loop3A_736 : i32
        %parallel_loop3A_738 = arith.constant 55 : i32
        %parallel_loop3A_739 = arith.index_cast %parallel_loop3A_738 : i32 to index
        %parallel_loop3A_740 = arith.index_cast %parallel_loop3A_737 : i32 to index
        %parallel_loop3A_741 = tpu.vector_load %arg7[%parallel_loop3A_739, %parallel_loop3A_740] {strides = array<i32>} : memref<64x512xf32, #tpu.memory_space<vmem>>, vector<16xf32>,
        tpu.vector_store %arg7[%parallel_loop3A_739, %parallel_loop3A_740], %parallel_loop3A_735 {strides = array<i32>} : memref<64x512xf32, #tpu.memory_space<vmem>>, vector<16xf32>,
        %parallel_loop3A_742 = arith.constant 7168 : i32
        %parallel_loop3A_743 = vector.broadcast %parallel_loop3A_742 : i32 to vector<16xi32>
        %parallel_loop3A_744 = arith.addi %parallel_loop3A_181, %parallel_loop3A_743 : vector<16xi32>
        %parallel_loop3A_745 = tpu.vector_load_idx %arg5[%parallel_loop3A_744] : memref<8192xf32, #tpu.memory_space<vmem>>[vector<16xi32>], vector<16xf32>,
        %parallel_loop3A_746 = arith.constant 16 : i32
        %parallel_loop3A_747 = arith.muli %parallel_loop3A_175, %parallel_loop3A_746 : i32
        %parallel_loop3A_748 = arith.constant 56 : i32
        %parallel_loop3A_749 = arith.index_cast %parallel_loop3A_748 : i32 to index
        %parallel_loop3A_750 = arith.index_cast %parallel_loop3A_747 : i32 to index
        %parallel_loop3A_751 = tpu.vector_load %arg7[%parallel_loop3A_749, %parallel_loop3A_750] {strides = array<i32>} : memref<64x512xf32, #tpu.memory_space<vmem>>, vector<16xf32>,
        tpu.vector_store %arg7[%parallel_loop3A_749, %parallel_loop3A_750], %parallel_loop3A_745 {strides = array<i32>} : memref<64x512xf32, #tpu.memory_space<vmem>>, vector<16xf32>,
        %parallel_loop3A_752 = arith.constant 7296 : i32
        %parallel_loop3A_753 = vector.broadcast %parallel_loop3A_752 : i32 to vector<16xi32>
        %parallel_loop3A_754 = arith.addi %parallel_loop3A_181, %parallel_loop3A_753 : vector<16xi32>
        %parallel_loop3A_755 = tpu.vector_load_idx %arg5[%parallel_loop3A_754] : memref<8192xf32, #tpu.memory_space<vmem>>[vector<16xi32>], vector<16xf32>,
        %parallel_loop3A_756 = arith.constant 16 : i32
        %parallel_loop3A_757 = arith.muli %parallel_loop3A_175, %parallel_loop3A_756 : i32
        %parallel_loop3A_758 = arith.constant 57 : i32
        %parallel_loop3A_759 = arith.index_cast %parallel_loop3A_758 : i32 to index
        %parallel_loop3A_760 = arith.index_cast %parallel_loop3A_757 : i32 to index
        %parallel_loop3A_761 = tpu.vector_load %arg7[%parallel_loop3A_759, %parallel_loop3A_760] {strides = array<i32>} : memref<64x512xf32, #tpu.memory_space<vmem>>, vector<16xf32>,
        tpu.vector_store %arg7[%parallel_loop3A_759, %parallel_loop3A_760], %parallel_loop3A_755 {strides = array<i32>} : memref<64x512xf32, #tpu.memory_space<vmem>>, vector<16xf32>,
        %parallel_loop3A_762 = arith.constant 7424 : i32
        %parallel_loop3A_763 = vector.broadcast %parallel_loop3A_762 : i32 to vector<16xi32>
        %parallel_loop3A_764 = arith.addi %parallel_loop3A_181, %parallel_loop3A_763 : vector<16xi32>
        %parallel_loop3A_765 = tpu.vector_load_idx %arg5[%parallel_loop3A_764] : memref<8192xf32, #tpu.memory_space<vmem>>[vector<16xi32>], vector<16xf32>,
        %parallel_loop3A_766 = arith.constant 16 : i32
        %parallel_loop3A_767 = arith.muli %parallel_loop3A_175, %parallel_loop3A_766 : i32
        %parallel_loop3A_768 = arith.constant 58 : i32
        %parallel_loop3A_769 = arith.index_cast %parallel_loop3A_768 : i32 to index
        %parallel_loop3A_770 = arith.index_cast %parallel_loop3A_767 : i32 to index
        %parallel_loop3A_771 = tpu.vector_load %arg7[%parallel_loop3A_769, %parallel_loop3A_770] {strides = array<i32>} : memref<64x512xf32, #tpu.memory_space<vmem>>, vector<16xf32>,
        tpu.vector_store %arg7[%parallel_loop3A_769, %parallel_loop3A_770], %parallel_loop3A_765 {strides = array<i32>} : memref<64x512xf32, #tpu.memory_space<vmem>>, vector<16xf32>,
        %parallel_loop3A_772 = arith.constant 7552 : i32
        %parallel_loop3A_773 = vector.broadcast %parallel_loop3A_772 : i32 to vector<16xi32>
        %parallel_loop3A_774 = arith.addi %parallel_loop3A_181, %parallel_loop3A_773 : vector<16xi32>
        %parallel_loop3A_775 = tpu.vector_load_idx %arg5[%parallel_loop3A_774] : memref<8192xf32, #tpu.memory_space<vmem>>[vector<16xi32>], vector<16xf32>,
        %parallel_loop3A_776 = arith.constant 16 : i32
        %parallel_loop3A_777 = arith.muli %parallel_loop3A_175, %parallel_loop3A_776 : i32
        %parallel_loop3A_778 = arith.constant 59 : i32
        %parallel_loop3A_779 = arith.index_cast %parallel_loop3A_778 : i32 to index
        %parallel_loop3A_780 = arith.index_cast %parallel_loop3A_777 : i32 to index
        %parallel_loop3A_781 = tpu.vector_load %arg7[%parallel_loop3A_779, %parallel_loop3A_780] {strides = array<i32>} : memref<64x512xf32, #tpu.memory_space<vmem>>, vector<16xf32>,
        tpu.vector_store %arg7[%parallel_loop3A_779, %parallel_loop3A_780], %parallel_loop3A_775 {strides = array<i32>} : memref<64x512xf32, #tpu.memory_space<vmem>>, vector<16xf32>,
        %parallel_loop3A_782 = arith.constant 7680 : i32
        %parallel_loop3A_783 = vector.broadcast %parallel_loop3A_782 : i32 to vector<16xi32>
        %parallel_loop3A_784 = arith.addi %parallel_loop3A_181, %parallel_loop3A_783 : vector<16xi32>
        %parallel_loop3A_785 = tpu.vector_load_idx %arg5[%parallel_loop3A_784] : memref<8192xf32, #tpu.memory_space<vmem>>[vector<16xi32>], vector<16xf32>,
        %parallel_loop3A_786 = arith.constant 16 : i32
        %parallel_loop3A_787 = arith.muli %parallel_loop3A_175, %parallel_loop3A_786 : i32
        %parallel_loop3A_788 = arith.constant 60 : i32
        %parallel_loop3A_789 = arith.index_cast %parallel_loop3A_788 : i32 to index
        %parallel_loop3A_790 = arith.index_cast %parallel_loop3A_787 : i32 to index
        %parallel_loop3A_791 = tpu.vector_load %arg7[%parallel_loop3A_789, %parallel_loop3A_790] {strides = array<i32>} : memref<64x512xf32, #tpu.memory_space<vmem>>, vector<16xf32>,
        tpu.vector_store %arg7[%parallel_loop3A_789, %parallel_loop3A_790], %parallel_loop3A_785 {strides = array<i32>} : memref<64x512xf32, #tpu.memory_space<vmem>>, vector<16xf32>,
        %parallel_loop3A_792 = arith.constant 7808 : i32
        %parallel_loop3A_793 = vector.broadcast %parallel_loop3A_792 : i32 to vector<16xi32>
        %parallel_loop3A_794 = arith.addi %parallel_loop3A_181, %parallel_loop3A_793 : vector<16xi32>
        %parallel_loop3A_795 = tpu.vector_load_idx %arg5[%parallel_loop3A_794] : memref<8192xf32, #tpu.memory_space<vmem>>[vector<16xi32>], vector<16xf32>,
        %parallel_loop3A_796 = arith.constant 16 : i32
        %parallel_loop3A_797 = arith.muli %parallel_loop3A_175, %parallel_loop3A_796 : i32
        %parallel_loop3A_798 = arith.constant 61 : i32
        %parallel_loop3A_799 = arith.index_cast %parallel_loop3A_798 : i32 to index
        %parallel_loop3A_800 = arith.index_cast %parallel_loop3A_797 : i32 to index
        %parallel_loop3A_801 = tpu.vector_load %arg7[%parallel_loop3A_799, %parallel_loop3A_800] {strides = array<i32>} : memref<64x512xf32, #tpu.memory_space<vmem>>, vector<16xf32>,
        tpu.vector_store %arg7[%parallel_loop3A_799, %parallel_loop3A_800], %parallel_loop3A_795 {strides = array<i32>} : memref<64x512xf32, #tpu.memory_space<vmem>>, vector<16xf32>,
        %parallel_loop3A_802 = arith.constant 7936 : i32
        %parallel_loop3A_803 = vector.broadcast %parallel_loop3A_802 : i32 to vector<16xi32>
        %parallel_loop3A_804 = arith.addi %parallel_loop3A_181, %parallel_loop3A_803 : vector<16xi32>
        %parallel_loop3A_805 = tpu.vector_load_idx %arg5[%parallel_loop3A_804] : memref<8192xf32, #tpu.memory_space<vmem>>[vector<16xi32>], vector<16xf32>,
        %parallel_loop3A_806 = arith.constant 16 : i32
        %parallel_loop3A_807 = arith.muli %parallel_loop3A_175, %parallel_loop3A_806 : i32
        %parallel_loop3A_808 = arith.constant 62 : i32
        %parallel_loop3A_809 = arith.index_cast %parallel_loop3A_808 : i32 to index
        %parallel_loop3A_810 = arith.index_cast %parallel_loop3A_807 : i32 to index
        %parallel_loop3A_811 = tpu.vector_load %arg7[%parallel_loop3A_809, %parallel_loop3A_810] {strides = array<i32>} : memref<64x512xf32, #tpu.memory_space<vmem>>, vector<16xf32>,
        tpu.vector_store %arg7[%parallel_loop3A_809, %parallel_loop3A_810], %parallel_loop3A_805 {strides = array<i32>} : memref<64x512xf32, #tpu.memory_space<vmem>>, vector<16xf32>,
        %parallel_loop3A_812 = arith.constant 8064 : i32
        %parallel_loop3A_813 = vector.broadcast %parallel_loop3A_812 : i32 to vector<16xi32>
        %parallel_loop3A_814 = arith.addi %parallel_loop3A_181, %parallel_loop3A_813 : vector<16xi32>
        %parallel_loop3A_815 = tpu.vector_load_idx %arg5[%parallel_loop3A_814] : memref<8192xf32, #tpu.memory_space<vmem>>[vector<16xi32>], vector<16xf32>,
        %parallel_loop3A_816 = arith.constant 16 : i32
        %parallel_loop3A_817 = arith.muli %parallel_loop3A_175, %parallel_loop3A_816 : i32
        %parallel_loop3A_818 = arith.constant 63 : i32
        %parallel_loop3A_819 = arith.index_cast %parallel_loop3A_818 : i32 to index
        %parallel_loop3A_820 = arith.index_cast %parallel_loop3A_817 : i32 to index
        %parallel_loop3A_821 = tpu.vector_load %arg7[%parallel_loop3A_819, %parallel_loop3A_820] {strides = array<i32>} : memref<64x512xf32, #tpu.memory_space<vmem>>, vector<16xf32>,
        tpu.vector_store %arg7[%parallel_loop3A_819, %parallel_loop3A_820], %parallel_loop3A_815 {strides = array<i32>} : memref<64x512xf32, #tpu.memory_space<vmem>>, vector<16xf32>,
      } {sc.loop_unroll_factor = 4 : i64, sc.parallel_access}
      %dma_start3A_92 = arith.constant 0 : i32
      %dma_start3A_93 = tpu.memref_slice %arg4[%select_n3A, %dma_start3A_92, %add3A_69] : memref<200x64x16384xf32, #tpu.memory_space<hbm>> -> memref<1x64x512xf32, #tpu.memory_space<hbm>>
      %dma_start3A_94 = tpu.memref_squeeze %dma_start3A_93 : memref<1x64x512xf32, #tpu.memory_space<hbm>> -> memref<64x512xf32, #tpu.memory_space<hbm>>
      %dma_start3A_95 = arith.constant 0 : i32
      %dma_start3A_96 = tpu.memref_slice %arg4[%select_n3A, %dma_start3A_95, %add3A_69] : memref<200x64x16384xf32, #tpu.memory_space<hbm>> -> memref<1x64x512xf32, #tpu.memory_space<hbm>>
      %dma_start3A_97 = tpu.memref_squeeze %dma_start3A_96 : memref<1x64x512xf32, #tpu.memory_space<hbm>> -> memref<64x512xf32, #tpu.memory_space<hbm>>
      tpu.enqueue_dma source(%arg7 : memref<64x512xf32, #tpu.memory_space<vmem>>) target(%dma_start3A_97 : memref<64x512xf32, #tpu.memory_space<hbm>>) target_semaphore(%arg11 : memref<!tpu.dma_semaphore, #tpu.memory_space<semaphore_mem>>)
      %add3A_98 = arith.constant 1 : i32
      %add3A_99 = arith.addi %add3A_34, %add3A_98 : i32
      %jit3A_100 = arith.constant 1 : i32
      %div3A_101 = arith.divsi %add3A_99, %jit3A_100 : i32
      %sign3A_102 = arith.constant 0 : i32
      %sign3A_103 = arith.cmpi sgt, %add3A_99, %sign3A_102 : i32
      %sign3A_104 = arith.extui %sign3A_103 : i1 to i32
      %sign3A_105 = arith.constant 0 : i32
      %sign3A_106 = arith.cmpi slt, %add3A_99, %sign3A_105 : i32
      %sign3A_107 = arith.extui %sign3A_106 : i1 to i32
      %sign3A_108 = arith.subi %sign3A_104, %sign3A_107 : i32
      %sign3A_109 = arith.constant 0 : i32
      %sign3A_110 = arith.cmpi sgt, %jit3A_100, %sign3A_109 : i32
      %sign3A_111 = arith.extui %sign3A_110 : i1 to i32
      %sign3A_112 = arith.constant 0 : i32
      %sign3A_113 = arith.cmpi slt, %jit3A_100, %sign3A_112 : i32
      %sign3A_114 = arith.extui %sign3A_113 : i1 to i32
      %sign3A_115 = arith.subi %sign3A_111, %sign3A_114 : i32
      %ne3A_116 = arith.cmpi ne, %sign3A_108, %sign3A_115 : i32
      %rem3A_117 = arith.remsi %add3A_99, %jit3A_100 : i32
      %ne3A_118 = arith.constant 0 : i32
      %ne3A_119 = arith.cmpi ne, %rem3A_117, %ne3A_118 : i32
      %and3A_120 = arith.andi %ne3A_116, %ne3A_119 : i1
      %sub3A_121 = arith.constant 1 : i32
      %sub3A_122 = arith.subi %div3A_101, %sub3A_121 : i32
      %select_n3A_123 = arith.select %and3A_120, %sub3A_122, %div3A_101 : i32
      %jit3A_124 = arith.constant 1 : i32
      %eq3A_125 = arith.constant 0 : i32
      %eq3A_126 = arith.cmpi eq, %jit3A_124, %eq3A_125 : i32
      %jit3A_127 = arith.constant 1 : i32
      %select_n3A_128 = arith.select %eq3A_126, %jit3A_127, %jit3A_124 : i32
      %rem3A_129 = arith.remsi %add3A_99, %select_n3A_128 : i32
      %ne3A_130 = arith.constant 0 : i32
      %ne3A_131 = arith.cmpi ne, %rem3A_129, %ne3A_130 : i32
      %lt3A_132 = arith.constant 0 : i32
      %lt3A_133 = arith.cmpi slt, %rem3A_129, %lt3A_132 : i32
      %lt3A_134 = arith.constant 0 : i32
      %lt3A_135 = arith.cmpi slt, %select_n3A_128, %lt3A_134 : i32
      %ne3A_136 = arith.xori %lt3A_133, %lt3A_135 : i1
      %and3A_137 = arith.andi %ne3A_136, %ne3A_131 : i1
      %add3A_138 = arith.addi %rem3A_129, %select_n3A_128 : i32
      %select_n3A_139 = arith.select %and3A_137, %add3A_138, %rem3A_129 : i32
      %mul3A_140 = arith.constant 512 : i32
      %mul3A_141 = arith.muli %select_n3A_139, %mul3A_140 : i32
      %add3A_142 = arith.addi %mul3A_2, %mul3A_141 : i32
      %add3A_143 = arith.constant 2 : i32
      %add3A_144 = arith.addi %add3A_99, %add3A_143 : i32
      %sub3A_145 = arith.constant 1 : i32
      %sub3A_146 = arith.subi %add3A_144, %sub3A_145 : i32
      %lt3A_147 = arith.constant 200 : i32
      %lt3A_148 = arith.cmpi slt, %sub3A_146, %lt3A_147 : i32
      %convert_element_type3A_149 = arith.extui %lt3A_148 : i1 to i32
      %cond3A_150 = arith.constant 0 : i32
      %cond3A_151 = arith.cmpi ne, %convert_element_type3A_149, %cond3A_150 : i32
      scf.if %cond3A_151 {
        %add3A_175 = arith.constant 2 : i32
        %add3A_176 = arith.addi %add3A_99, %add3A_175 : i32
        %sub3A_177 = arith.constant 1 : i32
        %sub3A_178 = arith.subi %add3A_176, %sub3A_177 : i32
        %jit3A_179 = arith.constant 1 : i32
        %div3A_180 = arith.divsi %sub3A_178, %jit3A_179 : i32
        %sign3A_181 = arith.constant 0 : i32
        %sign3A_182 = arith.cmpi sgt, %sub3A_178, %sign3A_181 : i32
        %sign3A_183 = arith.extui %sign3A_182 : i1 to i32
        %sign3A_184 = arith.constant 0 : i32
        %sign3A_185 = arith.cmpi slt, %sub3A_178, %sign3A_184 : i32
        %sign3A_186 = arith.extui %sign3A_185 : i1 to i32
        %sign3A_187 = arith.subi %sign3A_183, %sign3A_186 : i32
        %sign3A_188 = arith.constant 0 : i32
        %sign3A_189 = arith.cmpi sgt, %jit3A_179, %sign3A_188 : i32
        %sign3A_190 = arith.extui %sign3A_189 : i1 to i32
        %sign3A_191 = arith.constant 0 : i32
        %sign3A_192 = arith.cmpi slt, %jit3A_179, %sign3A_191 : i32
        %sign3A_193 = arith.extui %sign3A_192 : i1 to i32
        %sign3A_194 = arith.subi %sign3A_190, %sign3A_193 : i32
        %ne3A_195 = arith.cmpi ne, %sign3A_187, %sign3A_194 : i32
        %rem3A_196 = arith.remsi %sub3A_178, %jit3A_179 : i32
        %ne3A_197 = arith.constant 0 : i32
        %ne3A_198 = arith.cmpi ne, %rem3A_196, %ne3A_197 : i32
        %and3A_199 = arith.andi %ne3A_195, %ne3A_198 : i1
        %sub3A_200 = arith.constant 1 : i32
        %sub3A_201 = arith.subi %div3A_180, %sub3A_200 : i32
        %select_n3A_202 = arith.select %and3A_199, %sub3A_201, %div3A_180 : i32
        %jit3A_203 = arith.constant 1 : i32
        %eq3A_204 = arith.constant 0 : i32
        %eq3A_205 = arith.cmpi eq, %jit3A_203, %eq3A_204 : i32
        %jit3A_206 = arith.constant 1 : i32
        %select_n3A_207 = arith.select %eq3A_205, %jit3A_206, %jit3A_203 : i32
        %rem3A_208 = arith.remsi %sub3A_178, %select_n3A_207 : i32
        %ne3A_209 = arith.constant 0 : i32
        %ne3A_210 = arith.cmpi ne, %rem3A_208, %ne3A_209 : i32
        %lt3A_211 = arith.constant 0 : i32
        %lt3A_212 = arith.cmpi slt, %rem3A_208, %lt3A_211 : i32
        %lt3A_213 = arith.constant 0 : i32
        %lt3A_214 = arith.cmpi slt, %select_n3A_207, %lt3A_213 : i32
        %ne3A_215 = arith.xori %lt3A_212, %lt3A_214 : i1
        %and3A_216 = arith.andi %ne3A_215, %ne3A_210 : i1
        %add3A_217 = arith.addi %rem3A_208, %select_n3A_207 : i32
        %select_n3A_218 = arith.select %and3A_216, %add3A_217, %rem3A_208 : i32
        %mul3A_219 = arith.constant 512 : i32
        %mul3A_220 = arith.muli %select_n3A_218, %mul3A_219 : i32
        %add3A_221 = arith.addi %mul3A_2, %mul3A_220 : i32
        %dma_start3A_222 = arith.constant 0 : i32
        %dma_start3A_223 = tpu.memref_slice %arg6[%dma_start3A_222] : memref<1024xi32, #tpu.memory_space<vmem>> -> memref<512xi32, #tpu.memory_space<vmem>>
        %dma_start3A_224 = tpu.memref_slice %arg3[%select_n3A_202, %add3A_221] : memref<200x16384xi32, #tpu.memory_space<hbm>> -> memref<1x512xi32, #tpu.memory_space<hbm>>
        %dma_start3A_225 = tpu.memref_squeeze %dma_start3A_224 : memref<1x512xi32, #tpu.memory_space<hbm>> -> memref<512xi32, #tpu.memory_space<hbm>>
        %dma_start3A_226 = arith.constant 0 : i32
        %dma_start3A_227 = tpu.memref_slice %arg6[%dma_start3A_226] : memref<1024xi32, #tpu.memory_space<vmem>> -> memref<512xi32, #tpu.memory_space<vmem>>
        %dma_start3A_228 = tpu.memref_slice %arg3[%select_n3A_202, %add3A_221] : memref<200x16384xi32, #tpu.memory_space<hbm>> -> memref<1x512xi32, #tpu.memory_space<hbm>>
        %dma_start3A_229 = tpu.memref_squeeze %dma_start3A_228 : memref<1x512xi32, #tpu.memory_space<hbm>> -> memref<512xi32, #tpu.memory_space<hbm>>
        tpu.enqueue_dma source(%dma_start3A_229 : memref<512xi32, #tpu.memory_space<hbm>>) target(%dma_start3A_227 : memref<512xi32, #tpu.memory_space<vmem>>) target_semaphore(%arg9 : memref<!tpu.dma_semaphore, #tpu.memory_space<semaphore_mem>>)
      } else {
      }
      %dma_wait3A_152 = arith.constant 0 : i32
      %dma_wait3A_153 = arith.constant 512 : i32
      %dma_wait3A_154 = tpu.memref_slice %arg6[%dma_wait3A_153] : memref<1024xi32, #tpu.memory_space<vmem>> -> memref<512xi32, #tpu.memory_space<vmem>>
      %dma_wait3A_155 = tpu.memref_slice %arg3[%dma_wait3A_152, %mul3A_2] : memref<200x16384xi32, #tpu.memory_space<hbm>> -> memref<1x512xi32, #tpu.memory_space<hbm>>
      %dma_wait3A_156 = tpu.memref_squeeze %dma_wait3A_155 : memref<1x512xi32, #tpu.memory_space<hbm>> -> memref<512xi32, #tpu.memory_space<hbm>>
      %dma_wait3A_157 = arith.constant 512 : i32
      %dma_wait3A_158 = tpu.memref_slice %arg6[%dma_wait3A_157] : memref<1024xi32, #tpu.memory_space<vmem>> -> memref<512xi32, #tpu.memory_space<vmem>>
      %dma_wait3A_159 = tpu.memref_slice %arg3[%dma_wait3A_152, %mul3A_2] : memref<200x16384xi32, #tpu.memory_space<hbm>> -> memref<1x512xi32, #tpu.memory_space<hbm>>
      %dma_wait3A_160 = tpu.memref_squeeze %dma_wait3A_159 : memref<1x512xi32, #tpu.memory_space<hbm>> -> memref<512xi32, #tpu.memory_space<hbm>>
      tpu.wait_dma2 semaphore(%arg10 : memref<!tpu.dma_semaphore, #tpu.memory_space<semaphore_mem>>) src(%dma_wait3A_160 : memref<512xi32, #tpu.memory_space<hbm>>) dst(%dma_wait3A_158 : memref<512xi32, #tpu.memory_space<vmem>>)
      %ge3A_161 = arith.constant 2 : i32
      %ge3A_162 = arith.cmpi sge, %add3A_99, %ge3A_161 : i32
      %convert_element_type3A_163 = arith.extui %ge3A_162 : i1 to i32
      %cond3A_164 = arith.constant 0 : i32
      %cond3A_165 = arith.cmpi ne, %convert_element_type3A_163, %cond3A_164 : i32
      scf.if %cond3A_165 {
        %dma_wait3A_175 = arith.constant 0 : i32
        %dma_wait3A_176 = tpu.memref_slice %arg4[%select_n3A_123, %dma_wait3A_175, %add3A_142] : memref<200x64x16384xf32, #tpu.memory_space<hbm>> -> memref<1x64x512xf32, #tpu.memory_space<hbm>>
        %dma_wait3A_177 = tpu.memref_squeeze %dma_wait3A_176 : memref<1x64x512xf32, #tpu.memory_space<hbm>> -> memref<64x512xf32, #tpu.memory_space<hbm>>
        %dma_wait3A_178 = arith.constant 0 : i32
        %dma_wait3A_179 = tpu.memref_slice %arg4[%select_n3A_123, %dma_wait3A_178, %add3A_142] : memref<200x64x16384xf32, #tpu.memory_space<hbm>> -> memref<1x64x512xf32, #tpu.memory_space<hbm>>
        %dma_wait3A_180 = tpu.memref_squeeze %dma_wait3A_179 : memref<1x64x512xf32, #tpu.memory_space<hbm>> -> memref<64x512xf32, #tpu.memory_space<hbm>>
        tpu.wait_dma2 semaphore(%arg12 : memref<!tpu.dma_semaphore, #tpu.memory_space<semaphore_mem>>) src(%arg8 : memref<64x512xf32, #tpu.memory_space<vmem>>) dst(%dma_wait3A_180 : memref<64x512xf32, #tpu.memory_space<hbm>>)
      } else {
      }
      %parallel_loop3A_166 = arith.constant 0 : i32
      %parallel_loop3A_167 = arith.constant 32 : i32
      %parallel_loop3A_168 = arith.constant 1 : i32
      scf.for %parallel_loop3A_175 = %parallel_loop3A_166 to %parallel_loop3A_167 step %parallel_loop3A_168  : i32 {
        %parallel_loop3A_176 = arith.constant 16 : i32
        %parallel_loop3A_177 = arith.muli %parallel_loop3A_175, %parallel_loop3A_176 : i32
        %parallel_loop3A_178 = arith.constant 512 : i32
        %parallel_loop3A_179 = arith.addi %parallel_loop3A_178, %parallel_loop3A_177 : i32
        %parallel_loop3A_180 = arith.index_cast %parallel_loop3A_179 : i32 to index
        %parallel_loop3A_181 = tpu.vector_load %arg6[%parallel_loop3A_180] {strides = array<i32>} : memref<1024xi32, #tpu.memory_space<vmem>>, vector<16xi32>,
        %parallel_loop3A_182 = arith.constant 0 : i32
        %parallel_loop3A_183 = vector.broadcast %parallel_loop3A_182 : i32 to vector<16xi32>
        %parallel_loop3A_184 = arith.addi %parallel_loop3A_181, %parallel_loop3A_183 : vector<16xi32>
        %parallel_loop3A_185 = tpu.vector_load_idx %arg5[%parallel_loop3A_184] : memref<8192xf32, #tpu.memory_space<vmem>>[vector<16xi32>], vector<16xf32>,
        %parallel_loop3A_186 = arith.constant 16 : i32
        %parallel_loop3A_187 = arith.muli %parallel_loop3A_175, %parallel_loop3A_186 : i32
        %parallel_loop3A_188 = arith.constant 0 : i32
        %parallel_loop3A_189 = arith.index_cast %parallel_loop3A_188 : i32 to index
        %parallel_loop3A_190 = arith.index_cast %parallel_loop3A_187 : i32 to index
        %parallel_loop3A_191 = tpu.vector_load %arg8[%parallel_loop3A_189, %parallel_loop3A_190] {strides = array<i32>} : memref<64x512xf32, #tpu.memory_space<vmem>>, vector<16xf32>,
        tpu.vector_store %arg8[%parallel_loop3A_189, %parallel_loop3A_190], %parallel_loop3A_185 {strides = array<i32>} : memref<64x512xf32, #tpu.memory_space<vmem>>, vector<16xf32>,
        %parallel_loop3A_192 = arith.constant 128 : i32
        %parallel_loop3A_193 = vector.broadcast %parallel_loop3A_192 : i32 to vector<16xi32>
        %parallel_loop3A_194 = arith.addi %parallel_loop3A_181, %parallel_loop3A_193 : vector<16xi32>
        %parallel_loop3A_195 = tpu.vector_load_idx %arg5[%parallel_loop3A_194] : memref<8192xf32, #tpu.memory_space<vmem>>[vector<16xi32>], vector<16xf32>,
        %parallel_loop3A_196 = arith.constant 16 : i32
        %parallel_loop3A_197 = arith.muli %parallel_loop3A_175, %parallel_loop3A_196 : i32
        %parallel_loop3A_198 = arith.constant 1 : i32
        %parallel_loop3A_199 = arith.index_cast %parallel_loop3A_198 : i32 to index
        %parallel_loop3A_200 = arith.index_cast %parallel_loop3A_197 : i32 to index
        %parallel_loop3A_201 = tpu.vector_load %arg8[%parallel_loop3A_199, %parallel_loop3A_200] {strides = array<i32>} : memref<64x512xf32, #tpu.memory_space<vmem>>, vector<16xf32>,
        tpu.vector_store %arg8[%parallel_loop3A_199, %parallel_loop3A_200], %parallel_loop3A_195 {strides = array<i32>} : memref<64x512xf32, #tpu.memory_space<vmem>>, vector<16xf32>,
        %parallel_loop3A_202 = arith.constant 256 : i32
        %parallel_loop3A_203 = vector.broadcast %parallel_loop3A_202 : i32 to vector<16xi32>
        %parallel_loop3A_204 = arith.addi %parallel_loop3A_181, %parallel_loop3A_203 : vector<16xi32>
        %parallel_loop3A_205 = tpu.vector_load_idx %arg5[%parallel_loop3A_204] : memref<8192xf32, #tpu.memory_space<vmem>>[vector<16xi32>], vector<16xf32>,
        %parallel_loop3A_206 = arith.constant 16 : i32
        %parallel_loop3A_207 = arith.muli %parallel_loop3A_175, %parallel_loop3A_206 : i32
        %parallel_loop3A_208 = arith.constant 2 : i32
        %parallel_loop3A_209 = arith.index_cast %parallel_loop3A_208 : i32 to index
        %parallel_loop3A_210 = arith.index_cast %parallel_loop3A_207 : i32 to index
        %parallel_loop3A_211 = tpu.vector_load %arg8[%parallel_loop3A_209, %parallel_loop3A_210] {strides = array<i32>} : memref<64x512xf32, #tpu.memory_space<vmem>>, vector<16xf32>,
        tpu.vector_store %arg8[%parallel_loop3A_209, %parallel_loop3A_210], %parallel_loop3A_205 {strides = array<i32>} : memref<64x512xf32, #tpu.memory_space<vmem>>, vector<16xf32>,
        %parallel_loop3A_212 = arith.constant 384 : i32
        %parallel_loop3A_213 = vector.broadcast %parallel_loop3A_212 : i32 to vector<16xi32>
        %parallel_loop3A_214 = arith.addi %parallel_loop3A_181, %parallel_loop3A_213 : vector<16xi32>
        %parallel_loop3A_215 = tpu.vector_load_idx %arg5[%parallel_loop3A_214] : memref<8192xf32, #tpu.memory_space<vmem>>[vector<16xi32>], vector<16xf32>,
        %parallel_loop3A_216 = arith.constant 16 : i32
        %parallel_loop3A_217 = arith.muli %parallel_loop3A_175, %parallel_loop3A_216 : i32
        %parallel_loop3A_218 = arith.constant 3 : i32
        %parallel_loop3A_219 = arith.index_cast %parallel_loop3A_218 : i32 to index
        %parallel_loop3A_220 = arith.index_cast %parallel_loop3A_217 : i32 to index
        %parallel_loop3A_221 = tpu.vector_load %arg8[%parallel_loop3A_219, %parallel_loop3A_220] {strides = array<i32>} : memref<64x512xf32, #tpu.memory_space<vmem>>, vector<16xf32>,
        tpu.vector_store %arg8[%parallel_loop3A_219, %parallel_loop3A_220], %parallel_loop3A_215 {strides = array<i32>} : memref<64x512xf32, #tpu.memory_space<vmem>>, vector<16xf32>,
        %parallel_loop3A_222 = arith.constant 512 : i32
        %parallel_loop3A_223 = vector.broadcast %parallel_loop3A_222 : i32 to vector<16xi32>
        %parallel_loop3A_224 = arith.addi %parallel_loop3A_181, %parallel_loop3A_223 : vector<16xi32>
        %parallel_loop3A_225 = tpu.vector_load_idx %arg5[%parallel_loop3A_224] : memref<8192xf32, #tpu.memory_space<vmem>>[vector<16xi32>], vector<16xf32>,
        %parallel_loop3A_226 = arith.constant 16 : i32
        %parallel_loop3A_227 = arith.muli %parallel_loop3A_175, %parallel_loop3A_226 : i32
        %parallel_loop3A_228 = arith.constant 4 : i32
        %parallel_loop3A_229 = arith.index_cast %parallel_loop3A_228 : i32 to index
        %parallel_loop3A_230 = arith.index_cast %parallel_loop3A_227 : i32 to index
        %parallel_loop3A_231 = tpu.vector_load %arg8[%parallel_loop3A_229, %parallel_loop3A_230] {strides = array<i32>} : memref<64x512xf32, #tpu.memory_space<vmem>>, vector<16xf32>,
        tpu.vector_store %arg8[%parallel_loop3A_229, %parallel_loop3A_230], %parallel_loop3A_225 {strides = array<i32>} : memref<64x512xf32, #tpu.memory_space<vmem>>, vector<16xf32>,
        %parallel_loop3A_232 = arith.constant 640 : i32
        %parallel_loop3A_233 = vector.broadcast %parallel_loop3A_232 : i32 to vector<16xi32>
        %parallel_loop3A_234 = arith.addi %parallel_loop3A_181, %parallel_loop3A_233 : vector<16xi32>
        %parallel_loop3A_235 = tpu.vector_load_idx %arg5[%parallel_loop3A_234] : memref<8192xf32, #tpu.memory_space<vmem>>[vector<16xi32>], vector<16xf32>,
        %parallel_loop3A_236 = arith.constant 16 : i32
        %parallel_loop3A_237 = arith.muli %parallel_loop3A_175, %parallel_loop3A_236 : i32
        %parallel_loop3A_238 = arith.constant 5 : i32
        %parallel_loop3A_239 = arith.index_cast %parallel_loop3A_238 : i32 to index
        %parallel_loop3A_240 = arith.index_cast %parallel_loop3A_237 : i32 to index
        %parallel_loop3A_241 = tpu.vector_load %arg8[%parallel_loop3A_239, %parallel_loop3A_240] {strides = array<i32>} : memref<64x512xf32, #tpu.memory_space<vmem>>, vector<16xf32>,
        tpu.vector_store %arg8[%parallel_loop3A_239, %parallel_loop3A_240], %parallel_loop3A_235 {strides = array<i32>} : memref<64x512xf32, #tpu.memory_space<vmem>>, vector<16xf32>,
        %parallel_loop3A_242 = arith.constant 768 : i32
        %parallel_loop3A_243 = vector.broadcast %parallel_loop3A_242 : i32 to vector<16xi32>
        %parallel_loop3A_244 = arith.addi %parallel_loop3A_181, %parallel_loop3A_243 : vector<16xi32>
        %parallel_loop3A_245 = tpu.vector_load_idx %arg5[%parallel_loop3A_244] : memref<8192xf32, #tpu.memory_space<vmem>>[vector<16xi32>], vector<16xf32>,
        %parallel_loop3A_246 = arith.constant 16 : i32
        %parallel_loop3A_247 = arith.muli %parallel_loop3A_175, %parallel_loop3A_246 : i32
        %parallel_loop3A_248 = arith.constant 6 : i32
        %parallel_loop3A_249 = arith.index_cast %parallel_loop3A_248 : i32 to index
        %parallel_loop3A_250 = arith.index_cast %parallel_loop3A_247 : i32 to index
        %parallel_loop3A_251 = tpu.vector_load %arg8[%parallel_loop3A_249, %parallel_loop3A_250] {strides = array<i32>} : memref<64x512xf32, #tpu.memory_space<vmem>>, vector<16xf32>,
        tpu.vector_store %arg8[%parallel_loop3A_249, %parallel_loop3A_250], %parallel_loop3A_245 {strides = array<i32>} : memref<64x512xf32, #tpu.memory_space<vmem>>, vector<16xf32>,
        %parallel_loop3A_252 = arith.constant 896 : i32
        %parallel_loop3A_253 = vector.broadcast %parallel_loop3A_252 : i32 to vector<16xi32>
        %parallel_loop3A_254 = arith.addi %parallel_loop3A_181, %parallel_loop3A_253 : vector<16xi32>
        %parallel_loop3A_255 = tpu.vector_load_idx %arg5[%parallel_loop3A_254] : memref<8192xf32, #tpu.memory_space<vmem>>[vector<16xi32>], vector<16xf32>,
        %parallel_loop3A_256 = arith.constant 16 : i32
        %parallel_loop3A_257 = arith.muli %parallel_loop3A_175, %parallel_loop3A_256 : i32
        %parallel_loop3A_258 = arith.constant 7 : i32
        %parallel_loop3A_259 = arith.index_cast %parallel_loop3A_258 : i32 to index
        %parallel_loop3A_260 = arith.index_cast %parallel_loop3A_257 : i32 to index
        %parallel_loop3A_261 = tpu.vector_load %arg8[%parallel_loop3A_259, %parallel_loop3A_260] {strides = array<i32>} : memref<64x512xf32, #tpu.memory_space<vmem>>, vector<16xf32>,
        tpu.vector_store %arg8[%parallel_loop3A_259, %parallel_loop3A_260], %parallel_loop3A_255 {strides = array<i32>} : memref<64x512xf32, #tpu.memory_space<vmem>>, vector<16xf32>,
        %parallel_loop3A_262 = arith.constant 1024 : i32
        %parallel_loop3A_263 = vector.broadcast %parallel_loop3A_262 : i32 to vector<16xi32>
        %parallel_loop3A_264 = arith.addi %parallel_loop3A_181, %parallel_loop3A_263 : vector<16xi32>
        %parallel_loop3A_265 = tpu.vector_load_idx %arg5[%parallel_loop3A_264] : memref<8192xf32, #tpu.memory_space<vmem>>[vector<16xi32>], vector<16xf32>,
        %parallel_loop3A_266 = arith.constant 16 : i32
        %parallel_loop3A_267 = arith.muli %parallel_loop3A_175, %parallel_loop3A_266 : i32
        %parallel_loop3A_268 = arith.constant 8 : i32
        %parallel_loop3A_269 = arith.index_cast %parallel_loop3A_268 : i32 to index
        %parallel_loop3A_270 = arith.index_cast %parallel_loop3A_267 : i32 to index
        %parallel_loop3A_271 = tpu.vector_load %arg8[%parallel_loop3A_269, %parallel_loop3A_270] {strides = array<i32>} : memref<64x512xf32, #tpu.memory_space<vmem>>, vector<16xf32>,
        tpu.vector_store %arg8[%parallel_loop3A_269, %parallel_loop3A_270], %parallel_loop3A_265 {strides = array<i32>} : memref<64x512xf32, #tpu.memory_space<vmem>>, vector<16xf32>,
        %parallel_loop3A_272 = arith.constant 1152 : i32
        %parallel_loop3A_273 = vector.broadcast %parallel_loop3A_272 : i32 to vector<16xi32>
        %parallel_loop3A_274 = arith.addi %parallel_loop3A_181, %parallel_loop3A_273 : vector<16xi32>
        %parallel_loop3A_275 = tpu.vector_load_idx %arg5[%parallel_loop3A_274] : memref<8192xf32, #tpu.memory_space<vmem>>[vector<16xi32>], vector<16xf32>,
        %parallel_loop3A_276 = arith.constant 16 : i32
        %parallel_loop3A_277 = arith.muli %parallel_loop3A_175, %parallel_loop3A_276 : i32
        %parallel_loop3A_278 = arith.constant 9 : i32
        %parallel_loop3A_279 = arith.index_cast %parallel_loop3A_278 : i32 to index
        %parallel_loop3A_280 = arith.index_cast %parallel_loop3A_277 : i32 to index
        %parallel_loop3A_281 = tpu.vector_load %arg8[%parallel_loop3A_279, %parallel_loop3A_280] {strides = array<i32>} : memref<64x512xf32, #tpu.memory_space<vmem>>, vector<16xf32>,
        tpu.vector_store %arg8[%parallel_loop3A_279, %parallel_loop3A_280], %parallel_loop3A_275 {strides = array<i32>} : memref<64x512xf32, #tpu.memory_space<vmem>>, vector<16xf32>,
        %parallel_loop3A_282 = arith.constant 1280 : i32
        %parallel_loop3A_283 = vector.broadcast %parallel_loop3A_282 : i32 to vector<16xi32>
        %parallel_loop3A_284 = arith.addi %parallel_loop3A_181, %parallel_loop3A_283 : vector<16xi32>
        %parallel_loop3A_285 = tpu.vector_load_idx %arg5[%parallel_loop3A_284] : memref<8192xf32, #tpu.memory_space<vmem>>[vector<16xi32>], vector<16xf32>,
        %parallel_loop3A_286 = arith.constant 16 : i32
        %parallel_loop3A_287 = arith.muli %parallel_loop3A_175, %parallel_loop3A_286 : i32
        %parallel_loop3A_288 = arith.constant 10 : i32
        %parallel_loop3A_289 = arith.index_cast %parallel_loop3A_288 : i32 to index
        %parallel_loop3A_290 = arith.index_cast %parallel_loop3A_287 : i32 to index
        %parallel_loop3A_291 = tpu.vector_load %arg8[%parallel_loop3A_289, %parallel_loop3A_290] {strides = array<i32>} : memref<64x512xf32, #tpu.memory_space<vmem>>, vector<16xf32>,
        tpu.vector_store %arg8[%parallel_loop3A_289, %parallel_loop3A_290], %parallel_loop3A_285 {strides = array<i32>} : memref<64x512xf32, #tpu.memory_space<vmem>>, vector<16xf32>,
        %parallel_loop3A_292 = arith.constant 1408 : i32
        %parallel_loop3A_293 = vector.broadcast %parallel_loop3A_292 : i32 to vector<16xi32>
        %parallel_loop3A_294 = arith.addi %parallel_loop3A_181, %parallel_loop3A_293 : vector<16xi32>
        %parallel_loop3A_295 = tpu.vector_load_idx %arg5[%parallel_loop3A_294] : memref<8192xf32, #tpu.memory_space<vmem>>[vector<16xi32>], vector<16xf32>,
        %parallel_loop3A_296 = arith.constant 16 : i32
        %parallel_loop3A_297 = arith.muli %parallel_loop3A_175, %parallel_loop3A_296 : i32
        %parallel_loop3A_298 = arith.constant 11 : i32
        %parallel_loop3A_299 = arith.index_cast %parallel_loop3A_298 : i32 to index
        %parallel_loop3A_300 = arith.index_cast %parallel_loop3A_297 : i32 to index
        %parallel_loop3A_301 = tpu.vector_load %arg8[%parallel_loop3A_299, %parallel_loop3A_300] {strides = array<i32>} : memref<64x512xf32, #tpu.memory_space<vmem>>, vector<16xf32>,
        tpu.vector_store %arg8[%parallel_loop3A_299, %parallel_loop3A_300], %parallel_loop3A_295 {strides = array<i32>} : memref<64x512xf32, #tpu.memory_space<vmem>>, vector<16xf32>,
        %parallel_loop3A_302 = arith.constant 1536 : i32
        %parallel_loop3A_303 = vector.broadcast %parallel_loop3A_302 : i32 to vector<16xi32>
        %parallel_loop3A_304 = arith.addi %parallel_loop3A_181, %parallel_loop3A_303 : vector<16xi32>
        %parallel_loop3A_305 = tpu.vector_load_idx %arg5[%parallel_loop3A_304] : memref<8192xf32, #tpu.memory_space<vmem>>[vector<16xi32>], vector<16xf32>,
        %parallel_loop3A_306 = arith.constant 16 : i32
        %parallel_loop3A_307 = arith.muli %parallel_loop3A_175, %parallel_loop3A_306 : i32
        %parallel_loop3A_308 = arith.constant 12 : i32
        %parallel_loop3A_309 = arith.index_cast %parallel_loop3A_308 : i32 to index
        %parallel_loop3A_310 = arith.index_cast %parallel_loop3A_307 : i32 to index
        %parallel_loop3A_311 = tpu.vector_load %arg8[%parallel_loop3A_309, %parallel_loop3A_310] {strides = array<i32>} : memref<64x512xf32, #tpu.memory_space<vmem>>, vector<16xf32>,
        tpu.vector_store %arg8[%parallel_loop3A_309, %parallel_loop3A_310], %parallel_loop3A_305 {strides = array<i32>} : memref<64x512xf32, #tpu.memory_space<vmem>>, vector<16xf32>,
        %parallel_loop3A_312 = arith.constant 1664 : i32
        %parallel_loop3A_313 = vector.broadcast %parallel_loop3A_312 : i32 to vector<16xi32>
        %parallel_loop3A_314 = arith.addi %parallel_loop3A_181, %parallel_loop3A_313 : vector<16xi32>
        %parallel_loop3A_315 = tpu.vector_load_idx %arg5[%parallel_loop3A_314] : memref<8192xf32, #tpu.memory_space<vmem>>[vector<16xi32>], vector<16xf32>,
        %parallel_loop3A_316 = arith.constant 16 : i32
        %parallel_loop3A_317 = arith.muli %parallel_loop3A_175, %parallel_loop3A_316 : i32
        %parallel_loop3A_318 = arith.constant 13 : i32
        %parallel_loop3A_319 = arith.index_cast %parallel_loop3A_318 : i32 to index
        %parallel_loop3A_320 = arith.index_cast %parallel_loop3A_317 : i32 to index
        %parallel_loop3A_321 = tpu.vector_load %arg8[%parallel_loop3A_319, %parallel_loop3A_320] {strides = array<i32>} : memref<64x512xf32, #tpu.memory_space<vmem>>, vector<16xf32>,
        tpu.vector_store %arg8[%parallel_loop3A_319, %parallel_loop3A_320], %parallel_loop3A_315 {strides = array<i32>} : memref<64x512xf32, #tpu.memory_space<vmem>>, vector<16xf32>,
        %parallel_loop3A_322 = arith.constant 1792 : i32
        %parallel_loop3A_323 = vector.broadcast %parallel_loop3A_322 : i32 to vector<16xi32>
        %parallel_loop3A_324 = arith.addi %parallel_loop3A_181, %parallel_loop3A_323 : vector<16xi32>
        %parallel_loop3A_325 = tpu.vector_load_idx %arg5[%parallel_loop3A_324] : memref<8192xf32, #tpu.memory_space<vmem>>[vector<16xi32>], vector<16xf32>,
        %parallel_loop3A_326 = arith.constant 16 : i32
        %parallel_loop3A_327 = arith.muli %parallel_loop3A_175, %parallel_loop3A_326 : i32
        %parallel_loop3A_328 = arith.constant 14 : i32
        %parallel_loop3A_329 = arith.index_cast %parallel_loop3A_328 : i32 to index
        %parallel_loop3A_330 = arith.index_cast %parallel_loop3A_327 : i32 to index
        %parallel_loop3A_331 = tpu.vector_load %arg8[%parallel_loop3A_329, %parallel_loop3A_330] {strides = array<i32>} : memref<64x512xf32, #tpu.memory_space<vmem>>, vector<16xf32>,
        tpu.vector_store %arg8[%parallel_loop3A_329, %parallel_loop3A_330], %parallel_loop3A_325 {strides = array<i32>} : memref<64x512xf32, #tpu.memory_space<vmem>>, vector<16xf32>,
        %parallel_loop3A_332 = arith.constant 1920 : i32
        %parallel_loop3A_333 = vector.broadcast %parallel_loop3A_332 : i32 to vector<16xi32>
        %parallel_loop3A_334 = arith.addi %parallel_loop3A_181, %parallel_loop3A_333 : vector<16xi32>
        %parallel_loop3A_335 = tpu.vector_load_idx %arg5[%parallel_loop3A_334] : memref<8192xf32, #tpu.memory_space<vmem>>[vector<16xi32>], vector<16xf32>,
        %parallel_loop3A_336 = arith.constant 16 : i32
        %parallel_loop3A_337 = arith.muli %parallel_loop3A_175, %parallel_loop3A_336 : i32
        %parallel_loop3A_338 = arith.constant 15 : i32
        %parallel_loop3A_339 = arith.index_cast %parallel_loop3A_338 : i32 to index
        %parallel_loop3A_340 = arith.index_cast %parallel_loop3A_337 : i32 to index
        %parallel_loop3A_341 = tpu.vector_load %arg8[%parallel_loop3A_339, %parallel_loop3A_340] {strides = array<i32>} : memref<64x512xf32, #tpu.memory_space<vmem>>, vector<16xf32>,
        tpu.vector_store %arg8[%parallel_loop3A_339, %parallel_loop3A_340], %parallel_loop3A_335 {strides = array<i32>} : memref<64x512xf32, #tpu.memory_space<vmem>>, vector<16xf32>,
        %parallel_loop3A_342 = arith.constant 2048 : i32
        %parallel_loop3A_343 = vector.broadcast %parallel_loop3A_342 : i32 to vector<16xi32>
        %parallel_loop3A_344 = arith.addi %parallel_loop3A_181, %parallel_loop3A_343 : vector<16xi32>
        %parallel_loop3A_345 = tpu.vector_load_idx %arg5[%parallel_loop3A_344] : memref<8192xf32, #tpu.memory_space<vmem>>[vector<16xi32>], vector<16xf32>,
        %parallel_loop3A_346 = arith.constant 16 : i32
        %parallel_loop3A_347 = arith.muli %parallel_loop3A_175, %parallel_loop3A_346 : i32
        %parallel_loop3A_348 = arith.constant 16 : i32
        %parallel_loop3A_349 = arith.index_cast %parallel_loop3A_348 : i32 to index
        %parallel_loop3A_350 = arith.index_cast %parallel_loop3A_347 : i32 to index
        %parallel_loop3A_351 = tpu.vector_load %arg8[%parallel_loop3A_349, %parallel_loop3A_350] {strides = array<i32>} : memref<64x512xf32, #tpu.memory_space<vmem>>, vector<16xf32>,
        tpu.vector_store %arg8[%parallel_loop3A_349, %parallel_loop3A_350], %parallel_loop3A_345 {strides = array<i32>} : memref<64x512xf32, #tpu.memory_space<vmem>>, vector<16xf32>,
        %parallel_loop3A_352 = arith.constant 2176 : i32
        %parallel_loop3A_353 = vector.broadcast %parallel_loop3A_352 : i32 to vector<16xi32>
        %parallel_loop3A_354 = arith.addi %parallel_loop3A_181, %parallel_loop3A_353 : vector<16xi32>
        %parallel_loop3A_355 = tpu.vector_load_idx %arg5[%parallel_loop3A_354] : memref<8192xf32, #tpu.memory_space<vmem>>[vector<16xi32>], vector<16xf32>,
        %parallel_loop3A_356 = arith.constant 16 : i32
        %parallel_loop3A_357 = arith.muli %parallel_loop3A_175, %parallel_loop3A_356 : i32
        %parallel_loop3A_358 = arith.constant 17 : i32
        %parallel_loop3A_359 = arith.index_cast %parallel_loop3A_358 : i32 to index
        %parallel_loop3A_360 = arith.index_cast %parallel_loop3A_357 : i32 to index
        %parallel_loop3A_361 = tpu.vector_load %arg8[%parallel_loop3A_359, %parallel_loop3A_360] {strides = array<i32>} : memref<64x512xf32, #tpu.memory_space<vmem>>, vector<16xf32>,
        tpu.vector_store %arg8[%parallel_loop3A_359, %parallel_loop3A_360], %parallel_loop3A_355 {strides = array<i32>} : memref<64x512xf32, #tpu.memory_space<vmem>>, vector<16xf32>,
        %parallel_loop3A_362 = arith.constant 2304 : i32
        %parallel_loop3A_363 = vector.broadcast %parallel_loop3A_362 : i32 to vector<16xi32>
        %parallel_loop3A_364 = arith.addi %parallel_loop3A_181, %parallel_loop3A_363 : vector<16xi32>
        %parallel_loop3A_365 = tpu.vector_load_idx %arg5[%parallel_loop3A_364] : memref<8192xf32, #tpu.memory_space<vmem>>[vector<16xi32>], vector<16xf32>,
        %parallel_loop3A_366 = arith.constant 16 : i32
        %parallel_loop3A_367 = arith.muli %parallel_loop3A_175, %parallel_loop3A_366 : i32
        %parallel_loop3A_368 = arith.constant 18 : i32
        %parallel_loop3A_369 = arith.index_cast %parallel_loop3A_368 : i32 to index
        %parallel_loop3A_370 = arith.index_cast %parallel_loop3A_367 : i32 to index
        %parallel_loop3A_371 = tpu.vector_load %arg8[%parallel_loop3A_369, %parallel_loop3A_370] {strides = array<i32>} : memref<64x512xf32, #tpu.memory_space<vmem>>, vector<16xf32>,
        tpu.vector_store %arg8[%parallel_loop3A_369, %parallel_loop3A_370], %parallel_loop3A_365 {strides = array<i32>} : memref<64x512xf32, #tpu.memory_space<vmem>>, vector<16xf32>,
        %parallel_loop3A_372 = arith.constant 2432 : i32
        %parallel_loop3A_373 = vector.broadcast %parallel_loop3A_372 : i32 to vector<16xi32>
        %parallel_loop3A_374 = arith.addi %parallel_loop3A_181, %parallel_loop3A_373 : vector<16xi32>
        %parallel_loop3A_375 = tpu.vector_load_idx %arg5[%parallel_loop3A_374] : memref<8192xf32, #tpu.memory_space<vmem>>[vector<16xi32>], vector<16xf32>,
        %parallel_loop3A_376 = arith.constant 16 : i32
        %parallel_loop3A_377 = arith.muli %parallel_loop3A_175, %parallel_loop3A_376 : i32
        %parallel_loop3A_378 = arith.constant 19 : i32
        %parallel_loop3A_379 = arith.index_cast %parallel_loop3A_378 : i32 to index
        %parallel_loop3A_380 = arith.index_cast %parallel_loop3A_377 : i32 to index
        %parallel_loop3A_381 = tpu.vector_load %arg8[%parallel_loop3A_379, %parallel_loop3A_380] {strides = array<i32>} : memref<64x512xf32, #tpu.memory_space<vmem>>, vector<16xf32>,
        tpu.vector_store %arg8[%parallel_loop3A_379, %parallel_loop3A_380], %parallel_loop3A_375 {strides = array<i32>} : memref<64x512xf32, #tpu.memory_space<vmem>>, vector<16xf32>,
        %parallel_loop3A_382 = arith.constant 2560 : i32
        %parallel_loop3A_383 = vector.broadcast %parallel_loop3A_382 : i32 to vector<16xi32>
        %parallel_loop3A_384 = arith.addi %parallel_loop3A_181, %parallel_loop3A_383 : vector<16xi32>
        %parallel_loop3A_385 = tpu.vector_load_idx %arg5[%parallel_loop3A_384] : memref<8192xf32, #tpu.memory_space<vmem>>[vector<16xi32>], vector<16xf32>,
        %parallel_loop3A_386 = arith.constant 16 : i32
        %parallel_loop3A_387 = arith.muli %parallel_loop3A_175, %parallel_loop3A_386 : i32
        %parallel_loop3A_388 = arith.constant 20 : i32
        %parallel_loop3A_389 = arith.index_cast %parallel_loop3A_388 : i32 to index
        %parallel_loop3A_390 = arith.index_cast %parallel_loop3A_387 : i32 to index
        %parallel_loop3A_391 = tpu.vector_load %arg8[%parallel_loop3A_389, %parallel_loop3A_390] {strides = array<i32>} : memref<64x512xf32, #tpu.memory_space<vmem>>, vector<16xf32>,
        tpu.vector_store %arg8[%parallel_loop3A_389, %parallel_loop3A_390], %parallel_loop3A_385 {strides = array<i32>} : memref<64x512xf32, #tpu.memory_space<vmem>>, vector<16xf32>,
        %parallel_loop3A_392 = arith.constant 2688 : i32
        %parallel_loop3A_393 = vector.broadcast %parallel_loop3A_392 : i32 to vector<16xi32>
        %parallel_loop3A_394 = arith.addi %parallel_loop3A_181, %parallel_loop3A_393 : vector<16xi32>
        %parallel_loop3A_395 = tpu.vector_load_idx %arg5[%parallel_loop3A_394] : memref<8192xf32, #tpu.memory_space<vmem>>[vector<16xi32>], vector<16xf32>,
        %parallel_loop3A_396 = arith.constant 16 : i32
        %parallel_loop3A_397 = arith.muli %parallel_loop3A_175, %parallel_loop3A_396 : i32
        %parallel_loop3A_398 = arith.constant 21 : i32
        %parallel_loop3A_399 = arith.index_cast %parallel_loop3A_398 : i32 to index
        %parallel_loop3A_400 = arith.index_cast %parallel_loop3A_397 : i32 to index
        %parallel_loop3A_401 = tpu.vector_load %arg8[%parallel_loop3A_399, %parallel_loop3A_400] {strides = array<i32>} : memref<64x512xf32, #tpu.memory_space<vmem>>, vector<16xf32>,
        tpu.vector_store %arg8[%parallel_loop3A_399, %parallel_loop3A_400], %parallel_loop3A_395 {strides = array<i32>} : memref<64x512xf32, #tpu.memory_space<vmem>>, vector<16xf32>,
        %parallel_loop3A_402 = arith.constant 2816 : i32
        %parallel_loop3A_403 = vector.broadcast %parallel_loop3A_402 : i32 to vector<16xi32>
        %parallel_loop3A_404 = arith.addi %parallel_loop3A_181, %parallel_loop3A_403 : vector<16xi32>
        %parallel_loop3A_405 = tpu.vector_load_idx %arg5[%parallel_loop3A_404] : memref<8192xf32, #tpu.memory_space<vmem>>[vector<16xi32>], vector<16xf32>,
        %parallel_loop3A_406 = arith.constant 16 : i32
        %parallel_loop3A_407 = arith.muli %parallel_loop3A_175, %parallel_loop3A_406 : i32
        %parallel_loop3A_408 = arith.constant 22 : i32
        %parallel_loop3A_409 = arith.index_cast %parallel_loop3A_408 : i32 to index
        %parallel_loop3A_410 = arith.index_cast %parallel_loop3A_407 : i32 to index
        %parallel_loop3A_411 = tpu.vector_load %arg8[%parallel_loop3A_409, %parallel_loop3A_410] {strides = array<i32>} : memref<64x512xf32, #tpu.memory_space<vmem>>, vector<16xf32>,
        tpu.vector_store %arg8[%parallel_loop3A_409, %parallel_loop3A_410], %parallel_loop3A_405 {strides = array<i32>} : memref<64x512xf32, #tpu.memory_space<vmem>>, vector<16xf32>,
        %parallel_loop3A_412 = arith.constant 2944 : i32
        %parallel_loop3A_413 = vector.broadcast %parallel_loop3A_412 : i32 to vector<16xi32>
        %parallel_loop3A_414 = arith.addi %parallel_loop3A_181, %parallel_loop3A_413 : vector<16xi32>
        %parallel_loop3A_415 = tpu.vector_load_idx %arg5[%parallel_loop3A_414] : memref<8192xf32, #tpu.memory_space<vmem>>[vector<16xi32>], vector<16xf32>,
        %parallel_loop3A_416 = arith.constant 16 : i32
        %parallel_loop3A_417 = arith.muli %parallel_loop3A_175, %parallel_loop3A_416 : i32
        %parallel_loop3A_418 = arith.constant 23 : i32
        %parallel_loop3A_419 = arith.index_cast %parallel_loop3A_418 : i32 to index
        %parallel_loop3A_420 = arith.index_cast %parallel_loop3A_417 : i32 to index
        %parallel_loop3A_421 = tpu.vector_load %arg8[%parallel_loop3A_419, %parallel_loop3A_420] {strides = array<i32>} : memref<64x512xf32, #tpu.memory_space<vmem>>, vector<16xf32>,
        tpu.vector_store %arg8[%parallel_loop3A_419, %parallel_loop3A_420], %parallel_loop3A_415 {strides = array<i32>} : memref<64x512xf32, #tpu.memory_space<vmem>>, vector<16xf32>,
        %parallel_loop3A_422 = arith.constant 3072 : i32
        %parallel_loop3A_423 = vector.broadcast %parallel_loop3A_422 : i32 to vector<16xi32>
        %parallel_loop3A_424 = arith.addi %parallel_loop3A_181, %parallel_loop3A_423 : vector<16xi32>
        %parallel_loop3A_425 = tpu.vector_load_idx %arg5[%parallel_loop3A_424] : memref<8192xf32, #tpu.memory_space<vmem>>[vector<16xi32>], vector<16xf32>,
        %parallel_loop3A_426 = arith.constant 16 : i32
        %parallel_loop3A_427 = arith.muli %parallel_loop3A_175, %parallel_loop3A_426 : i32
        %parallel_loop3A_428 = arith.constant 24 : i32
        %parallel_loop3A_429 = arith.index_cast %parallel_loop3A_428 : i32 to index
        %parallel_loop3A_430 = arith.index_cast %parallel_loop3A_427 : i32 to index
        %parallel_loop3A_431 = tpu.vector_load %arg8[%parallel_loop3A_429, %parallel_loop3A_430] {strides = array<i32>} : memref<64x512xf32, #tpu.memory_space<vmem>>, vector<16xf32>,
        tpu.vector_store %arg8[%parallel_loop3A_429, %parallel_loop3A_430], %parallel_loop3A_425 {strides = array<i32>} : memref<64x512xf32, #tpu.memory_space<vmem>>, vector<16xf32>,
        %parallel_loop3A_432 = arith.constant 3200 : i32
        %parallel_loop3A_433 = vector.broadcast %parallel_loop3A_432 : i32 to vector<16xi32>
        %parallel_loop3A_434 = arith.addi %parallel_loop3A_181, %parallel_loop3A_433 : vector<16xi32>
        %parallel_loop3A_435 = tpu.vector_load_idx %arg5[%parallel_loop3A_434] : memref<8192xf32, #tpu.memory_space<vmem>>[vector<16xi32>], vector<16xf32>,
        %parallel_loop3A_436 = arith.constant 16 : i32
        %parallel_loop3A_437 = arith.muli %parallel_loop3A_175, %parallel_loop3A_436 : i32
        %parallel_loop3A_438 = arith.constant 25 : i32
        %parallel_loop3A_439 = arith.index_cast %parallel_loop3A_438 : i32 to index
        %parallel_loop3A_440 = arith.index_cast %parallel_loop3A_437 : i32 to index
        %parallel_loop3A_441 = tpu.vector_load %arg8[%parallel_loop3A_439, %parallel_loop3A_440] {strides = array<i32>} : memref<64x512xf32, #tpu.memory_space<vmem>>, vector<16xf32>,
        tpu.vector_store %arg8[%parallel_loop3A_439, %parallel_loop3A_440], %parallel_loop3A_435 {strides = array<i32>} : memref<64x512xf32, #tpu.memory_space<vmem>>, vector<16xf32>,
        %parallel_loop3A_442 = arith.constant 3328 : i32
        %parallel_loop3A_443 = vector.broadcast %parallel_loop3A_442 : i32 to vector<16xi32>
        %parallel_loop3A_444 = arith.addi %parallel_loop3A_181, %parallel_loop3A_443 : vector<16xi32>
        %parallel_loop3A_445 = tpu.vector_load_idx %arg5[%parallel_loop3A_444] : memref<8192xf32, #tpu.memory_space<vmem>>[vector<16xi32>], vector<16xf32>,
        %parallel_loop3A_446 = arith.constant 16 : i32
        %parallel_loop3A_447 = arith.muli %parallel_loop3A_175, %parallel_loop3A_446 : i32
        %parallel_loop3A_448 = arith.constant 26 : i32
        %parallel_loop3A_449 = arith.index_cast %parallel_loop3A_448 : i32 to index
        %parallel_loop3A_450 = arith.index_cast %parallel_loop3A_447 : i32 to index
        %parallel_loop3A_451 = tpu.vector_load %arg8[%parallel_loop3A_449, %parallel_loop3A_450] {strides = array<i32>} : memref<64x512xf32, #tpu.memory_space<vmem>>, vector<16xf32>,
        tpu.vector_store %arg8[%parallel_loop3A_449, %parallel_loop3A_450], %parallel_loop3A_445 {strides = array<i32>} : memref<64x512xf32, #tpu.memory_space<vmem>>, vector<16xf32>,
        %parallel_loop3A_452 = arith.constant 3456 : i32
        %parallel_loop3A_453 = vector.broadcast %parallel_loop3A_452 : i32 to vector<16xi32>
        %parallel_loop3A_454 = arith.addi %parallel_loop3A_181, %parallel_loop3A_453 : vector<16xi32>
        %parallel_loop3A_455 = tpu.vector_load_idx %arg5[%parallel_loop3A_454] : memref<8192xf32, #tpu.memory_space<vmem>>[vector<16xi32>], vector<16xf32>,
        %parallel_loop3A_456 = arith.constant 16 : i32
        %parallel_loop3A_457 = arith.muli %parallel_loop3A_175, %parallel_loop3A_456 : i32
        %parallel_loop3A_458 = arith.constant 27 : i32
        %parallel_loop3A_459 = arith.index_cast %parallel_loop3A_458 : i32 to index
        %parallel_loop3A_460 = arith.index_cast %parallel_loop3A_457 : i32 to index
        %parallel_loop3A_461 = tpu.vector_load %arg8[%parallel_loop3A_459, %parallel_loop3A_460] {strides = array<i32>} : memref<64x512xf32, #tpu.memory_space<vmem>>, vector<16xf32>,
        tpu.vector_store %arg8[%parallel_loop3A_459, %parallel_loop3A_460], %parallel_loop3A_455 {strides = array<i32>} : memref<64x512xf32, #tpu.memory_space<vmem>>, vector<16xf32>,
        %parallel_loop3A_462 = arith.constant 3584 : i32
        %parallel_loop3A_463 = vector.broadcast %parallel_loop3A_462 : i32 to vector<16xi32>
        %parallel_loop3A_464 = arith.addi %parallel_loop3A_181, %parallel_loop3A_463 : vector<16xi32>
        %parallel_loop3A_465 = tpu.vector_load_idx %arg5[%parallel_loop3A_464] : memref<8192xf32, #tpu.memory_space<vmem>>[vector<16xi32>], vector<16xf32>,
        %parallel_loop3A_466 = arith.constant 16 : i32
        %parallel_loop3A_467 = arith.muli %parallel_loop3A_175, %parallel_loop3A_466 : i32
        %parallel_loop3A_468 = arith.constant 28 : i32
        %parallel_loop3A_469 = arith.index_cast %parallel_loop3A_468 : i32 to index
        %parallel_loop3A_470 = arith.index_cast %parallel_loop3A_467 : i32 to index
        %parallel_loop3A_471 = tpu.vector_load %arg8[%parallel_loop3A_469, %parallel_loop3A_470] {strides = array<i32>} : memref<64x512xf32, #tpu.memory_space<vmem>>, vector<16xf32>,
        tpu.vector_store %arg8[%parallel_loop3A_469, %parallel_loop3A_470], %parallel_loop3A_465 {strides = array<i32>} : memref<64x512xf32, #tpu.memory_space<vmem>>, vector<16xf32>,
        %parallel_loop3A_472 = arith.constant 3712 : i32
        %parallel_loop3A_473 = vector.broadcast %parallel_loop3A_472 : i32 to vector<16xi32>
        %parallel_loop3A_474 = arith.addi %parallel_loop3A_181, %parallel_loop3A_473 : vector<16xi32>
        %parallel_loop3A_475 = tpu.vector_load_idx %arg5[%parallel_loop3A_474] : memref<8192xf32, #tpu.memory_space<vmem>>[vector<16xi32>], vector<16xf32>,
        %parallel_loop3A_476 = arith.constant 16 : i32
        %parallel_loop3A_477 = arith.muli %parallel_loop3A_175, %parallel_loop3A_476 : i32
        %parallel_loop3A_478 = arith.constant 29 : i32
        %parallel_loop3A_479 = arith.index_cast %parallel_loop3A_478 : i32 to index
        %parallel_loop3A_480 = arith.index_cast %parallel_loop3A_477 : i32 to index
        %parallel_loop3A_481 = tpu.vector_load %arg8[%parallel_loop3A_479, %parallel_loop3A_480] {strides = array<i32>} : memref<64x512xf32, #tpu.memory_space<vmem>>, vector<16xf32>,
        tpu.vector_store %arg8[%parallel_loop3A_479, %parallel_loop3A_480], %parallel_loop3A_475 {strides = array<i32>} : memref<64x512xf32, #tpu.memory_space<vmem>>, vector<16xf32>,
        %parallel_loop3A_482 = arith.constant 3840 : i32
        %parallel_loop3A_483 = vector.broadcast %parallel_loop3A_482 : i32 to vector<16xi32>
        %parallel_loop3A_484 = arith.addi %parallel_loop3A_181, %parallel_loop3A_483 : vector<16xi32>
        %parallel_loop3A_485 = tpu.vector_load_idx %arg5[%parallel_loop3A_484] : memref<8192xf32, #tpu.memory_space<vmem>>[vector<16xi32>], vector<16xf32>,
        %parallel_loop3A_486 = arith.constant 16 : i32
        %parallel_loop3A_487 = arith.muli %parallel_loop3A_175, %parallel_loop3A_486 : i32
        %parallel_loop3A_488 = arith.constant 30 : i32
        %parallel_loop3A_489 = arith.index_cast %parallel_loop3A_488 : i32 to index
        %parallel_loop3A_490 = arith.index_cast %parallel_loop3A_487 : i32 to index
        %parallel_loop3A_491 = tpu.vector_load %arg8[%parallel_loop3A_489, %parallel_loop3A_490] {strides = array<i32>} : memref<64x512xf32, #tpu.memory_space<vmem>>, vector<16xf32>,
        tpu.vector_store %arg8[%parallel_loop3A_489, %parallel_loop3A_490], %parallel_loop3A_485 {strides = array<i32>} : memref<64x512xf32, #tpu.memory_space<vmem>>, vector<16xf32>,
        %parallel_loop3A_492 = arith.constant 3968 : i32
        %parallel_loop3A_493 = vector.broadcast %parallel_loop3A_492 : i32 to vector<16xi32>
        %parallel_loop3A_494 = arith.addi %parallel_loop3A_181, %parallel_loop3A_493 : vector<16xi32>
        %parallel_loop3A_495 = tpu.vector_load_idx %arg5[%parallel_loop3A_494] : memref<8192xf32, #tpu.memory_space<vmem>>[vector<16xi32>], vector<16xf32>,
        %parallel_loop3A_496 = arith.constant 16 : i32
        %parallel_loop3A_497 = arith.muli %parallel_loop3A_175, %parallel_loop3A_496 : i32
        %parallel_loop3A_498 = arith.constant 31 : i32
        %parallel_loop3A_499 = arith.index_cast %parallel_loop3A_498 : i32 to index
        %parallel_loop3A_500 = arith.index_cast %parallel_loop3A_497 : i32 to index
        %parallel_loop3A_501 = tpu.vector_load %arg8[%parallel_loop3A_499, %parallel_loop3A_500] {strides = array<i32>} : memref<64x512xf32, #tpu.memory_space<vmem>>, vector<16xf32>,
        tpu.vector_store %arg8[%parallel_loop3A_499, %parallel_loop3A_500], %parallel_loop3A_495 {strides = array<i32>} : memref<64x512xf32, #tpu.memory_space<vmem>>, vector<16xf32>,
        %parallel_loop3A_502 = arith.constant 4096 : i32
        %parallel_loop3A_503 = vector.broadcast %parallel_loop3A_502 : i32 to vector<16xi32>
        %parallel_loop3A_504 = arith.addi %parallel_loop3A_181, %parallel_loop3A_503 : vector<16xi32>
        %parallel_loop3A_505 = tpu.vector_load_idx %arg5[%parallel_loop3A_504] : memref<8192xf32, #tpu.memory_space<vmem>>[vector<16xi32>], vector<16xf32>,
        %parallel_loop3A_506 = arith.constant 16 : i32
        %parallel_loop3A_507 = arith.muli %parallel_loop3A_175, %parallel_loop3A_506 : i32
        %parallel_loop3A_508 = arith.constant 32 : i32
        %parallel_loop3A_509 = arith.index_cast %parallel_loop3A_508 : i32 to index
        %parallel_loop3A_510 = arith.index_cast %parallel_loop3A_507 : i32 to index
        %parallel_loop3A_511 = tpu.vector_load %arg8[%parallel_loop3A_509, %parallel_loop3A_510] {strides = array<i32>} : memref<64x512xf32, #tpu.memory_space<vmem>>, vector<16xf32>,
        tpu.vector_store %arg8[%parallel_loop3A_509, %parallel_loop3A_510], %parallel_loop3A_505 {strides = array<i32>} : memref<64x512xf32, #tpu.memory_space<vmem>>, vector<16xf32>,
        %parallel_loop3A_512 = arith.constant 4224 : i32
        %parallel_loop3A_513 = vector.broadcast %parallel_loop3A_512 : i32 to vector<16xi32>
        %parallel_loop3A_514 = arith.addi %parallel_loop3A_181, %parallel_loop3A_513 : vector<16xi32>
        %parallel_loop3A_515 = tpu.vector_load_idx %arg5[%parallel_loop3A_514] : memref<8192xf32, #tpu.memory_space<vmem>>[vector<16xi32>], vector<16xf32>,
        %parallel_loop3A_516 = arith.constant 16 : i32
        %parallel_loop3A_517 = arith.muli %parallel_loop3A_175, %parallel_loop3A_516 : i32
        %parallel_loop3A_518 = arith.constant 33 : i32
        %parallel_loop3A_519 = arith.index_cast %parallel_loop3A_518 : i32 to index
        %parallel_loop3A_520 = arith.index_cast %parallel_loop3A_517 : i32 to index
        %parallel_loop3A_521 = tpu.vector_load %arg8[%parallel_loop3A_519, %parallel_loop3A_520] {strides = array<i32>} : memref<64x512xf32, #tpu.memory_space<vmem>>, vector<16xf32>,
        tpu.vector_store %arg8[%parallel_loop3A_519, %parallel_loop3A_520], %parallel_loop3A_515 {strides = array<i32>} : memref<64x512xf32, #tpu.memory_space<vmem>>, vector<16xf32>,
        %parallel_loop3A_522 = arith.constant 4352 : i32
        %parallel_loop3A_523 = vector.broadcast %parallel_loop3A_522 : i32 to vector<16xi32>
        %parallel_loop3A_524 = arith.addi %parallel_loop3A_181, %parallel_loop3A_523 : vector<16xi32>
        %parallel_loop3A_525 = tpu.vector_load_idx %arg5[%parallel_loop3A_524] : memref<8192xf32, #tpu.memory_space<vmem>>[vector<16xi32>], vector<16xf32>,
        %parallel_loop3A_526 = arith.constant 16 : i32
        %parallel_loop3A_527 = arith.muli %parallel_loop3A_175, %parallel_loop3A_526 : i32
        %parallel_loop3A_528 = arith.constant 34 : i32
        %parallel_loop3A_529 = arith.index_cast %parallel_loop3A_528 : i32 to index
        %parallel_loop3A_530 = arith.index_cast %parallel_loop3A_527 : i32 to index
        %parallel_loop3A_531 = tpu.vector_load %arg8[%parallel_loop3A_529, %parallel_loop3A_530] {strides = array<i32>} : memref<64x512xf32, #tpu.memory_space<vmem>>, vector<16xf32>,
        tpu.vector_store %arg8[%parallel_loop3A_529, %parallel_loop3A_530], %parallel_loop3A_525 {strides = array<i32>} : memref<64x512xf32, #tpu.memory_space<vmem>>, vector<16xf32>,
        %parallel_loop3A_532 = arith.constant 4480 : i32
        %parallel_loop3A_533 = vector.broadcast %parallel_loop3A_532 : i32 to vector<16xi32>
        %parallel_loop3A_534 = arith.addi %parallel_loop3A_181, %parallel_loop3A_533 : vector<16xi32>
        %parallel_loop3A_535 = tpu.vector_load_idx %arg5[%parallel_loop3A_534] : memref<8192xf32, #tpu.memory_space<vmem>>[vector<16xi32>], vector<16xf32>,
        %parallel_loop3A_536 = arith.constant 16 : i32
        %parallel_loop3A_537 = arith.muli %parallel_loop3A_175, %parallel_loop3A_536 : i32
        %parallel_loop3A_538 = arith.constant 35 : i32
        %parallel_loop3A_539 = arith.index_cast %parallel_loop3A_538 : i32 to index
        %parallel_loop3A_540 = arith.index_cast %parallel_loop3A_537 : i32 to index
        %parallel_loop3A_541 = tpu.vector_load %arg8[%parallel_loop3A_539, %parallel_loop3A_540] {strides = array<i32>} : memref<64x512xf32, #tpu.memory_space<vmem>>, vector<16xf32>,
        tpu.vector_store %arg8[%parallel_loop3A_539, %parallel_loop3A_540], %parallel_loop3A_535 {strides = array<i32>} : memref<64x512xf32, #tpu.memory_space<vmem>>, vector<16xf32>,
        %parallel_loop3A_542 = arith.constant 4608 : i32
        %parallel_loop3A_543 = vector.broadcast %parallel_loop3A_542 : i32 to vector<16xi32>
        %parallel_loop3A_544 = arith.addi %parallel_loop3A_181, %parallel_loop3A_543 : vector<16xi32>
        %parallel_loop3A_545 = tpu.vector_load_idx %arg5[%parallel_loop3A_544] : memref<8192xf32, #tpu.memory_space<vmem>>[vector<16xi32>], vector<16xf32>,
        %parallel_loop3A_546 = arith.constant 16 : i32
        %parallel_loop3A_547 = arith.muli %parallel_loop3A_175, %parallel_loop3A_546 : i32
        %parallel_loop3A_548 = arith.constant 36 : i32
        %parallel_loop3A_549 = arith.index_cast %parallel_loop3A_548 : i32 to index
        %parallel_loop3A_550 = arith.index_cast %parallel_loop3A_547 : i32 to index
        %parallel_loop3A_551 = tpu.vector_load %arg8[%parallel_loop3A_549, %parallel_loop3A_550] {strides = array<i32>} : memref<64x512xf32, #tpu.memory_space<vmem>>, vector<16xf32>,
        tpu.vector_store %arg8[%parallel_loop3A_549, %parallel_loop3A_550], %parallel_loop3A_545 {strides = array<i32>} : memref<64x512xf32, #tpu.memory_space<vmem>>, vector<16xf32>,
        %parallel_loop3A_552 = arith.constant 4736 : i32
        %parallel_loop3A_553 = vector.broadcast %parallel_loop3A_552 : i32 to vector<16xi32>
        %parallel_loop3A_554 = arith.addi %parallel_loop3A_181, %parallel_loop3A_553 : vector<16xi32>
        %parallel_loop3A_555 = tpu.vector_load_idx %arg5[%parallel_loop3A_554] : memref<8192xf32, #tpu.memory_space<vmem>>[vector<16xi32>], vector<16xf32>,
        %parallel_loop3A_556 = arith.constant 16 : i32
        %parallel_loop3A_557 = arith.muli %parallel_loop3A_175, %parallel_loop3A_556 : i32
        %parallel_loop3A_558 = arith.constant 37 : i32
        %parallel_loop3A_559 = arith.index_cast %parallel_loop3A_558 : i32 to index
        %parallel_loop3A_560 = arith.index_cast %parallel_loop3A_557 : i32 to index
        %parallel_loop3A_561 = tpu.vector_load %arg8[%parallel_loop3A_559, %parallel_loop3A_560] {strides = array<i32>} : memref<64x512xf32, #tpu.memory_space<vmem>>, vector<16xf32>,
        tpu.vector_store %arg8[%parallel_loop3A_559, %parallel_loop3A_560], %parallel_loop3A_555 {strides = array<i32>} : memref<64x512xf32, #tpu.memory_space<vmem>>, vector<16xf32>,
        %parallel_loop3A_562 = arith.constant 4864 : i32
        %parallel_loop3A_563 = vector.broadcast %parallel_loop3A_562 : i32 to vector<16xi32>
        %parallel_loop3A_564 = arith.addi %parallel_loop3A_181, %parallel_loop3A_563 : vector<16xi32>
        %parallel_loop3A_565 = tpu.vector_load_idx %arg5[%parallel_loop3A_564] : memref<8192xf32, #tpu.memory_space<vmem>>[vector<16xi32>], vector<16xf32>,
        %parallel_loop3A_566 = arith.constant 16 : i32
        %parallel_loop3A_567 = arith.muli %parallel_loop3A_175, %parallel_loop3A_566 : i32
        %parallel_loop3A_568 = arith.constant 38 : i32
        %parallel_loop3A_569 = arith.index_cast %parallel_loop3A_568 : i32 to index
        %parallel_loop3A_570 = arith.index_cast %parallel_loop3A_567 : i32 to index
        %parallel_loop3A_571 = tpu.vector_load %arg8[%parallel_loop3A_569, %parallel_loop3A_570] {strides = array<i32>} : memref<64x512xf32, #tpu.memory_space<vmem>>, vector<16xf32>,
        tpu.vector_store %arg8[%parallel_loop3A_569, %parallel_loop3A_570], %parallel_loop3A_565 {strides = array<i32>} : memref<64x512xf32, #tpu.memory_space<vmem>>, vector<16xf32>,
        %parallel_loop3A_572 = arith.constant 4992 : i32
        %parallel_loop3A_573 = vector.broadcast %parallel_loop3A_572 : i32 to vector<16xi32>
        %parallel_loop3A_574 = arith.addi %parallel_loop3A_181, %parallel_loop3A_573 : vector<16xi32>
        %parallel_loop3A_575 = tpu.vector_load_idx %arg5[%parallel_loop3A_574] : memref<8192xf32, #tpu.memory_space<vmem>>[vector<16xi32>], vector<16xf32>,
        %parallel_loop3A_576 = arith.constant 16 : i32
        %parallel_loop3A_577 = arith.muli %parallel_loop3A_175, %parallel_loop3A_576 : i32
        %parallel_loop3A_578 = arith.constant 39 : i32
        %parallel_loop3A_579 = arith.index_cast %parallel_loop3A_578 : i32 to index
        %parallel_loop3A_580 = arith.index_cast %parallel_loop3A_577 : i32 to index
        %parallel_loop3A_581 = tpu.vector_load %arg8[%parallel_loop3A_579, %parallel_loop3A_580] {strides = array<i32>} : memref<64x512xf32, #tpu.memory_space<vmem>>, vector<16xf32>,
        tpu.vector_store %arg8[%parallel_loop3A_579, %parallel_loop3A_580], %parallel_loop3A_575 {strides = array<i32>} : memref<64x512xf32, #tpu.memory_space<vmem>>, vector<16xf32>,
        %parallel_loop3A_582 = arith.constant 5120 : i32
        %parallel_loop3A_583 = vector.broadcast %parallel_loop3A_582 : i32 to vector<16xi32>
        %parallel_loop3A_584 = arith.addi %parallel_loop3A_181, %parallel_loop3A_583 : vector<16xi32>
        %parallel_loop3A_585 = tpu.vector_load_idx %arg5[%parallel_loop3A_584] : memref<8192xf32, #tpu.memory_space<vmem>>[vector<16xi32>], vector<16xf32>,
        %parallel_loop3A_586 = arith.constant 16 : i32
        %parallel_loop3A_587 = arith.muli %parallel_loop3A_175, %parallel_loop3A_586 : i32
        %parallel_loop3A_588 = arith.constant 40 : i32
        %parallel_loop3A_589 = arith.index_cast %parallel_loop3A_588 : i32 to index
        %parallel_loop3A_590 = arith.index_cast %parallel_loop3A_587 : i32 to index
        %parallel_loop3A_591 = tpu.vector_load %arg8[%parallel_loop3A_589, %parallel_loop3A_590] {strides = array<i32>} : memref<64x512xf32, #tpu.memory_space<vmem>>, vector<16xf32>,
        tpu.vector_store %arg8[%parallel_loop3A_589, %parallel_loop3A_590], %parallel_loop3A_585 {strides = array<i32>} : memref<64x512xf32, #tpu.memory_space<vmem>>, vector<16xf32>,
        %parallel_loop3A_592 = arith.constant 5248 : i32
        %parallel_loop3A_593 = vector.broadcast %parallel_loop3A_592 : i32 to vector<16xi32>
        %parallel_loop3A_594 = arith.addi %parallel_loop3A_181, %parallel_loop3A_593 : vector<16xi32>
        %parallel_loop3A_595 = tpu.vector_load_idx %arg5[%parallel_loop3A_594] : memref<8192xf32, #tpu.memory_space<vmem>>[vector<16xi32>], vector<16xf32>,
        %parallel_loop3A_596 = arith.constant 16 : i32
        %parallel_loop3A_597 = arith.muli %parallel_loop3A_175, %parallel_loop3A_596 : i32
        %parallel_loop3A_598 = arith.constant 41 : i32
        %parallel_loop3A_599 = arith.index_cast %parallel_loop3A_598 : i32 to index
        %parallel_loop3A_600 = arith.index_cast %parallel_loop3A_597 : i32 to index
        %parallel_loop3A_601 = tpu.vector_load %arg8[%parallel_loop3A_599, %parallel_loop3A_600] {strides = array<i32>} : memref<64x512xf32, #tpu.memory_space<vmem>>, vector<16xf32>,
        tpu.vector_store %arg8[%parallel_loop3A_599, %parallel_loop3A_600], %parallel_loop3A_595 {strides = array<i32>} : memref<64x512xf32, #tpu.memory_space<vmem>>, vector<16xf32>,
        %parallel_loop3A_602 = arith.constant 5376 : i32
        %parallel_loop3A_603 = vector.broadcast %parallel_loop3A_602 : i32 to vector<16xi32>
        %parallel_loop3A_604 = arith.addi %parallel_loop3A_181, %parallel_loop3A_603 : vector<16xi32>
        %parallel_loop3A_605 = tpu.vector_load_idx %arg5[%parallel_loop3A_604] : memref<8192xf32, #tpu.memory_space<vmem>>[vector<16xi32>], vector<16xf32>,
        %parallel_loop3A_606 = arith.constant 16 : i32
        %parallel_loop3A_607 = arith.muli %parallel_loop3A_175, %parallel_loop3A_606 : i32
        %parallel_loop3A_608 = arith.constant 42 : i32
        %parallel_loop3A_609 = arith.index_cast %parallel_loop3A_608 : i32 to index
        %parallel_loop3A_610 = arith.index_cast %parallel_loop3A_607 : i32 to index
        %parallel_loop3A_611 = tpu.vector_load %arg8[%parallel_loop3A_609, %parallel_loop3A_610] {strides = array<i32>} : memref<64x512xf32, #tpu.memory_space<vmem>>, vector<16xf32>,
        tpu.vector_store %arg8[%parallel_loop3A_609, %parallel_loop3A_610], %parallel_loop3A_605 {strides = array<i32>} : memref<64x512xf32, #tpu.memory_space<vmem>>, vector<16xf32>,
        %parallel_loop3A_612 = arith.constant 5504 : i32
        %parallel_loop3A_613 = vector.broadcast %parallel_loop3A_612 : i32 to vector<16xi32>
        %parallel_loop3A_614 = arith.addi %parallel_loop3A_181, %parallel_loop3A_613 : vector<16xi32>
        %parallel_loop3A_615 = tpu.vector_load_idx %arg5[%parallel_loop3A_614] : memref<8192xf32, #tpu.memory_space<vmem>>[vector<16xi32>], vector<16xf32>,
        %parallel_loop3A_616 = arith.constant 16 : i32
        %parallel_loop3A_617 = arith.muli %parallel_loop3A_175, %parallel_loop3A_616 : i32
        %parallel_loop3A_618 = arith.constant 43 : i32
        %parallel_loop3A_619 = arith.index_cast %parallel_loop3A_618 : i32 to index
        %parallel_loop3A_620 = arith.index_cast %parallel_loop3A_617 : i32 to index
        %parallel_loop3A_621 = tpu.vector_load %arg8[%parallel_loop3A_619, %parallel_loop3A_620] {strides = array<i32>} : memref<64x512xf32, #tpu.memory_space<vmem>>, vector<16xf32>,
        tpu.vector_store %arg8[%parallel_loop3A_619, %parallel_loop3A_620], %parallel_loop3A_615 {strides = array<i32>} : memref<64x512xf32, #tpu.memory_space<vmem>>, vector<16xf32>,
        %parallel_loop3A_622 = arith.constant 5632 : i32
        %parallel_loop3A_623 = vector.broadcast %parallel_loop3A_622 : i32 to vector<16xi32>
        %parallel_loop3A_624 = arith.addi %parallel_loop3A_181, %parallel_loop3A_623 : vector<16xi32>
        %parallel_loop3A_625 = tpu.vector_load_idx %arg5[%parallel_loop3A_624] : memref<8192xf32, #tpu.memory_space<vmem>>[vector<16xi32>], vector<16xf32>,
        %parallel_loop3A_626 = arith.constant 16 : i32
        %parallel_loop3A_627 = arith.muli %parallel_loop3A_175, %parallel_loop3A_626 : i32
        %parallel_loop3A_628 = arith.constant 44 : i32
        %parallel_loop3A_629 = arith.index_cast %parallel_loop3A_628 : i32 to index
        %parallel_loop3A_630 = arith.index_cast %parallel_loop3A_627 : i32 to index
        %parallel_loop3A_631 = tpu.vector_load %arg8[%parallel_loop3A_629, %parallel_loop3A_630] {strides = array<i32>} : memref<64x512xf32, #tpu.memory_space<vmem>>, vector<16xf32>,
        tpu.vector_store %arg8[%parallel_loop3A_629, %parallel_loop3A_630], %parallel_loop3A_625 {strides = array<i32>} : memref<64x512xf32, #tpu.memory_space<vmem>>, vector<16xf32>,
        %parallel_loop3A_632 = arith.constant 5760 : i32
        %parallel_loop3A_633 = vector.broadcast %parallel_loop3A_632 : i32 to vector<16xi32>
        %parallel_loop3A_634 = arith.addi %parallel_loop3A_181, %parallel_loop3A_633 : vector<16xi32>
        %parallel_loop3A_635 = tpu.vector_load_idx %arg5[%parallel_loop3A_634] : memref<8192xf32, #tpu.memory_space<vmem>>[vector<16xi32>], vector<16xf32>,
        %parallel_loop3A_636 = arith.constant 16 : i32
        %parallel_loop3A_637 = arith.muli %parallel_loop3A_175, %parallel_loop3A_636 : i32
        %parallel_loop3A_638 = arith.constant 45 : i32
        %parallel_loop3A_639 = arith.index_cast %parallel_loop3A_638 : i32 to index
        %parallel_loop3A_640 = arith.index_cast %parallel_loop3A_637 : i32 to index
        %parallel_loop3A_641 = tpu.vector_load %arg8[%parallel_loop3A_639, %parallel_loop3A_640] {strides = array<i32>} : memref<64x512xf32, #tpu.memory_space<vmem>>, vector<16xf32>,
        tpu.vector_store %arg8[%parallel_loop3A_639, %parallel_loop3A_640], %parallel_loop3A_635 {strides = array<i32>} : memref<64x512xf32, #tpu.memory_space<vmem>>, vector<16xf32>,
        %parallel_loop3A_642 = arith.constant 5888 : i32
        %parallel_loop3A_643 = vector.broadcast %parallel_loop3A_642 : i32 to vector<16xi32>
        %parallel_loop3A_644 = arith.addi %parallel_loop3A_181, %parallel_loop3A_643 : vector<16xi32>
        %parallel_loop3A_645 = tpu.vector_load_idx %arg5[%parallel_loop3A_644] : memref<8192xf32, #tpu.memory_space<vmem>>[vector<16xi32>], vector<16xf32>,
        %parallel_loop3A_646 = arith.constant 16 : i32
        %parallel_loop3A_647 = arith.muli %parallel_loop3A_175, %parallel_loop3A_646 : i32
        %parallel_loop3A_648 = arith.constant 46 : i32
        %parallel_loop3A_649 = arith.index_cast %parallel_loop3A_648 : i32 to index
        %parallel_loop3A_650 = arith.index_cast %parallel_loop3A_647 : i32 to index
        %parallel_loop3A_651 = tpu.vector_load %arg8[%parallel_loop3A_649, %parallel_loop3A_650] {strides = array<i32>} : memref<64x512xf32, #tpu.memory_space<vmem>>, vector<16xf32>,
        tpu.vector_store %arg8[%parallel_loop3A_649, %parallel_loop3A_650], %parallel_loop3A_645 {strides = array<i32>} : memref<64x512xf32, #tpu.memory_space<vmem>>, vector<16xf32>,
        %parallel_loop3A_652 = arith.constant 6016 : i32
        %parallel_loop3A_653 = vector.broadcast %parallel_loop3A_652 : i32 to vector<16xi32>
        %parallel_loop3A_654 = arith.addi %parallel_loop3A_181, %parallel_loop3A_653 : vector<16xi32>
        %parallel_loop3A_655 = tpu.vector_load_idx %arg5[%parallel_loop3A_654] : memref<8192xf32, #tpu.memory_space<vmem>>[vector<16xi32>], vector<16xf32>,
        %parallel_loop3A_656 = arith.constant 16 : i32
        %parallel_loop3A_657 = arith.muli %parallel_loop3A_175, %parallel_loop3A_656 : i32
        %parallel_loop3A_658 = arith.constant 47 : i32
        %parallel_loop3A_659 = arith.index_cast %parallel_loop3A_658 : i32 to index
        %parallel_loop3A_660 = arith.index_cast %parallel_loop3A_657 : i32 to index
        %parallel_loop3A_661 = tpu.vector_load %arg8[%parallel_loop3A_659, %parallel_loop3A_660] {strides = array<i32>} : memref<64x512xf32, #tpu.memory_space<vmem>>, vector<16xf32>,
        tpu.vector_store %arg8[%parallel_loop3A_659, %parallel_loop3A_660], %parallel_loop3A_655 {strides = array<i32>} : memref<64x512xf32, #tpu.memory_space<vmem>>, vector<16xf32>,
        %parallel_loop3A_662 = arith.constant 6144 : i32
        %parallel_loop3A_663 = vector.broadcast %parallel_loop3A_662 : i32 to vector<16xi32>
        %parallel_loop3A_664 = arith.addi %parallel_loop3A_181, %parallel_loop3A_663 : vector<16xi32>
        %parallel_loop3A_665 = tpu.vector_load_idx %arg5[%parallel_loop3A_664] : memref<8192xf32, #tpu.memory_space<vmem>>[vector<16xi32>], vector<16xf32>,
        %parallel_loop3A_666 = arith.constant 16 : i32
        %parallel_loop3A_667 = arith.muli %parallel_loop3A_175, %parallel_loop3A_666 : i32
        %parallel_loop3A_668 = arith.constant 48 : i32
        %parallel_loop3A_669 = arith.index_cast %parallel_loop3A_668 : i32 to index
        %parallel_loop3A_670 = arith.index_cast %parallel_loop3A_667 : i32 to index
        %parallel_loop3A_671 = tpu.vector_load %arg8[%parallel_loop3A_669, %parallel_loop3A_670] {strides = array<i32>} : memref<64x512xf32, #tpu.memory_space<vmem>>, vector<16xf32>,
        tpu.vector_store %arg8[%parallel_loop3A_669, %parallel_loop3A_670], %parallel_loop3A_665 {strides = array<i32>} : memref<64x512xf32, #tpu.memory_space<vmem>>, vector<16xf32>,
        %parallel_loop3A_672 = arith.constant 6272 : i32
        %parallel_loop3A_673 = vector.broadcast %parallel_loop3A_672 : i32 to vector<16xi32>
        %parallel_loop3A_674 = arith.addi %parallel_loop3A_181, %parallel_loop3A_673 : vector<16xi32>
        %parallel_loop3A_675 = tpu.vector_load_idx %arg5[%parallel_loop3A_674] : memref<8192xf32, #tpu.memory_space<vmem>>[vector<16xi32>], vector<16xf32>,
        %parallel_loop3A_676 = arith.constant 16 : i32
        %parallel_loop3A_677 = arith.muli %parallel_loop3A_175, %parallel_loop3A_676 : i32
        %parallel_loop3A_678 = arith.constant 49 : i32
        %parallel_loop3A_679 = arith.index_cast %parallel_loop3A_678 : i32 to index
        %parallel_loop3A_680 = arith.index_cast %parallel_loop3A_677 : i32 to index
        %parallel_loop3A_681 = tpu.vector_load %arg8[%parallel_loop3A_679, %parallel_loop3A_680] {strides = array<i32>} : memref<64x512xf32, #tpu.memory_space<vmem>>, vector<16xf32>,
        tpu.vector_store %arg8[%parallel_loop3A_679, %parallel_loop3A_680], %parallel_loop3A_675 {strides = array<i32>} : memref<64x512xf32, #tpu.memory_space<vmem>>, vector<16xf32>,
        %parallel_loop3A_682 = arith.constant 6400 : i32
        %parallel_loop3A_683 = vector.broadcast %parallel_loop3A_682 : i32 to vector<16xi32>
        %parallel_loop3A_684 = arith.addi %parallel_loop3A_181, %parallel_loop3A_683 : vector<16xi32>
        %parallel_loop3A_685 = tpu.vector_load_idx %arg5[%parallel_loop3A_684] : memref<8192xf32, #tpu.memory_space<vmem>>[vector<16xi32>], vector<16xf32>,
        %parallel_loop3A_686 = arith.constant 16 : i32
        %parallel_loop3A_687 = arith.muli %parallel_loop3A_175, %parallel_loop3A_686 : i32
        %parallel_loop3A_688 = arith.constant 50 : i32
        %parallel_loop3A_689 = arith.index_cast %parallel_loop3A_688 : i32 to index
        %parallel_loop3A_690 = arith.index_cast %parallel_loop3A_687 : i32 to index
        %parallel_loop3A_691 = tpu.vector_load %arg8[%parallel_loop3A_689, %parallel_loop3A_690] {strides = array<i32>} : memref<64x512xf32, #tpu.memory_space<vmem>>, vector<16xf32>,
        tpu.vector_store %arg8[%parallel_loop3A_689, %parallel_loop3A_690], %parallel_loop3A_685 {strides = array<i32>} : memref<64x512xf32, #tpu.memory_space<vmem>>, vector<16xf32>,
        %parallel_loop3A_692 = arith.constant 6528 : i32
        %parallel_loop3A_693 = vector.broadcast %parallel_loop3A_692 : i32 to vector<16xi32>
        %parallel_loop3A_694 = arith.addi %parallel_loop3A_181, %parallel_loop3A_693 : vector<16xi32>
        %parallel_loop3A_695 = tpu.vector_load_idx %arg5[%parallel_loop3A_694] : memref<8192xf32, #tpu.memory_space<vmem>>[vector<16xi32>], vector<16xf32>,
        %parallel_loop3A_696 = arith.constant 16 : i32
        %parallel_loop3A_697 = arith.muli %parallel_loop3A_175, %parallel_loop3A_696 : i32
        %parallel_loop3A_698 = arith.constant 51 : i32
        %parallel_loop3A_699 = arith.index_cast %parallel_loop3A_698 : i32 to index
        %parallel_loop3A_700 = arith.index_cast %parallel_loop3A_697 : i32 to index
        %parallel_loop3A_701 = tpu.vector_load %arg8[%parallel_loop3A_699, %parallel_loop3A_700] {strides = array<i32>} : memref<64x512xf32, #tpu.memory_space<vmem>>, vector<16xf32>,
        tpu.vector_store %arg8[%parallel_loop3A_699, %parallel_loop3A_700], %parallel_loop3A_695 {strides = array<i32>} : memref<64x512xf32, #tpu.memory_space<vmem>>, vector<16xf32>,
        %parallel_loop3A_702 = arith.constant 6656 : i32
        %parallel_loop3A_703 = vector.broadcast %parallel_loop3A_702 : i32 to vector<16xi32>
        %parallel_loop3A_704 = arith.addi %parallel_loop3A_181, %parallel_loop3A_703 : vector<16xi32>
        %parallel_loop3A_705 = tpu.vector_load_idx %arg5[%parallel_loop3A_704] : memref<8192xf32, #tpu.memory_space<vmem>>[vector<16xi32>], vector<16xf32>,
        %parallel_loop3A_706 = arith.constant 16 : i32
        %parallel_loop3A_707 = arith.muli %parallel_loop3A_175, %parallel_loop3A_706 : i32
        %parallel_loop3A_708 = arith.constant 52 : i32
        %parallel_loop3A_709 = arith.index_cast %parallel_loop3A_708 : i32 to index
        %parallel_loop3A_710 = arith.index_cast %parallel_loop3A_707 : i32 to index
        %parallel_loop3A_711 = tpu.vector_load %arg8[%parallel_loop3A_709, %parallel_loop3A_710] {strides = array<i32>} : memref<64x512xf32, #tpu.memory_space<vmem>>, vector<16xf32>,
        tpu.vector_store %arg8[%parallel_loop3A_709, %parallel_loop3A_710], %parallel_loop3A_705 {strides = array<i32>} : memref<64x512xf32, #tpu.memory_space<vmem>>, vector<16xf32>,
        %parallel_loop3A_712 = arith.constant 6784 : i32
        %parallel_loop3A_713 = vector.broadcast %parallel_loop3A_712 : i32 to vector<16xi32>
        %parallel_loop3A_714 = arith.addi %parallel_loop3A_181, %parallel_loop3A_713 : vector<16xi32>
        %parallel_loop3A_715 = tpu.vector_load_idx %arg5[%parallel_loop3A_714] : memref<8192xf32, #tpu.memory_space<vmem>>[vector<16xi32>], vector<16xf32>,
        %parallel_loop3A_716 = arith.constant 16 : i32
        %parallel_loop3A_717 = arith.muli %parallel_loop3A_175, %parallel_loop3A_716 : i32
        %parallel_loop3A_718 = arith.constant 53 : i32
        %parallel_loop3A_719 = arith.index_cast %parallel_loop3A_718 : i32 to index
        %parallel_loop3A_720 = arith.index_cast %parallel_loop3A_717 : i32 to index
        %parallel_loop3A_721 = tpu.vector_load %arg8[%parallel_loop3A_719, %parallel_loop3A_720] {strides = array<i32>} : memref<64x512xf32, #tpu.memory_space<vmem>>, vector<16xf32>,
        tpu.vector_store %arg8[%parallel_loop3A_719, %parallel_loop3A_720], %parallel_loop3A_715 {strides = array<i32>} : memref<64x512xf32, #tpu.memory_space<vmem>>, vector<16xf32>,
        %parallel_loop3A_722 = arith.constant 6912 : i32
        %parallel_loop3A_723 = vector.broadcast %parallel_loop3A_722 : i32 to vector<16xi32>
        %parallel_loop3A_724 = arith.addi %parallel_loop3A_181, %parallel_loop3A_723 : vector<16xi32>
        %parallel_loop3A_725 = tpu.vector_load_idx %arg5[%parallel_loop3A_724] : memref<8192xf32, #tpu.memory_space<vmem>>[vector<16xi32>], vector<16xf32>,
        %parallel_loop3A_726 = arith.constant 16 : i32
        %parallel_loop3A_727 = arith.muli %parallel_loop3A_175, %parallel_loop3A_726 : i32
        %parallel_loop3A_728 = arith.constant 54 : i32
        %parallel_loop3A_729 = arith.index_cast %parallel_loop3A_728 : i32 to index
        %parallel_loop3A_730 = arith.index_cast %parallel_loop3A_727 : i32 to index
        %parallel_loop3A_731 = tpu.vector_load %arg8[%parallel_loop3A_729, %parallel_loop3A_730] {strides = array<i32>} : memref<64x512xf32, #tpu.memory_space<vmem>>, vector<16xf32>,
        tpu.vector_store %arg8[%parallel_loop3A_729, %parallel_loop3A_730], %parallel_loop3A_725 {strides = array<i32>} : memref<64x512xf32, #tpu.memory_space<vmem>>, vector<16xf32>,
        %parallel_loop3A_732 = arith.constant 7040 : i32
        %parallel_loop3A_733 = vector.broadcast %parallel_loop3A_732 : i32 to vector<16xi32>
        %parallel_loop3A_734 = arith.addi %parallel_loop3A_181, %parallel_loop3A_733 : vector<16xi32>
        %parallel_loop3A_735 = tpu.vector_load_idx %arg5[%parallel_loop3A_734] : memref<8192xf32, #tpu.memory_space<vmem>>[vector<16xi32>], vector<16xf32>,
        %parallel_loop3A_736 = arith.constant 16 : i32
        %parallel_loop3A_737 = arith.muli %parallel_loop3A_175, %parallel_loop3A_736 : i32
        %parallel_loop3A_738 = arith.constant 55 : i32
        %parallel_loop3A_739 = arith.index_cast %parallel_loop3A_738 : i32 to index
        %parallel_loop3A_740 = arith.index_cast %parallel_loop3A_737 : i32 to index
        %parallel_loop3A_741 = tpu.vector_load %arg8[%parallel_loop3A_739, %parallel_loop3A_740] {strides = array<i32>} : memref<64x512xf32, #tpu.memory_space<vmem>>, vector<16xf32>,
        tpu.vector_store %arg8[%parallel_loop3A_739, %parallel_loop3A_740], %parallel_loop3A_735 {strides = array<i32>} : memref<64x512xf32, #tpu.memory_space<vmem>>, vector<16xf32>,
        %parallel_loop3A_742 = arith.constant 7168 : i32
        %parallel_loop3A_743 = vector.broadcast %parallel_loop3A_742 : i32 to vector<16xi32>
        %parallel_loop3A_744 = arith.addi %parallel_loop3A_181, %parallel_loop3A_743 : vector<16xi32>
        %parallel_loop3A_745 = tpu.vector_load_idx %arg5[%parallel_loop3A_744] : memref<8192xf32, #tpu.memory_space<vmem>>[vector<16xi32>], vector<16xf32>,
        %parallel_loop3A_746 = arith.constant 16 : i32
        %parallel_loop3A_747 = arith.muli %parallel_loop3A_175, %parallel_loop3A_746 : i32
        %parallel_loop3A_748 = arith.constant 56 : i32
        %parallel_loop3A_749 = arith.index_cast %parallel_loop3A_748 : i32 to index
        %parallel_loop3A_750 = arith.index_cast %parallel_loop3A_747 : i32 to index
        %parallel_loop3A_751 = tpu.vector_load %arg8[%parallel_loop3A_749, %parallel_loop3A_750] {strides = array<i32>} : memref<64x512xf32, #tpu.memory_space<vmem>>, vector<16xf32>,
        tpu.vector_store %arg8[%parallel_loop3A_749, %parallel_loop3A_750], %parallel_loop3A_745 {strides = array<i32>} : memref<64x512xf32, #tpu.memory_space<vmem>>, vector<16xf32>,
        %parallel_loop3A_752 = arith.constant 7296 : i32
        %parallel_loop3A_753 = vector.broadcast %parallel_loop3A_752 : i32 to vector<16xi32>
        %parallel_loop3A_754 = arith.addi %parallel_loop3A_181, %parallel_loop3A_753 : vector<16xi32>
        %parallel_loop3A_755 = tpu.vector_load_idx %arg5[%parallel_loop3A_754] : memref<8192xf32, #tpu.memory_space<vmem>>[vector<16xi32>], vector<16xf32>,
        %parallel_loop3A_756 = arith.constant 16 : i32
        %parallel_loop3A_757 = arith.muli %parallel_loop3A_175, %parallel_loop3A_756 : i32
        %parallel_loop3A_758 = arith.constant 57 : i32
        %parallel_loop3A_759 = arith.index_cast %parallel_loop3A_758 : i32 to index
        %parallel_loop3A_760 = arith.index_cast %parallel_loop3A_757 : i32 to index
        %parallel_loop3A_761 = tpu.vector_load %arg8[%parallel_loop3A_759, %parallel_loop3A_760] {strides = array<i32>} : memref<64x512xf32, #tpu.memory_space<vmem>>, vector<16xf32>,
        tpu.vector_store %arg8[%parallel_loop3A_759, %parallel_loop3A_760], %parallel_loop3A_755 {strides = array<i32>} : memref<64x512xf32, #tpu.memory_space<vmem>>, vector<16xf32>,
        %parallel_loop3A_762 = arith.constant 7424 : i32
        %parallel_loop3A_763 = vector.broadcast %parallel_loop3A_762 : i32 to vector<16xi32>
        %parallel_loop3A_764 = arith.addi %parallel_loop3A_181, %parallel_loop3A_763 : vector<16xi32>
        %parallel_loop3A_765 = tpu.vector_load_idx %arg5[%parallel_loop3A_764] : memref<8192xf32, #tpu.memory_space<vmem>>[vector<16xi32>], vector<16xf32>,
        %parallel_loop3A_766 = arith.constant 16 : i32
        %parallel_loop3A_767 = arith.muli %parallel_loop3A_175, %parallel_loop3A_766 : i32
        %parallel_loop3A_768 = arith.constant 58 : i32
        %parallel_loop3A_769 = arith.index_cast %parallel_loop3A_768 : i32 to index
        %parallel_loop3A_770 = arith.index_cast %parallel_loop3A_767 : i32 to index
        %parallel_loop3A_771 = tpu.vector_load %arg8[%parallel_loop3A_769, %parallel_loop3A_770] {strides = array<i32>} : memref<64x512xf32, #tpu.memory_space<vmem>>, vector<16xf32>,
        tpu.vector_store %arg8[%parallel_loop3A_769, %parallel_loop3A_770], %parallel_loop3A_765 {strides = array<i32>} : memref<64x512xf32, #tpu.memory_space<vmem>>, vector<16xf32>,
        %parallel_loop3A_772 = arith.constant 7552 : i32
        %parallel_loop3A_773 = vector.broadcast %parallel_loop3A_772 : i32 to vector<16xi32>
        %parallel_loop3A_774 = arith.addi %parallel_loop3A_181, %parallel_loop3A_773 : vector<16xi32>
        %parallel_loop3A_775 = tpu.vector_load_idx %arg5[%parallel_loop3A_774] : memref<8192xf32, #tpu.memory_space<vmem>>[vector<16xi32>], vector<16xf32>,
        %parallel_loop3A_776 = arith.constant 16 : i32
        %parallel_loop3A_777 = arith.muli %parallel_loop3A_175, %parallel_loop3A_776 : i32
        %parallel_loop3A_778 = arith.constant 59 : i32
        %parallel_loop3A_779 = arith.index_cast %parallel_loop3A_778 : i32 to index
        %parallel_loop3A_780 = arith.index_cast %parallel_loop3A_777 : i32 to index
        %parallel_loop3A_781 = tpu.vector_load %arg8[%parallel_loop3A_779, %parallel_loop3A_780] {strides = array<i32>} : memref<64x512xf32, #tpu.memory_space<vmem>>, vector<16xf32>,
        tpu.vector_store %arg8[%parallel_loop3A_779, %parallel_loop3A_780], %parallel_loop3A_775 {strides = array<i32>} : memref<64x512xf32, #tpu.memory_space<vmem>>, vector<16xf32>,
        %parallel_loop3A_782 = arith.constant 7680 : i32
        %parallel_loop3A_783 = vector.broadcast %parallel_loop3A_782 : i32 to vector<16xi32>
        %parallel_loop3A_784 = arith.addi %parallel_loop3A_181, %parallel_loop3A_783 : vector<16xi32>
        %parallel_loop3A_785 = tpu.vector_load_idx %arg5[%parallel_loop3A_784] : memref<8192xf32, #tpu.memory_space<vmem>>[vector<16xi32>], vector<16xf32>,
        %parallel_loop3A_786 = arith.constant 16 : i32
        %parallel_loop3A_787 = arith.muli %parallel_loop3A_175, %parallel_loop3A_786 : i32
        %parallel_loop3A_788 = arith.constant 60 : i32
        %parallel_loop3A_789 = arith.index_cast %parallel_loop3A_788 : i32 to index
        %parallel_loop3A_790 = arith.index_cast %parallel_loop3A_787 : i32 to index
        %parallel_loop3A_791 = tpu.vector_load %arg8[%parallel_loop3A_789, %parallel_loop3A_790] {strides = array<i32>} : memref<64x512xf32, #tpu.memory_space<vmem>>, vector<16xf32>,
        tpu.vector_store %arg8[%parallel_loop3A_789, %parallel_loop3A_790], %parallel_loop3A_785 {strides = array<i32>} : memref<64x512xf32, #tpu.memory_space<vmem>>, vector<16xf32>,
        %parallel_loop3A_792 = arith.constant 7808 : i32
        %parallel_loop3A_793 = vector.broadcast %parallel_loop3A_792 : i32 to vector<16xi32>
        %parallel_loop3A_794 = arith.addi %parallel_loop3A_181, %parallel_loop3A_793 : vector<16xi32>
        %parallel_loop3A_795 = tpu.vector_load_idx %arg5[%parallel_loop3A_794] : memref<8192xf32, #tpu.memory_space<vmem>>[vector<16xi32>], vector<16xf32>,
        %parallel_loop3A_796 = arith.constant 16 : i32
        %parallel_loop3A_797 = arith.muli %parallel_loop3A_175, %parallel_loop3A_796 : i32
        %parallel_loop3A_798 = arith.constant 61 : i32
        %parallel_loop3A_799 = arith.index_cast %parallel_loop3A_798 : i32 to index
        %parallel_loop3A_800 = arith.index_cast %parallel_loop3A_797 : i32 to index
        %parallel_loop3A_801 = tpu.vector_load %arg8[%parallel_loop3A_799, %parallel_loop3A_800] {strides = array<i32>} : memref<64x512xf32, #tpu.memory_space<vmem>>, vector<16xf32>,
        tpu.vector_store %arg8[%parallel_loop3A_799, %parallel_loop3A_800], %parallel_loop3A_795 {strides = array<i32>} : memref<64x512xf32, #tpu.memory_space<vmem>>, vector<16xf32>,
        %parallel_loop3A_802 = arith.constant 7936 : i32
        %parallel_loop3A_803 = vector.broadcast %parallel_loop3A_802 : i32 to vector<16xi32>
        %parallel_loop3A_804 = arith.addi %parallel_loop3A_181, %parallel_loop3A_803 : vector<16xi32>
        %parallel_loop3A_805 = tpu.vector_load_idx %arg5[%parallel_loop3A_804] : memref<8192xf32, #tpu.memory_space<vmem>>[vector<16xi32>], vector<16xf32>,
        %parallel_loop3A_806 = arith.constant 16 : i32
        %parallel_loop3A_807 = arith.muli %parallel_loop3A_175, %parallel_loop3A_806 : i32
        %parallel_loop3A_808 = arith.constant 62 : i32
        %parallel_loop3A_809 = arith.index_cast %parallel_loop3A_808 : i32 to index
        %parallel_loop3A_810 = arith.index_cast %parallel_loop3A_807 : i32 to index
        %parallel_loop3A_811 = tpu.vector_load %arg8[%parallel_loop3A_809, %parallel_loop3A_810] {strides = array<i32>} : memref<64x512xf32, #tpu.memory_space<vmem>>, vector<16xf32>,
        tpu.vector_store %arg8[%parallel_loop3A_809, %parallel_loop3A_810], %parallel_loop3A_805 {strides = array<i32>} : memref<64x512xf32, #tpu.memory_space<vmem>>, vector<16xf32>,
        %parallel_loop3A_812 = arith.constant 8064 : i32
        %parallel_loop3A_813 = vector.broadcast %parallel_loop3A_812 : i32 to vector<16xi32>
        %parallel_loop3A_814 = arith.addi %parallel_loop3A_181, %parallel_loop3A_813 : vector<16xi32>
        %parallel_loop3A_815 = tpu.vector_load_idx %arg5[%parallel_loop3A_814] : memref<8192xf32, #tpu.memory_space<vmem>>[vector<16xi32>], vector<16xf32>,
        %parallel_loop3A_816 = arith.constant 16 : i32
        %parallel_loop3A_817 = arith.muli %parallel_loop3A_175, %parallel_loop3A_816 : i32
        %parallel_loop3A_818 = arith.constant 63 : i32
        %parallel_loop3A_819 = arith.index_cast %parallel_loop3A_818 : i32 to index
        %parallel_loop3A_820 = arith.index_cast %parallel_loop3A_817 : i32 to index
        %parallel_loop3A_821 = tpu.vector_load %arg8[%parallel_loop3A_819, %parallel_loop3A_820] {strides = array<i32>} : memref<64x512xf32, #tpu.memory_space<vmem>>, vector<16xf32>,
        tpu.vector_store %arg8[%parallel_loop3A_819, %parallel_loop3A_820], %parallel_loop3A_815 {strides = array<i32>} : memref<64x512xf32, #tpu.memory_space<vmem>>, vector<16xf32>,
      } {sc.loop_unroll_factor = 4 : i64, sc.parallel_access}
      %dma_start3A_169 = arith.constant 0 : i32
      %dma_start3A_170 = tpu.memref_slice %arg4[%select_n3A_123, %dma_start3A_169, %add3A_142] : memref<200x64x16384xf32, #tpu.memory_space<hbm>> -> memref<1x64x512xf32, #tpu.memory_space<hbm>>
      %dma_start3A_171 = tpu.memref_squeeze %dma_start3A_170 : memref<1x64x512xf32, #tpu.memory_space<hbm>> -> memref<64x512xf32, #tpu.memory_space<hbm>>
      %dma_start3A_172 = arith.constant 0 : i32
      %dma_start3A_173 = tpu.memref_slice %arg4[%select_n3A_123, %dma_start3A_172, %add3A_142] : memref<200x64x16384xf32, #tpu.memory_space<hbm>> -> memref<1x64x512xf32, #tpu.memory_space<hbm>>
      %dma_start3A_174 = tpu.memref_squeeze %dma_start3A_173 : memref<1x64x512xf32, #tpu.memory_space<hbm>> -> memref<64x512xf32, #tpu.memory_space<hbm>>
      tpu.enqueue_dma source(%arg8 : memref<64x512xf32, #tpu.memory_space<vmem>>) target(%dma_start3A_174 : memref<64x512xf32, #tpu.memory_space<hbm>>) target_semaphore(%arg12 : memref<!tpu.dma_semaphore, #tpu.memory_space<semaphore_mem>>)
    }
    %scan3A_16 = arith.constant 100 : i32
    %dma_wait3A = arith.constant 0 : i32
    %dma_wait3A_17 = arith.constant 0 : i32
    %dma_wait3A_18 = tpu.memref_slice %arg4[%dma_wait3A, %dma_wait3A_17, %mul3A_2] : memref<200x64x16384xf32, #tpu.memory_space<hbm>> -> memref<1x64x512xf32, #tpu.memory_space<hbm>>
    %dma_wait3A_19 = tpu.memref_squeeze %dma_wait3A_18 : memref<1x64x512xf32, #tpu.memory_space<hbm>> -> memref<64x512xf32, #tpu.memory_space<hbm>>
    %dma_wait3A_20 = arith.constant 0 : i32
    %dma_wait3A_21 = tpu.memref_slice %arg4[%dma_wait3A, %dma_wait3A_20, %mul3A_2] : memref<200x64x16384xf32, #tpu.memory_space<hbm>> -> memref<1x64x512xf32, #tpu.memory_space<hbm>>
    %dma_wait3A_22 = tpu.memref_squeeze %dma_wait3A_21 : memref<1x64x512xf32, #tpu.memory_space<hbm>> -> memref<64x512xf32, #tpu.memory_space<hbm>>
    tpu.wait_dma2 semaphore(%arg11 : memref<!tpu.dma_semaphore, #tpu.memory_space<semaphore_mem>>) src(%arg7 : memref<64x512xf32, #tpu.memory_space<vmem>>) dst(%dma_wait3A_22 : memref<64x512xf32, #tpu.memory_space<hbm>>)
    %dma_wait3A_23 = arith.constant 0 : i32
    %dma_wait3A_24 = arith.constant 0 : i32
    %dma_wait3A_25 = tpu.memref_slice %arg4[%dma_wait3A_23, %dma_wait3A_24, %mul3A_2] : memref<200x64x16384xf32, #tpu.memory_space<hbm>> -> memref<1x64x512xf32, #tpu.memory_space<hbm>>
    %dma_wait3A_26 = tpu.memref_squeeze %dma_wait3A_25 : memref<1x64x512xf32, #tpu.memory_space<hbm>> -> memref<64x512xf32, #tpu.memory_space<hbm>>
    %dma_wait3A_27 = arith.constant 0 : i32
    %dma_wait3A_28 = tpu.memref_slice %arg4[%dma_wait3A_23, %dma_wait3A_27, %mul3A_2] : memref<200x64x16384xf32, #tpu.memory_space<hbm>> -> memref<1x64x512xf32, #tpu.memory_space<hbm>>
    %dma_wait3A_29 = tpu.memref_squeeze %dma_wait3A_28 : memref<1x64x512xf32, #tpu.memory_space<hbm>> -> memref<64x512xf32, #tpu.memory_space<hbm>>
    tpu.wait_dma2 semaphore(%arg12 : memref<!tpu.dma_semaphore, #tpu.memory_space<semaphore_mem>>) src(%arg8 : memref<64x512xf32, #tpu.memory_space<vmem>>) dst(%dma_wait3A_29 : memref<64x512xf32, #tpu.memory_space<hbm>>)
    return
  }
}

module attributes {stable_mosaic.version = 14 : i64} {
  func.func @_transform_body(%arg0: memref<64x64xf32, #tpu.memory_space<vmem>>, %arg1: memref<128x64xf32, #tpu.memory_space<vmem>>, %arg2: memref<64x1xf32, #tpu.memory_space<vmem>>, %arg3: memref<64x128xf32, #tpu.memory_space<vmem>>) attributes {dimension_semantics = [], scalar_prefetch = 0 : i64, scratch_operands = 0 : i64, tpu.core_type = #tpu.core_type<tc>} {
    %get3A = arith.constant 0 : index
    %get3A_0 = arith.constant 0 : index
    %get3A_1 = vector.load %arg0[%get3A, %get3A_0] : memref<64x64xf32, #tpu.memory_space<vmem>>, vector<64x64xf32>
    %get3A_2 = arith.constant 0 : index
    %get3A_3 = arith.constant 0 : index
    %get3A_4 = vector.load %arg1[%get3A_2, %get3A_3] : memref<128x64xf32, #tpu.memory_space<vmem>>, vector<128x64xf32>
    %dot_general3A = arith.constant dense<0.000000e+00> : vector<64x128xf32>
    %dot_general3A_5 = tpu.matmul %get3A_1, %get3A_4, %dot_general3A {dimension_numbers = #tpu.dot_dimension_numbers<[1], [1], [0], [0], [0, 0, 1, 0], [], []>, transpose_lhs_hint = false} : vector<64x64xf32>, vector<128x64xf32>, vector<64x128xf32> -> vector<64x128xf32>
    %get3A_6 = arith.constant 0 : index
    %get3A_7 = arith.constant 0 : index
    %get3A_8 = vector.load %arg2[%get3A_6, %get3A_7] : memref<64x1xf32, #tpu.memory_space<vmem>>, vector<64x1xf32>
    %add3A = vector.broadcast %get3A_8 : vector<64x1xf32> to vector<64x128xf32>
    %add3A_9 = arith.addf %dot_general3A_5, %add3A : vector<64x128xf32>
    %swap3A = arith.constant 0 : index
    %swap3A_10 = arith.constant 0 : index
    %swap3A_11 = vector.load %arg3[%swap3A, %swap3A_10] : memref<64x128xf32, #tpu.memory_space<vmem>>, vector<64x128xf32>
    tpu.vector_store %arg3[%swap3A, %swap3A_10], %add3A_9 {strides = array<i32>} : memref<64x128xf32, #tpu.memory_space<vmem>>, vector<64x128xf32>,
    return
  }
}

</mosaic_0001>

<sc_bundles>
// kernel: kernel.4.cloned.1.call-start
scs
__scs_entry_jumppad:
0x0: {  	(pc) =	sbr.rel $0x88, $3  }
0x1: {  	(tag) =	ssettag $0x0;
	lr =	simm.s32 $0x1  }
0x2: {  	[smem:$0x3F9D] =	sst lr;
	_ =	strace $0xD0000000  }
0x3: {  	_ = 	snop  }
0x4: {  	_ = 	snop  }
0x5: {  	_ = 	snop  }
0x6: {  	_ = 	snop  }
0x7: {  	_ = 	snop  }
__scs_overlays_trampoline_lowered:
0x8: {  	[smem:$0x3FAC] =	sst s0  }
0x9: {  	[smem:$0x3FAD] =	sst s1  }
0xa: {  	[smem:$0x3FAE] =	sst s2  }
0xb: {  	[smem:$0x3FAF] =	sst s3  }
0xc: {  	[smem:$0x3FB0] =	sst s4  }
0xd: {  	[smem:$0x3FB1] =	sst s5  }
0xe: {  	[smem:$0x3FB2] =	sst s6  }
0xf: {  	[smem:$0x3FB3] =	sst s7  }
0x10: {  	[smem:$0x3FB4] =	sst s8  }
0x11: {  	[smem:$0x3FB5] =	sst s9;
	s0 =	simm.s32 @!p0 $0x0  }
0x12: {  	s1 =	sld [smem:$0x3F9B];
	s0 =	simm.s32 @p0 $0x1  }
0x13: {  	[smem:$0x3FB6] =	sst s0;
	s0 =	simm.s32 @!p1 $0x0  }
0x14: {  	s2 =	sld [smem:$0x3F9A];
	s0 =	simm.s32 @p1 $0x1  }
0x15: {  	[smem:$0x3FB7] =	sst s0;
	s0 =	simm.s32 @!p2 $0x0  }
0x16: {  	s3 =	sld [smem:$0x3FDB];
	s0 =	simm.s32 @p2 $0x1  }
0x17: {  	s4 =	simm.s32 $0x1BF5;
	[smem:$0x3FB9] =	sst s0  }
0x18: {  	s0 =	sld [smem:$0x3F9C];
	_ =	swait.ge [sflag:s4], $0x0  }
0x19: {  	s7 =	sld [smem:$0x3F9D]  }
0x1a: {  	s8 =	sadd.s32 $0xFFFFE003, lr  }
0x1b: {  	s9 =	sadd.s32 $0xFFFFFEF7, lr;
	s5 =	simm.s32 $0xFFFFFFFF;
	p2 =	slt.u32 s8, $0xFFFFF086  }
0x1c: {  	p1 =	slt.u32 s9, $0xF7A;
	s5 =	simm.s32 @!p2 $0x0  }
0x1d: {  	s5 =	simm.s32 @p1 $0x1;
	p0 =	seq.s32 s7, s2  }
0x1e: {  	s7 =	smul.u32 @!p0 $0xF7A, s2;
	p2 =	seq.s32 @!p0 s5, $0x0  }
0x1f: {  	s9 =	smul.u32 $0xF7A, s1;
	s8 =	simm.s32 @!p0 $0x1BF5;
	p2 =	por !p2, p0  }
0x20: {  	[sflag:s8] =	ssyncset.s32 @!p0 $0xFFFFF086;
	s6 =	sadd.s32 @!p0 s3, s7;
	s7 =	simm.s32 @!p0 $0x108  }
0x21: {  	s3 =	sadd.s32 s3, s9;
	s6 =	sadd.s32 @!p0 $0x88, s6;
	s7 =	simm.s32 @p2 $0x1082  }
0x22: {  	[simem:s7], [sflag:s8] =	dma.local @!p0 [hbm:s6], $0xF7A  }
0x23: {  	s9 =	sor.u32 $0xD0000000, s2;
	s6 =	simm.s32 $0x108;
	_ =	swait.ge @!p0 [sflag:s8], $0x0  }
0x24: {  	s3 =	sadd.s32 $0x88, s3;
	s6 =	simm.s32 @!p1 $0x1082;
	[sflag:s4] =	ssyncset.s32 $0xFFFFF086  }
0x25: {  	[simem:s6], [sflag:s4] =	dma.local [hbm:s3], $0xF7A  }
0x26: {  	[smem:$0x3F9D] =	sst s1;
	(tag) =	ssettag s2;
	_ =	strace s9  }
0x27: {  	s1 =	sld [smem:$0x3FAD]  }
0x28: {  	s2 =	sld [smem:$0x3FAE]  }
0x29: {  	s4 =	sld [smem:$0x3FB0]  }
0x2a: {  	p0 =	seq.s32 s5, $0x0;
	s5 =	sld [smem:$0x3FB1]  }
0x2b: {  	s6 =	sld [smem:$0x3FB2]  }
0x2c: {  	s7 =	sld [smem:$0x3FB3]  }
0x2d: {  	s3 =	simm.s32 $0x108;
	s8 =	sld [smem:$0x3FB4]  }
0x2e: {  	s3 =	simm.s32 @!p0 $0x1082;
	s9 =	sld [smem:$0x3FB5]  }
0x2f: {  	lr =	sadd.s32 s0, s3;
	s0 =	sld [smem:$0x3FAC]  }
0x30: {  	s3 =	sld [smem:$0x3FAF]  }
0x31: {  	[smem:$0x3FB8] =	sst s10  }
0x32: {  	s10 =	sld [smem:$0x3FB6];
	_ =	sdelay $0x3  }
0x33: {  	p0 =	seq.s32 s10, $0x1;
	s10 =	sld [smem:$0x3FB8];
	_ =	sdelay $0x3  }
0x34: {  	[smem:$0x3FB8] =	sst s10  }
0x35: {  	s10 =	sld [smem:$0x3FB7];
	_ =	sdelay $0x3  }
0x36: {  	p1 =	seq.s32 s10, $0x1;
	s10 =	sld [smem:$0x3FB8];
	_ =	sdelay $0x3  }
0x37: {  	[smem:$0x3FB8] =	sst s10  }
0x38: {  	s10 =	sld [smem:$0x3FB9]  }
0x39: {  	_ = 	snop;
	(pc) =	sbr.ind lr, $3  }
0x3a: {  	_ = 	snop  }
0x3b: {  	_ = 	snop  }
0x3c: {  	p2 =	seq.s32 s10, $0x1;
	s10 =	sld [smem:$0x3FB8]  }
0x3d: {  	_ =	shalt  }
0x3e: {  	_ =	shalt  }
0x3f: {  	_ =	shalt  }
0x40: {  	_ =	shalt  }
0x41: {  	_ =	shalt  }
0x42: {  	_ =	shalt  }
0x43: {  	_ =	shalt  }
0x44: {  	_ =	shalt  }
0x45: {  	_ =	shalt  }
0x46: {  	_ =	shalt  }
0x47: {  	_ =	shalt  }
0x48: {  	_ =	shalt  }
0x49: {  	_ =	shalt  }
0x4a: {  	_ =	shalt  }
0x4b: {  	_ =	shalt  }
0x4c: {  	_ =	shalt  }
0x4d: {  	_ =	shalt  }
0x4e: {  	_ =	shalt  }
0x4f: {  	_ =	shalt  }
0x50: {  	_ =	shalt  }
0x51: {  	_ =	shalt  }
0x52: {  	_ =	shalt  }
0x53: {  	_ =	shalt  }
0x54: {  	_ =	shalt  }
0x55: {  	_ =	shalt  }
0x56: {  	_ =	shalt  }
0x57: {  	_ =	shalt  }
0x58: {  	_ =	shalt  }
0x59: {  	_ =	shalt  }
0x5a: {  	_ =	shalt  }
0x5b: {  	_ =	shalt  }
0x5c: {  	_ =	shalt  }
0x5d: {  	_ =	shalt  }
0x5e: {  	_ =	shalt  }
0x5f: {  	_ =	shalt  }
0x60: {  	_ =	shalt  }
0x61: {  	_ =	shalt  }
0x62: {  	_ =	shalt  }
0x63: {  	_ =	shalt  }
0x64: {  	_ =	shalt  }
0x65: {  	_ =	shalt  }
0x66: {  	_ =	shalt  }
0x67: {  	_ =	shalt  }
0x68: {  	_ =	shalt  }
0x69: {  	_ =	shalt  }
0x6a: {  	_ =	shalt  }
0x6b: {  	_ =	shalt  }
0x6c: {  	_ =	shalt  }
0x6d: {  	_ =	shalt  }
0x6e: {  	_ =	shalt  }
0x6f: {  	_ =	shalt  }
0x70: {  	_ =	shalt  }
0x71: {  	_ =	shalt  }
0x72: {  	_ =	shalt  }
0x73: {  	_ =	shalt  }
0x74: {  	_ =	shalt  }
0x75: {  	_ =	shalt  }
0x76: {  	_ =	shalt  }
0x77: {  	_ =	shalt  }
0x78: {  	_ =	shalt  }
0x79: {  	_ =	shalt  }
0x7a: {  	_ =	shalt  }
0x7b: {  	_ =	shalt  }
0x7c: {  	_ =	shalt  }
0x7d: {  	_ =	shalt  }
0x7e: {  	_ =	shalt  }
0x7f: {  	_ =	shalt  }
0x80: {  	_ =	shalt  }
0x81: {  	_ =	shalt  }
0x82: {  	_ =	shalt  }
0x83: {  	_ =	shalt  }
0x84: {  	_ =	shalt  }
0x85: {  	_ =	shalt  }
0x86: {  	_ =	shalt  }
0x87: {  	_ =	shalt  }
.Lfunc_end0:
.L_simem_size_0:
called_computation_lowered:
.L_overlay_start_0:
0x88: {  	s2 =	sld [smem:$0x3FD9]  }
0x89: {  	s3 =	sld [smem:$0x3FFE];
	_ =	sdelay $0x1  }
0x8a: {  	s1 =	srdreg.scid  }
0x8b: {  	s0 =	sand.u32 $0x1, s1  }
0x8c: {  	s17 =	sshll.u32 s0, $0xA;
	s2 =	sadd.s32 s3, s2  }
0x8d: {  	s2 =	sadd.s32 s2, s17  }
0x8e: {  	[smem:$0x3FC4] =	sst s2  }
0x8f: {  	_ = 	snop  }
0x90: {  	s2 =	sld [smem:$0x3FC9]  }
0x91: {  	s18 =	sld [smem:$0x3FD0];
	(tm) =	ssettm $0x1  }
0x92: {  	s4 =	sld [smem:$0x3FFB];
	_ =	sdelay $0x3  }
0x93: {  	_ =	strace s4  }
0x94: {  	s4 =	sld [smem:$0x3FFC];
	_ =	sdelay $0x3  }
0x95: {  	_ =	strace s4  }
0x96: {  	s4 =	sld [smem:$0x3FFD];
	_ =	sdelay $0x3  }
0x97: {  	_ =	strace s4  }
0x98: {  	_ =	strace $0x8FFFFFFF  }
0x99: {  	s19 =	sld [smem:$0x3FDB];
	_ =	sdelay $0x1  }
0x9a: {  	s5 =	simm.s32 $_scs_section_size  }
0x9b: {  	s6 =	simm.s32 $_size__tile_overlayer_lowered;
	s7 =	simm.s32 $_tile_overlayer_lowered  }
0x9c: {  	s22 =	simm.s32 $0x1BFF;
	s21 =	sshll.u32 s7, $0x1;
	s4 =	sadd.s32 s5, s19  }
0x9d: {  	s8 =	simm.s32 $0x0;
	s20 =	sshll.u32 s6, $0x1;
	s6 =	sadd.s32 s21, s4  }
0x9e: {  	[timem:s8], [sflag:s22] =	dma.local [hbm:s6], s20  }
0x9f: {  	_ =	swait.ge [sflag:s22], s20  }
0xa0: {  	s5 =	ssub.s32 $0x0, s20;
	[sflag:s22] =	ssyncset.done $0x0  }
0xa1: {  	[sflag:s22] =	ssyncadd.s32 s5;
	_ =	sdelay $0x1  }
0xa2: {  	s23 =	simm.s32 $0x1B8B  }
0xa3: {  	_ =	swait.ge [sflag:s23], $0x1  }
0xa4: {  	[sflag:s23] =	ssyncset.done $0x0  }
0xa5: {  	s25 =	simm.s32 $0x1B8E;
	s24 =	sld [smem:$0x3FFE];
	[sflag:s23] =	ssyncadd.s32 $0xFFFFFFFF  }
0xa6: {  	s26 =	simm.s32 $execute0_lowered;
	[smem:$0x3FD2] =	sst s25  }
0xa7: {  	s6 =	sshll.u32 s26, $0x1;
	_ =	strace $0x80000046;
	[dreg:$0x1] =	wrdreg $0xFFFFFFFF  }
0xa8: {  	s28 =	simm.s32 $_size_execute0_lowered;
	s4 =	sadd.s32 s4, s6;
	[dreg:$0x0] =	wrdreg $0x0  }
0xa9: {  	s6 =	sshll.u32 s28, $0x1;
	[dreg:$0x2] =	wrdreg s4  }
0xaa: {  	[dreg:$0x3] =	wrdreg s6  }
0xab: {  	[dreg:$0x4] =	wrdreg $0xC0  }
0xac: {  	_ =	task [dreg:s8], $0x5FFFF  }
0xad: {  	[dreg:$0x1] =	wrdreg $0xFFFFFFFF  }
0xae: {  	[dreg:$0x0] =	wrdreg $0x60  }
0xaf: {  	[dreg:$0x2] =	wrdreg s24  }
0xb0: {  	[dreg:$0x3] =	wrdreg s2  }
0xb1: {  	[dreg:$0x4] =	wrdreg s18  }
0xb2: {  	[dreg:$0x5] =	wrdreg $0x9  }
0xb3: {  	_ =	task.clear_ibuf [dreg:s8], $0x6FFFF;
	_ =	strace $0x90000046  }
0xb4: {  	s29 =	simm.s32 $0x9;
	_ =	strace $0x80000048  }
0xb5: {  	_ =	swait.ge [sflag:s29], $0x1  }
0xb6: {  	[sflag:s29] =	ssyncadd.s32 $0xFFFFFFFF  }
0xb7: {  	_ =	strace $0x90000048  }
0xb8: {  	_ =	sfence  }
0xb9: {  	s30 =	sld [smem:$0x0];
	_ =	sdelay $0x2  }
0xba: {  	s31 =	sshll.u32 s1, $0xD;
	s1 =	sshrl.u32 s1, $0x2  }
0xbb: {  	s3 =	sand.u32 $0x4000, s31;
	s1 =	sadd.s32 s1, s30  }
0xbc: {  	s0 =	sor.u32 s3, s0;
	s1 =	sshll.u32 s1, $0x11  }
0xbd: {  	s0 =	sor.u32 s1, s0  }
0xbe: {  	s0 =	sadd.s32 $0x8F2B, s0  }
0xbf: {  	[sflag:s0] =	ssyncadd.remote.s32 $0x1  }
0xc0: {  	_ =	sfence.sel $0xFFFF  }
0xc1: {  	[dreg:$0x0] =	wrdreg $0xFFFFFFFF;
	(pc) =	sbr.abs _section_cstart, $3  }
0xc2: {  	[dreg:$0x1] =	wrdreg $0xFFFFFFFF  }
0xc3: {  	_ =	task.clear_ibuf [dreg:s8], $0x2FFFF;
	_ =	strace $0x9FFFFFFF  }
0xc4: {  	(tm) =	ssettm $0x7FFFFFFF  }
0xc5: {  	_ =	shalt  }
tec
execute0_lowered:
.L_overlay_start_1:
0x0: {  	(tag) =	ssettag $0x1  }
0x1: {  	s0 =	rddreg [dreg:$0x0]  }
0x2: {  	s2 =	rddreg [dreg:$0x1]  }
0x3: {  	s3 =	rddreg [dreg:$0x2];
	s1 =	srdreg.scid  }
0x4: {  	s5 =	stileid.u32;
	s4 =	simm.s32 $0x0;
	s10 =	simm.s32 $0x80  }
0x5: {  	s11 =	simm.s32 $0x400;
	s12 =	simm.s32 $0x2000;
	s13 =	simm.s32 $0x2200  }
0x6: {  	s14 =	simm.s32 $0x1;
	s15 =	simm.s32 $0x1000;
	s16 =	simm.s32 $0x20000  }
0x7: {  	s17 =	simm.s32 $0x2400;
	s18 =	simm.s32 $0x2;
	s1 =	sand.u32 $0x1, s1  }
0x8: {  	s5 =	sshll.u32 s5, $0xD;
	[smem:$0x7FF] =	sst s4;
	s6 =	sshll.u32 s1, $0xC  }
0x9: {  	s0 =	sadd.s32 $0x800, s0;
	s1 =	ssub.s32 $0x2, s1;
	s5 =	sor.u32 s6, s5  }
0xa: {  	_ =	strace $0x80000047;
	s29 =	sshrl.u32 s1, $0x1;
	s7 =	sshrl.u32 s5, $0x3  }
0xb: {  	[dreg:$0x4] =	wrdreg s0;
	s30 =	ssub.s32 s1, s29;
	s31 =	sadd.s32 s2, s7  }
0xc: {  	s19 =	simm.s32 $0x4;
	s0 =	smax.u32 s30, $0x1;
	[dreg:$0x5] =	wrdreg s31  }
0xd: {  	s20 =	simm.s32 $0xA400;
	s1 =	simm.s32 $0x0;
	[dreg:$0x6] =	wrdreg s0  }
.LBB2_1:
0xe: {  	[dreg:$0x7] =	wrdreg s1  }
0xf: {  	s0 =	rddreg [dreg:$0x4];
	s30 =	simm.s32 $0x5  }
0x10: {  	[tilespmem:s4], [sflag:$0x5] =	stream.linear.gather [hbm4b:s0+s4], $0x2000, $0x38;
	[tilespmem:$0x12400] =	vst v63  }
0x11: {  	_ =	swait.ge [sflag:s30], $0x2000  }
0x12: {  	[sflag:s30] =	ssyncset.done $0x0  }
0x13: {  	s23 =	simm.s32 $0x0;
	s31 =	rddreg [dreg:$0x5];
	[sflag:s30] =	ssyncadd.s32 $0xFFFFE000  }
0x14: {  	[tilespmem:s12], [sflag:$0x1] =	stream.strided.gather [hbm4b:s31+s10], $0x200, s11, s10, $0x38;
	[tilespmem:$0x12400] =	vst v63  }
.LBB2_2:
0x15: {  	s24 =	sshllo.u32 s23, $0x1  }
0x16: {  	s1 =	sshll.u32 s23, $0xF;
	s0 =	sshll.u32 s24, $0x7  }
0x17: {  	s1 =	sand.u32 $0x3E0000, s1;
	s0 =	sand.u32 $0x380, s0  }
0x18: {  	s0 =	sor.u32 s0, s1  }
0x19: {  	s0 =	sor.u32 s5, s0  }
0x1a: {  	s0 =	sshrl.u32 s0, $0x3  }
0x1b: {  	s0 =	sadd.s32 s2, s0  }
0x1c: {  	[tilespmem:s13], [sflag:$0x2] =	stream.strided.gather [hbm4b:s0+s10], $0x200, s11, s10, $0x38;
	[tilespmem:$0x12400] =	vst v63  }
0x1d: {  	_ =	swait.ge [sflag:s14], $0x200  }
0x1e: {  	p0 =	seq.s32 s23, $0x0;
	[sflag:s14] =	ssyncset.done $0x0  }
0x1f: {  	s0 =	simm.s32 @!p0 $0x3;
	[sflag:s14] =	ssyncadd.s32 $0xFFFFFE00  }
0x20: {  	s25 =	sshll.u32 s23, $0x1;
	s26 =	simm.s32 $0xFFFFFFFC;
	_ =	swait.ge @!p0 [sflag:s0], $0x8000  }
0x21: {  	p1 =	por $0x0, $0x0;
	s28 =	simm.s32 $0x0;
	[sflag:s0] =	ssyncset.done @!p0 $0x0  }
0x22: {  	s29 =	simm.s32 $0x2000;
	s30 =	simm.s32 $0x0;
	[sflag:s0] =	ssyncadd.s32 @!p0 $0xFFFF8000  }
.LBB2_3:
0x23: {  	v0 =	vld [tilespmem:s29+$0x0];
	_ =	sdelay $0x7  }
0x24: {  	v1 =	vld.idx.msk [tilespmem:v0+s4+$0x0], $0xffff  }
0x25: {  	v2 =	vadd.s32 $0x80, v0  }
0x26: {  	s0 =	sand.u32 $0xC00, s30  }
0x27: {  	s31 =	sand.u32 $0x40, s28;
	s9 =	sadd.s32 $0x2400, s0  }
0x28: {  	s1 =	sor.u32 s31, s9  }
0x29: {  	[tilespmem:s1+$0x0] =	vst v1  }
0x2a: {  	v1 =	vld.idx.msk [tilespmem:v2+s4+$0x0], $0xffff  }
0x2b: {  	v27 =	vadd.s32 $0x100, v0;
	_ =	sdelay $0x3  }
0x2c: {  	[tilespmem:s1+$0x80] =	vst v1  }
0x2d: {  	v1 =	vld.idx.msk [tilespmem:v27+s4+$0x0], $0xffff  }
0x2e: {  	v28 =	vadd.s32 $0x180, v0;
	_ =	sdelay $0x3  }
0x2f: {  	[tilespmem:s1+$0x100] =	vst v1  }
0x30: {  	v1 =	vld.idx.msk [tilespmem:v28+s4+$0x0], $0xffff  }
0x31: {  	v29 =	vadd.s32 $0x200, v0;
	_ =	sdelay $0x3  }
0x32: {  	[tilespmem:s1+$0x180] =	vst v1  }
0x33: {  	s1 =	simm.s32 $0x1;
	v1 =	vld.idx.msk [tilespmem:v29+s4+$0x0], $0xffff  }
0x34: {  	v30 =	vadd.s32 $0x280, v0;
	s1 =	simm.s32 @!p1 $0x0  }
0x35: {  	s1 =	sshll.u32 s1, $0x6  }
0x36: {  	s8 =	sadd.s32 s1, s30  }
0x37: {  	s1 =	sor.u32 $0x200, s8  }
0x38: {  	[tilespmem:s1+$0x2400] =	vst v1  }
0x39: {  	v1 =	vld.idx.msk [tilespmem:v30+s4+$0x0], $0xffff  }
0x3a: {  	v31 =	vadd.s32 $0x300, v0;
	_ =	sdelay $0x2  }
0x3b: {  	s6 =	sor.u32 $0x280, s8  }
0x3c: {  	[tilespmem:s6+$0x2400] =	vst v1  }
0x3d: {  	v1 =	vld.idx.msk [tilespmem:v31+s4+$0x0], $0xffff  }
0x3e: {  	v32 =	vadd.s32 $0x380, v0;
	_ =	sdelay $0x2  }
0x3f: {  	s7 =	sor.u32 $0x300, s8  }
0x40: {  	[tilespmem:s7+$0x2400] =	vst v1  }
0x41: {  	v1 =	vld.idx.msk [tilespmem:v32+s4+$0x0], $0xffff;
	_ =	sdelay $0x2  }
0x42: {  	s21 =	sor.u32 s30, s28;
	s6 =	sand.u32 $0x180, s28  }
0x43: {  	s1 =	sor.u32 $0x10, s31;
	s7 =	sor.u32 $0x380, s21;
	s21 =	sor.u32 $0x2000, s6  }
0x44: {  	s6 =	sor.u32 $0x20, s31;
	s22 =	sor.u32 s1, s21;
	[tilespmem:s7+$0x2400] =	vst v1  }
0x45: {  	s7 =	sor.u32 $0x30, s31;
	v2 =	vld [tilespmem:s22+$0x0];
	s22 =	sor.u32 s6, s21  }
0x46: {  	s21 =	sor.u32 s7, s21;
	v3 =	vld [tilespmem:s22+$0x0]  }
0x47: {  	v1 =	vld [tilespmem:s21+$0x0];
	_ =	sdelay $0x5  }
0x48: {  	v4 =	vld.idx.msk [tilespmem:v2+s4+$0x0], $0xffff  }
0x49: {  	v5 =	vadd.s32 $0x80, v2;
	v6 =	vld.idx.msk [tilespmem:v3+s4+$0x0], $0xffff  }
0x4a: {  	v7 =	vadd.s32 $0x80, v3;
	v8 =	vld.idx.msk [tilespmem:v1+s4+$0x0], $0xffff  }
0x4b: {  	v9 =	vadd.s32 $0x80, v1  }
0x4c: {  	s21 =	sor.u32 s1, s9  }
0x4d: {  	s22 =	sor.u32 s6, s9;
	[tilespmem:s21+$0x0] =	vst v4  }
0x4e: {  	s9 =	sor.u32 s7, s9;
	v4 =	vld.idx.msk [tilespmem:v5+s4+$0x0], $0xffff;
	[tilespmem:s22+$0x0] =	vst v6  }
0x4f: {  	v33 =	vadd.s32 $0x100, v2;
	[tilespmem:s9+$0x0] =	vst v8;
	v6 =	vld.idx.msk [tilespmem:v7+s4+$0x0], $0xffff  }
0x50: {  	v34 =	vadd.s32 $0x100, v3;
	v8 =	vld.idx.msk [tilespmem:v9+s4+$0x0], $0xffff  }
0x51: {  	v35 =	vadd.s32 $0x100, v1;
	_ =	sdelay $0x1  }
0x52: {  	[tilespmem:s21+$0x80] =	vst v4  }
0x53: {  	v4 =	vld.idx.msk [tilespmem:v33+s4+$0x0], $0xffff;
	[tilespmem:s22+$0x80] =	vst v6  }
0x54: {  	v36 =	vadd.s32 $0x180, v2;
	[tilespmem:s9+$0x80] =	vst v8;
	v6 =	vld.idx.msk [tilespmem:v34+s4+$0x0], $0xffff  }
0x55: {  	v37 =	vadd.s32 $0x180, v3;
	v8 =	vld.idx.msk [tilespmem:v35+s4+$0x0], $0xffff  }
0x56: {  	v38 =	vadd.s32 $0x180, v1;
	_ =	sdelay $0x1  }
0x57: {  	[tilespmem:s21+$0x100] =	vst v4  }
0x58: {  	v4 =	vld.idx.msk [tilespmem:v36+s4+$0x0], $0xffff;
	[tilespmem:s22+$0x100] =	vst v6  }
0x59: {  	v39 =	vadd.s32 $0x200, v2;
	[tilespmem:s9+$0x100] =	vst v8;
	v6 =	vld.idx.msk [tilespmem:v37+s4+$0x0], $0xffff  }
0x5a: {  	v40 =	vadd.s32 $0x200, v3;
	v8 =	vld.idx.msk [tilespmem:v38+s4+$0x0], $0xffff  }
0x5b: {  	v41 =	vadd.s32 $0x200, v1;
	_ =	sdelay $0x1  }
0x5c: {  	[tilespmem:s21+$0x180] =	vst v4  }
0x5d: {  	v4 =	vld.idx.msk [tilespmem:v39+s4+$0x0], $0xffff;
	[tilespmem:s22+$0x180] =	vst v6  }
0x5e: {  	v42 =	vadd.s32 $0x280, v2;
	[tilespmem:s9+$0x180] =	vst v8;
	v6 =	vld.idx.msk [tilespmem:v40+s4+$0x0], $0xffff  }
0x5f: {  	v43 =	vadd.s32 $0x280, v3;
	v8 =	vld.idx.msk [tilespmem:v41+s4+$0x0], $0xffff  }
0x60: {  	v44 =	vadd.s32 $0x280, v1;
	s9 =	sadd.s32 $0x10, s8  }
0x61: {  	s22 =	sadd.s32 $0x20, s8;
	s21 =	sor.u32 $0x200, s9  }
0x62: {  	s8 =	sadd.s32 $0x30, s8;
	[tilespmem:s21+$0x2400] =	vst v4;
	s21 =	sor.u32 $0x200, s22  }
0x63: {  	v4 =	vld.idx.msk [tilespmem:v42+s4+$0x0], $0xffff;
	[tilespmem:s21+$0x2400] =	vst v6;
	s21 =	sor.u32 $0x200, s8  }
0x64: {  	v45 =	vadd.s32 $0x300, v2;
	v6 =	vld.idx.msk [tilespmem:v43+s4+$0x0], $0xffff;
	[tilespmem:s21+$0x2400] =	vst v8  }
0x65: {  	v46 =	vadd.s32 $0x300, v3;
	v8 =	vld.idx.msk [tilespmem:v44+s4+$0x0], $0xffff  }
0x66: {  	v47 =	vadd.s32 $0x300, v1  }
0x67: {  	s21 =	sor.u32 $0x280, s9  }
0x68: {  	[tilespmem:s21+$0x2400] =	vst v4;
	s21 =	sor.u32 $0x280, s22  }
0x69: {  	v4 =	vld.idx.msk [tilespmem:v45+s4+$0x0], $0xffff;
	[tilespmem:s21+$0x2400] =	vst v6;
	s21 =	sor.u32 $0x280, s8  }
0x6a: {  	v48 =	vadd.s32 $0x380, v2;
	v6 =	vld.idx.msk [tilespmem:v46+s4+$0x0], $0xffff;
	[tilespmem:s21+$0x2400] =	vst v8  }
0x6b: {  	v49 =	vadd.s32 $0x380, v3;
	v8 =	vld.idx.msk [tilespmem:v47+s4+$0x0], $0xffff  }
0x6c: {  	v50 =	vadd.s32 $0x380, v1  }
0x6d: {  	s21 =	sor.u32 $0x300, s9  }
0x6e: {  	[tilespmem:s21+$0x2400] =	vst v4;
	s21 =	sor.u32 $0x300, s22  }
0x6f: {  	v51 =	vadd.s32 $0x400, v0;
	v5 =	vld.idx.msk [tilespmem:v48+s4+$0x0], $0xffff;
	[tilespmem:s21+$0x2400] =	vst v6;
	s21 =	sor.u32 $0x300, s8  }
0x70: {  	v52 =	vadd.s32 $0x400, v2;
	[tilespmem:s21+$0x2400] =	vst v8;
	v7 =	vld.idx.msk [tilespmem:v49+s4+$0x0], $0xffff  }
0x71: {  	v53 =	vadd.s32 $0x400, v3;
	v9 =	vld.idx.msk [tilespmem:v50+s4+$0x0], $0xffff  }
0x72: {  	v10 =	vadd.s32 $0x400, v1  }
0x73: {  	s9 =	sor.u32 $0x380, s9  }
0x74: {  	v4 =	vld.idx.msk [tilespmem:v51+s4+$0x0], $0xffff;
	s22 =	sor.u32 $0x380, s22;
	[tilespmem:s9+$0x2400] =	vst v5  }
0x75: {  	v54 =	vadd.s32 $0x480, v0;
	s8 =	sor.u32 $0x380, s8;
	v6 =	vld.idx.msk [tilespmem:v52+s4+$0x0], $0xffff;
	[tilespmem:s22+$0x2400] =	vst v7  }
0x76: {  	v55 =	vadd.s32 $0x480, v2;
	v8 =	vld.idx.msk [tilespmem:v53+s4+$0x0], $0xffff;
	[tilespmem:s8+$0x2400] =	vst v9  }
0x77: {  	v56 =	vadd.s32 $0x480, v3;
	s8 =	sadd.s32 $0x3400, s0;
	v10 =	vld.idx.msk [tilespmem:v10+s4+$0x0], $0xffff  }
0x78: {  	v11 =	vadd.s32 $0x480, v1;
	s21 =	sor.u32 s31, s8  }
0x79: {  	s22 =	sor.u32 s1, s8;
	[tilespmem:s21+$0x0] =	vst v4  }
0x7a: {  	s21 =	sor.u32 s6, s8;
	v4 =	vld.idx.msk [tilespmem:v54+s4+$0x0], $0xffff;
	[tilespmem:s22+$0x0] =	vst v6  }
0x7b: {  	v57 =	vadd.s32 $0x500, v0;
	s8 =	sor.u32 s7, s8;
	v6 =	vld.idx.msk [tilespmem:v55+s4+$0x0], $0xffff;
	[tilespmem:s21+$0x0] =	vst v8  }
0x7c: {  	v58 =	vadd.s32 $0x500, v2;
	v8 =	vld.idx.msk [tilespmem:v56+s4+$0x0], $0xffff;
	[tilespmem:s8+$0x0] =	vst v10  }
0x7d: {  	v59 =	vadd.s32 $0x500, v3;
	s8 =	sadd.s32 $0x3480, s0;
	v10 =	vld.idx.msk [tilespmem:v11+s4+$0x0], $0xffff  }
0x7e: {  	v60 =	vadd.s32 $0x500, v1;
	s22 =	sor.u32 s31, s8  }
0x7f: {  	s21 =	sor.u32 s1, s8;
	[tilespmem:s22+$0x0] =	vst v4  }
0x80: {  	s22 =	sor.u32 s6, s8;
	v4 =	vld.idx.msk [tilespmem:v57+s4+$0x0], $0xffff;
	[tilespmem:s21+$0x0] =	vst v6  }
0x81: {  	v61 =	vadd.s32 $0x580, v0;
	s8 =	sor.u32 s7, s8;
	v6 =	vld.idx.msk [tilespmem:v58+s4+$0x0], $0xffff;
	[tilespmem:s22+$0x0] =	vst v8  }
0x82: {  	v62 =	vadd.s32 $0x580, v2;
	v8 =	vld.idx.msk [tilespmem:v59+s4+$0x0], $0xffff;
	[tilespmem:s8+$0x0] =	vst v10  }
0x83: {  	v63 =	vadd.s32 $0x580, v3;
	s8 =	sadd.s32 $0x3500, s0;
	v10 =	vld.idx.msk [tilespmem:v60+s4+$0x0], $0xffff  }
0x84: {  	v12 =	vadd.s32 $0x580, v1;
	s21 =	sor.u32 s31, s8  }
0x85: {  	s22 =	sor.u32 s1, s8;
	[tilespmem:s21+$0x0] =	vst v4  }
0x86: {  	s21 =	sor.u32 s6, s8;
	v4 =	vld.idx.msk [tilespmem:v61+s4+$0x0], $0xffff;
	[tilespmem:s22+$0x0] =	vst v6  }
0x87: {  	v13 =	vadd.s32 $0x600, v0;
	s8 =	sor.u32 s7, s8;
	v6 =	vld.idx.msk [tilespmem:v62+s4+$0x0], $0xffff;
	[tilespmem:s21+$0x0] =	vst v8  }
0x88: {  	v14 =	vadd.s32 $0x600, v2;
	v8 =	vld.idx.msk [tilespmem:v63+s4+$0x0], $0xffff;
	[tilespmem:s8+$0x0] =	vst v10  }
0x89: {  	v15 =	vadd.s32 $0x600, v3;
	s8 =	sadd.s32 $0x3580, s0;
	v10 =	vld.idx.msk [tilespmem:v12+s4+$0x0], $0xffff  }
0x8a: {  	v16 =	vadd.s32 $0x600, v1;
	s22 =	sor.u32 s31, s8  }
0x8b: {  	s21 =	sor.u32 s1, s8;
	[tilespmem:s22+$0x0] =	vst v4  }
0x8c: {  	s22 =	sor.u32 s6, s8;
	v4 =	vld.idx.msk [tilespmem:v13+s4+$0x0], $0xffff;
	[tilespmem:s21+$0x0] =	vst v6  }
0x8d: {  	v17 =	vadd.s32 $0x680, v0;
	s8 =	sor.u32 s7, s8;
	v6 =	vld.idx.msk [tilespmem:v14+s4+$0x0], $0xffff;
	[tilespmem:s22+$0x0] =	vst v8  }
0x8e: {  	v18 =	vadd.s32 $0x680, v2;
	v8 =	vld.idx.msk [tilespmem:v15+s4+$0x0], $0xffff;
	[tilespmem:s8+$0x0] =	vst v10  }
0x8f: {  	v19 =	vadd.s32 $0x680, v3;
	s8 =	sadd.s32 $0x3600, s0;
	v10 =	vld.idx.msk [tilespmem:v16+s4+$0x0], $0xffff  }
0x90: {  	v20 =	vadd.s32 $0x680, v1;
	s21 =	sor.u32 s31, s8  }
0x91: {  	s22 =	sor.u32 s1, s8;
	[tilespmem:s21+$0x0] =	vst v4  }
0x92: {  	s21 =	sor.u32 s6, s8;
	v4 =	vld.idx.msk [tilespmem:v17+s4+$0x0], $0xffff;
	[tilespmem:s22+$0x0] =	vst v6  }
0x93: {  	v21 =	vadd.s32 $0x700, v0;
	s8 =	sor.u32 s7, s8;
	v6 =	vld.idx.msk [tilespmem:v18+s4+$0x0], $0xffff;
	[tilespmem:s21+$0x0] =	vst v8  }
0x94: {  	v22 =	vadd.s32 $0x700, v2;
	v8 =	vld.idx.msk [tilespmem:v19+s4+$0x0], $0xffff;
	[tilespmem:s8+$0x0] =	vst v10  }
0x95: {  	v23 =	vadd.s32 $0x700, v3;
	s8 =	sadd.s32 $0x3680, s0;
	v10 =	vld.idx.msk [tilespmem:v20+s4+$0x0], $0xffff  }
0x96: {  	v24 =	vadd.s32 $0x700, v1;
	s22 =	sor.u32 s31, s8  }
0x97: {  	s21 =	sor.u32 s1, s8;
	[tilespmem:s22+$0x0] =	vst v4  }
0x98: {  	s22 =	sor.u32 s6, s8;
	v4 =	vld.idx.msk [tilespmem:v21+s4+$0x0], $0xffff;
	[tilespmem:s21+$0x0] =	vst v6  }
0x99: {  	v25 =	vadd.s32 $0x780, v0;
	s8 =	sor.u32 s7, s8;
	v6 =	vld.idx.msk [tilespmem:v22+s4+$0x0], $0xffff;
	[tilespmem:s22+$0x0] =	vst v8  }
0x9a: {  	v26 =	vadd.s32 $0x780, v2;
	v8 =	vld.idx.msk [tilespmem:v23+s4+$0x0], $0xffff;
	[tilespmem:s8+$0x0] =	vst v10  }
0x9b: {  	v27 =	vadd.s32 $0x780, v3;
	s8 =	sadd.s32 $0x3700, s0;
	v10 =	vld.idx.msk [tilespmem:v24+s4+$0x0], $0xffff  }
0x9c: {  	v28 =	vadd.s32 $0x780, v1;
	s21 =	sor.u32 s31, s8  }
0x9d: {  	s22 =	sor.u32 s1, s8;
	[tilespmem:s21+$0x0] =	vst v4  }
0x9e: {  	s21 =	sor.u32 s6, s8;
	v4 =	vld.idx.msk [tilespmem:v25+s4+$0x0], $0xffff;
	[tilespmem:s22+$0x0] =	vst v6  }
0x9f: {  	v29 =	vadd.s32 $0x800, v0;
	s8 =	sor.u32 s7, s8;
	v6 =	vld.idx.msk [tilespmem:v26+s4+$0x0], $0xffff;
	[tilespmem:s21+$0x0] =	vst v8  }
0xa0: {  	v30 =	vadd.s32 $0x800, v2;
	v8 =	vld.idx.msk [tilespmem:v27+s4+$0x0], $0xffff;
	[tilespmem:s8+$0x0] =	vst v10  }
0xa1: {  	v31 =	vadd.s32 $0x800, v3;
	s8 =	sadd.s32 $0x3780, s0;
	v10 =	vld.idx.msk [tilespmem:v28+s4+$0x0], $0xffff  }
0xa2: {  	v32 =	vadd.s32 $0x800, v1;
	s22 =	sor.u32 s31, s8  }
0xa3: {  	s21 =	sor.u32 s1, s8;
	[tilespmem:s22+$0x0] =	vst v4  }
0xa4: {  	s22 =	sor.u32 s6, s8;
	v4 =	vld.idx.msk [tilespmem:v29+s4+$0x0], $0xffff;
	[tilespmem:s21+$0x0] =	vst v6  }
0xa5: {  	v33 =	vadd.s32 $0x880, v0;
	s8 =	sor.u32 s7, s8;
	v6 =	vld.idx.msk [tilespmem:v30+s4+$0x0], $0xffff;
	[tilespmem:s22+$0x0] =	vst v8  }
0xa6: {  	v34 =	vadd.s32 $0x880, v2;
	v8 =	vld.idx.msk [tilespmem:v31+s4+$0x0], $0xffff;
	[tilespmem:s8+$0x0] =	vst v10  }
0xa7: {  	v35 =	vadd.s32 $0x880, v3;
	s8 =	sadd.s32 $0x4400, s0;
	v10 =	vld.idx.msk [tilespmem:v32+s4+$0x0], $0xffff  }
0xa8: {  	v36 =	vadd.s32 $0x880, v1;
	s21 =	sor.u32 s31, s8  }
0xa9: {  	s22 =	sor.u32 s1, s8;
	[tilespmem:s21+$0x0] =	vst v4  }
0xaa: {  	s21 =	sor.u32 s6, s8;
	v4 =	vld.idx.msk [tilespmem:v33+s4+$0x0], $0xffff;
	[tilespmem:s22+$0x0] =	vst v6  }
0xab: {  	v37 =	vadd.s32 $0x900, v0;
	s8 =	sor.u32 s7, s8;
	v6 =	vld.idx.msk [tilespmem:v34+s4+$0x0], $0xffff;
	[tilespmem:s21+$0x0] =	vst v8  }
0xac: {  	v38 =	vadd.s32 $0x900, v2;
	v8 =	vld.idx.msk [tilespmem:v35+s4+$0x0], $0xffff;
	[tilespmem:s8+$0x0] =	vst v10  }
0xad: {  	v39 =	vadd.s32 $0x900, v3;
	s8 =	sadd.s32 $0x4480, s0;
	v10 =	vld.idx.msk [tilespmem:v36+s4+$0x0], $0xffff  }
0xae: {  	v40 =	vadd.s32 $0x900, v1;
	s22 =	sor.u32 s31, s8  }
0xaf: {  	s21 =	sor.u32 s1, s8;
	[tilespmem:s22+$0x0] =	vst v4  }
0xb0: {  	s22 =	sor.u32 s6, s8;
	v4 =	vld.idx.msk [tilespmem:v37+s4+$0x0], $0xffff;
	[tilespmem:s21+$0x0] =	vst v6  }
0xb1: {  	v41 =	vadd.s32 $0x980, v0;
	s8 =	sor.u32 s7, s8;
	v6 =	vld.idx.msk [tilespmem:v38+s4+$0x0], $0xffff;
	[tilespmem:s22+$0x0] =	vst v8  }
0xb2: {  	v42 =	vadd.s32 $0x980, v2;
	v8 =	vld.idx.msk [tilespmem:v39+s4+$0x0], $0xffff;
	[tilespmem:s8+$0x0] =	vst v10  }
0xb3: {  	v43 =	vadd.s32 $0x980, v3;
	s8 =	sadd.s32 $0x4500, s0;
	v10 =	vld.idx.msk [tilespmem:v40+s4+$0x0], $0xffff  }
0xb4: {  	v44 =	vadd.s32 $0x980, v1;
	s21 =	sor.u32 s31, s8  }
0xb5: {  	s22 =	sor.u32 s1, s8;
	[tilespmem:s21+$0x0] =	vst v4  }
0xb6: {  	s21 =	sor.u32 s6, s8;
	v4 =	vld.idx.msk [tilespmem:v41+s4+$0x0], $0xffff;
	[tilespmem:s22+$0x0] =	vst v6  }
0xb7: {  	v45 =	vadd.s32 $0xA00, v0;
	s8 =	sor.u32 s7, s8;
	v6 =	vld.idx.msk [tilespmem:v42+s4+$0x0], $0xffff;
	[tilespmem:s21+$0x0] =	vst v8  }
0xb8: {  	v46 =	vadd.s32 $0xA00, v2;
	v8 =	vld.idx.msk [tilespmem:v43+s4+$0x0], $0xffff;
	[tilespmem:s8+$0x0] =	vst v10  }
0xb9: {  	v47 =	vadd.s32 $0xA00, v3;
	s8 =	sadd.s32 $0x4580, s0;
	v10 =	vld.idx.msk [tilespmem:v44+s4+$0x0], $0xffff  }
0xba: {  	v48 =	vadd.s32 $0xA00, v1;
	s22 =	sor.u32 s31, s8  }
0xbb: {  	s21 =	sor.u32 s1, s8;
	[tilespmem:s22+$0x0] =	vst v4  }
0xbc: {  	s22 =	sor.u32 s6, s8;
	v4 =	vld.idx.msk [tilespmem:v45+s4+$0x0], $0xffff;
	[tilespmem:s21+$0x0] =	vst v6  }
0xbd: {  	v49 =	vadd.s32 $0xA80, v0;
	s8 =	sor.u32 s7, s8;
	v6 =	vld.idx.msk [tilespmem:v46+s4+$0x0], $0xffff;
	[tilespmem:s22+$0x0] =	vst v8  }
0xbe: {  	v50 =	vadd.s32 $0xA80, v2;
	v8 =	vld.idx.msk [tilespmem:v47+s4+$0x0], $0xffff;
	[tilespmem:s8+$0x0] =	vst v10  }
0xbf: {  	v51 =	vadd.s32 $0xA80, v3;
	s8 =	sadd.s32 $0x4600, s0;
	v10 =	vld.idx.msk [tilespmem:v48+s4+$0x0], $0xffff  }
0xc0: {  	v52 =	vadd.s32 $0xA80, v1;
	s21 =	sor.u32 s31, s8  }
0xc1: {  	s22 =	sor.u32 s1, s8;
	[tilespmem:s21+$0x0] =	vst v4  }
0xc2: {  	s21 =	sor.u32 s6, s8;
	v4 =	vld.idx.msk [tilespmem:v49+s4+$0x0], $0xffff;
	[tilespmem:s22+$0x0] =	vst v6  }
0xc3: {  	v53 =	vadd.s32 $0xB00, v0;
	s8 =	sor.u32 s7, s8;
	v6 =	vld.idx.msk [tilespmem:v50+s4+$0x0], $0xffff;
	[tilespmem:s21+$0x0] =	vst v8  }
0xc4: {  	v54 =	vadd.s32 $0xB00, v2;
	v8 =	vld.idx.msk [tilespmem:v51+s4+$0x0], $0xffff;
	[tilespmem:s8+$0x0] =	vst v10  }
0xc5: {  	v55 =	vadd.s32 $0xB00, v3;
	s8 =	sadd.s32 $0x4680, s0;
	v10 =	vld.idx.msk [tilespmem:v52+s4+$0x0], $0xffff  }
0xc6: {  	v56 =	vadd.s32 $0xB00, v1;
	s22 =	sor.u32 s31, s8  }
0xc7: {  	s21 =	sor.u32 s1, s8;
	[tilespmem:s22+$0x0] =	vst v4  }
0xc8: {  	s22 =	sor.u32 s6, s8;
	v4 =	vld.idx.msk [tilespmem:v53+s4+$0x0], $0xffff;
	[tilespmem:s21+$0x0] =	vst v6  }
0xc9: {  	v57 =	vadd.s32 $0xB80, v0;
	s8 =	sor.u32 s7, s8;
	v6 =	vld.idx.msk [tilespmem:v54+s4+$0x0], $0xffff;
	[tilespmem:s22+$0x0] =	vst v8  }
0xca: {  	v58 =	vadd.s32 $0xB80, v2;
	v8 =	vld.idx.msk [tilespmem:v55+s4+$0x0], $0xffff;
	[tilespmem:s8+$0x0] =	vst v10  }
0xcb: {  	v59 =	vadd.s32 $0xB80, v3;
	s8 =	sadd.s32 $0x4700, s0;
	v10 =	vld.idx.msk [tilespmem:v56+s4+$0x0], $0xffff  }
0xcc: {  	v60 =	vadd.s32 $0xB80, v1;
	s21 =	sor.u32 s31, s8  }
0xcd: {  	s22 =	sor.u32 s1, s8;
	[tilespmem:s21+$0x0] =	vst v4  }
0xce: {  	s21 =	sor.u32 s6, s8;
	v4 =	vld.idx.msk [tilespmem:v57+s4+$0x0], $0xffff;
	[tilespmem:s22+$0x0] =	vst v6  }
0xcf: {  	v61 =	vadd.s32 $0xC00, v0;
	s8 =	sor.u32 s7, s8;
	v6 =	vld.idx.msk [tilespmem:v58+s4+$0x0], $0xffff;
	[tilespmem:s21+$0x0] =	vst v8  }
0xd0: {  	v62 =	vadd.s32 $0xC00, v2;
	v8 =	vld.idx.msk [tilespmem:v59+s4+$0x0], $0xffff;
	[tilespmem:s8+$0x0] =	vst v10  }
0xd1: {  	v63 =	vadd.s32 $0xC00, v3;
	s8 =	sadd.s32 $0x4780, s0;
	v10 =	vld.idx.msk [tilespmem:v60+s4+$0x0], $0xffff  }
0xd2: {  	v12 =	vadd.s32 $0xC00, v1;
	s22 =	sor.u32 s31, s8  }
0xd3: {  	s21 =	sor.u32 s1, s8;
	[tilespmem:s22+$0x0] =	vst v4  }
0xd4: {  	s22 =	sor.u32 s6, s8;
	v4 =	vld.idx.msk [tilespmem:v61+s4+$0x0], $0xffff;
	[tilespmem:s21+$0x0] =	vst v6  }
0xd5: {  	v13 =	vadd.s32 $0xC80, v0;
	s8 =	sor.u32 s7, s8;
	v6 =	vld.idx.msk [tilespmem:v62+s4+$0x0], $0xffff;
	[tilespmem:s22+$0x0] =	vst v8  }
0xd6: {  	v14 =	vadd.s32 $0xC80, v2;
	v8 =	vld.idx.msk [tilespmem:v63+s4+$0x0], $0xffff;
	[tilespmem:s8+$0x0] =	vst v10  }
0xd7: {  	v15 =	vadd.s32 $0xC80, v3;
	s8 =	sadd.s32 $0x5400, s0;
	v10 =	vld.idx.msk [tilespmem:v12+s4+$0x0], $0xffff  }
0xd8: {  	v16 =	vadd.s32 $0xC80, v1;
	s21 =	sor.u32 s31, s8  }
0xd9: {  	s22 =	sor.u32 s1, s8;
	[tilespmem:s21+$0x0] =	vst v4  }
0xda: {  	s21 =	sor.u32 s6, s8;
	v4 =	vld.idx.msk [tilespmem:v13+s4+$0x0], $0xffff;
	[tilespmem:s22+$0x0] =	vst v6  }
0xdb: {  	v17 =	vadd.s32 $0xD00, v0;
	s8 =	sor.u32 s7, s8;
	v6 =	vld.idx.msk [tilespmem:v14+s4+$0x0], $0xffff;
	[tilespmem:s21+$0x0] =	vst v8  }
0xdc: {  	v18 =	vadd.s32 $0xD00, v2;
	v8 =	vld.idx.msk [tilespmem:v15+s4+$0x0], $0xffff;
	[tilespmem:s8+$0x0] =	vst v10  }
0xdd: {  	v19 =	vadd.s32 $0xD00, v3;
	s8 =	sadd.s32 $0x5480, s0;
	v10 =	vld.idx.msk [tilespmem:v16+s4+$0x0], $0xffff  }
0xde: {  	v20 =	vadd.s32 $0xD00, v1;
	s22 =	sor.u32 s31, s8  }
0xdf: {  	s21 =	sor.u32 s1, s8;
	[tilespmem:s22+$0x0] =	vst v4  }
0xe0: {  	s22 =	sor.u32 s6, s8;
	v4 =	vld.idx.msk [tilespmem:v17+s4+$0x0], $0xffff;
	[tilespmem:s21+$0x0] =	vst v6  }
0xe1: {  	v21 =	vadd.s32 $0xD80, v0;
	s8 =	sor.u32 s7, s8;
	v6 =	vld.idx.msk [tilespmem:v18+s4+$0x0], $0xffff;
	[tilespmem:s22+$0x0] =	vst v8  }
0xe2: {  	v22 =	vadd.s32 $0xD80, v2;
	v8 =	vld.idx.msk [tilespmem:v19+s4+$0x0], $0xffff;
	[tilespmem:s8+$0x0] =	vst v10  }
0xe3: {  	v23 =	vadd.s32 $0xD80, v3;
	s8 =	sadd.s32 $0x5500, s0;
	v10 =	vld.idx.msk [tilespmem:v20+s4+$0x0], $0xffff  }
0xe4: {  	v24 =	vadd.s32 $0xD80, v1;
	s21 =	sor.u32 s31, s8  }
0xe5: {  	s22 =	sor.u32 s1, s8;
	[tilespmem:s21+$0x0] =	vst v4  }
0xe6: {  	s21 =	sor.u32 s6, s8;
	v4 =	vld.idx.msk [tilespmem:v21+s4+$0x0], $0xffff;
	[tilespmem:s22+$0x0] =	vst v6  }
0xe7: {  	v25 =	vadd.s32 $0xE00, v0;
	s8 =	sor.u32 s7, s8;
	v6 =	vld.idx.msk [tilespmem:v22+s4+$0x0], $0xffff;
	[tilespmem:s21+$0x0] =	vst v8  }
0xe8: {  	v26 =	vadd.s32 $0xE00, v2;
	v8 =	vld.idx.msk [tilespmem:v23+s4+$0x0], $0xffff;
	[tilespmem:s8+$0x0] =	vst v10  }
0xe9: {  	v27 =	vadd.s32 $0xE00, v3;
	s8 =	sadd.s32 $0x5580, s0;
	v10 =	vld.idx.msk [tilespmem:v24+s4+$0x0], $0xffff  }
0xea: {  	v28 =	vadd.s32 $0xE00, v1;
	s22 =	sor.u32 s31, s8  }
0xeb: {  	s21 =	sor.u32 s1, s8;
	[tilespmem:s22+$0x0] =	vst v4  }
0xec: {  	s22 =	sor.u32 s6, s8;
	v4 =	vld.idx.msk [tilespmem:v25+s4+$0x0], $0xffff;
	[tilespmem:s21+$0x0] =	vst v6  }
0xed: {  	v29 =	vadd.s32 $0xE80, v0;
	s8 =	sor.u32 s7, s8;
	v6 =	vld.idx.msk [tilespmem:v26+s4+$0x0], $0xffff;
	[tilespmem:s22+$0x0] =	vst v8  }
0xee: {  	v30 =	vadd.s32 $0xE80, v2;
	v8 =	vld.idx.msk [tilespmem:v27+s4+$0x0], $0xffff;
	[tilespmem:s8+$0x0] =	vst v10  }
0xef: {  	v31 =	vadd.s32 $0xE80, v3;
	s8 =	sadd.s32 $0x5600, s0;
	v10 =	vld.idx.msk [tilespmem:v28+s4+$0x0], $0xffff  }
0xf0: {  	v32 =	vadd.s32 $0xE80, v1;
	s21 =	sor.u32 s31, s8  }
0xf1: {  	s22 =	sor.u32 s1, s8;
	[tilespmem:s21+$0x0] =	vst v4  }
0xf2: {  	s21 =	sor.u32 s6, s8;
	v4 =	vld.idx.msk [tilespmem:v29+s4+$0x0], $0xffff;
	[tilespmem:s22+$0x0] =	vst v6  }
0xf3: {  	v33 =	vadd.s32 $0xF00, v0;
	s8 =	sor.u32 s7, s8;
	v6 =	vld.idx.msk [tilespmem:v30+s4+$0x0], $0xffff;
	[tilespmem:s21+$0x0] =	vst v8  }
0xf4: {  	v34 =	vadd.s32 $0xF00, v2;
	v8 =	vld.idx.msk [tilespmem:v31+s4+$0x0], $0xffff;
	[tilespmem:s8+$0x0] =	vst v10  }
0xf5: {  	v35 =	vadd.s32 $0xF00, v3;
	s8 =	sadd.s32 $0x5680, s0;
	v10 =	vld.idx.msk [tilespmem:v32+s4+$0x0], $0xffff  }
0xf6: {  	v36 =	vadd.s32 $0xF00, v1;
	s22 =	sor.u32 s31, s8  }
0xf7: {  	s21 =	sor.u32 s1, s8;
	[tilespmem:s22+$0x0] =	vst v4  }
0xf8: {  	s22 =	sor.u32 s6, s8;
	v4 =	vld.idx.msk [tilespmem:v33+s4+$0x0], $0xffff;
	[tilespmem:s21+$0x0] =	vst v6  }
0xf9: {  	v37 =	vadd.s32 $0xF80, v0;
	s8 =	sor.u32 s7, s8;
	v6 =	vld.idx.msk [tilespmem:v34+s4+$0x0], $0xffff;
	[tilespmem:s22+$0x0] =	vst v8  }
0xfa: {  	v38 =	vadd.s32 $0xF80, v2;
	v8 =	vld.idx.msk [tilespmem:v35+s4+$0x0], $0xffff;
	[tilespmem:s8+$0x0] =	vst v10  }
0xfb: {  	v39 =	vadd.s32 $0xF80, v3;
	s8 =	sadd.s32 $0x5700, s0;
	v10 =	vld.idx.msk [tilespmem:v36+s4+$0x0], $0xffff  }
0xfc: {  	v40 =	vadd.s32 $0xF80, v1;
	s21 =	sor.u32 s31, s8  }
0xfd: {  	s22 =	sor.u32 s1, s8;
	[tilespmem:s21+$0x0] =	vst v4  }
0xfe: {  	s21 =	sor.u32 s6, s8;
	v4 =	vld.idx.msk [tilespmem:v37+s4+$0x0], $0xffff;
	[tilespmem:s22+$0x0] =	vst v6  }
0xff: {  	v41 =	vadd.s32 $0x1000, v0;
	s8 =	sor.u32 s7, s8;
	v6 =	vld.idx.msk [tilespmem:v38+s4+$0x0], $0xffff;
	[tilespmem:s21+$0x0] =	vst v8  }
0x100: {  	v42 =	vadd.s32 $0x1000, v2;
	v8 =	vld.idx.msk [tilespmem:v39+s4+$0x0], $0xffff;
	[tilespmem:s8+$0x0] =	vst v10  }
0x101: {  	v43 =	vadd.s32 $0x1000, v3;
	s8 =	sadd.s32 $0x5780, s0;
	v10 =	vld.idx.msk [tilespmem:v40+s4+$0x0], $0xffff  }
0x102: {  	v44 =	vadd.s32 $0x1000, v1;
	s22 =	sor.u32 s31, s8  }
0x103: {  	s21 =	sor.u32 s1, s8;
	[tilespmem:s22+$0x0] =	vst v4  }
0x104: {  	s22 =	sor.u32 s6, s8;
	v4 =	vld.idx.msk [tilespmem:v41+s4+$0x0], $0xffff;
	[tilespmem:s21+$0x0] =	vst v6  }
0x105: {  	v45 =	vadd.s32 $0x1080, v0;
	s8 =	sor.u32 s7, s8;
	v6 =	vld.idx.msk [tilespmem:v42+s4+$0x0], $0xffff;
	[tilespmem:s22+$0x0] =	vst v8  }
0x106: {  	v46 =	vadd.s32 $0x1080, v2;
	v8 =	vld.idx.msk [tilespmem:v43+s4+$0x0], $0xffff;
	[tilespmem:s8+$0x0] =	vst v10  }
0x107: {  	v47 =	vadd.s32 $0x1080, v3;
	s8 =	sadd.s32 $0x6400, s0;
	v10 =	vld.idx.msk [tilespmem:v44+s4+$0x0], $0xffff  }
0x108: {  	v48 =	vadd.s32 $0x1080, v1;
	s21 =	sor.u32 s31, s8  }
0x109: {  	s22 =	sor.u32 s1, s8;
	[tilespmem:s21+$0x0] =	vst v4  }
0x10a: {  	s21 =	sor.u32 s6, s8;
	v4 =	vld.idx.msk [tilespmem:v45+s4+$0x0], $0xffff;
	[tilespmem:s22+$0x0] =	vst v6  }
0x10b: {  	v49 =	vadd.s32 $0x1100, v0;
	s8 =	sor.u32 s7, s8;
	v6 =	vld.idx.msk [tilespmem:v46+s4+$0x0], $0xffff;
	[tilespmem:s21+$0x0] =	vst v8  }
0x10c: {  	v50 =	vadd.s32 $0x1100, v2;
	v8 =	vld.idx.msk [tilespmem:v47+s4+$0x0], $0xffff;
	[tilespmem:s8+$0x0] =	vst v10  }
0x10d: {  	v51 =	vadd.s32 $0x1100, v3;
	s8 =	sadd.s32 $0x6480, s0;
	v10 =	vld.idx.msk [tilespmem:v48+s4+$0x0], $0xffff  }
0x10e: {  	v52 =	vadd.s32 $0x1100, v1;
	s22 =	sor.u32 s31, s8  }
0x10f: {  	s21 =	sor.u32 s1, s8;
	[tilespmem:s22+$0x0] =	vst v4  }
0x110: {  	s22 =	sor.u32 s6, s8;
	v4 =	vld.idx.msk [tilespmem:v49+s4+$0x0], $0xffff;
	[tilespmem:s21+$0x0] =	vst v6  }
0x111: {  	v53 =	vadd.s32 $0x1180, v0;
	s8 =	sor.u32 s7, s8;
	v6 =	vld.idx.msk [tilespmem:v50+s4+$0x0], $0xffff;
	[tilespmem:s22+$0x0] =	vst v8  }
0x112: {  	v54 =	vadd.s32 $0x1180, v2;
	v8 =	vld.idx.msk [tilespmem:v51+s4+$0x0], $0xffff;
	[tilespmem:s8+$0x0] =	vst v10  }
0x113: {  	v55 =	vadd.s32 $0x1180, v3;
	s8 =	sadd.s32 $0x6500, s0;
	v10 =	vld.idx.msk [tilespmem:v52+s4+$0x0], $0xffff  }
0x114: {  	v56 =	vadd.s32 $0x1180, v1;
	s21 =	sor.u32 s31, s8  }
0x115: {  	s22 =	sor.u32 s1, s8;
	[tilespmem:s21+$0x0] =	vst v4  }
0x116: {  	s21 =	sor.u32 s6, s8;
	v4 =	vld.idx.msk [tilespmem:v53+s4+$0x0], $0xffff;
	[tilespmem:s22+$0x0] =	vst v6  }
0x117: {  	v57 =	vadd.s32 $0x1200, v0;
	s8 =	sor.u32 s7, s8;
	v6 =	vld.idx.msk [tilespmem:v54+s4+$0x0], $0xffff;
	[tilespmem:s21+$0x0] =	vst v8  }
0x118: {  	v58 =	vadd.s32 $0x1200, v2;
	v8 =	vld.idx.msk [tilespmem:v55+s4+$0x0], $0xffff;
	[tilespmem:s8+$0x0] =	vst v10  }
0x119: {  	v59 =	vadd.s32 $0x1200, v3;
	s8 =	sadd.s32 $0x6580, s0;
	v10 =	vld.idx.msk [tilespmem:v56+s4+$0x0], $0xffff  }
0x11a: {  	v60 =	vadd.s32 $0x1200, v1;
	s22 =	sor.u32 s31, s8  }
0x11b: {  	s21 =	sor.u32 s1, s8;
	[tilespmem:s22+$0x0] =	vst v4  }
0x11c: {  	s22 =	sor.u32 s6, s8;
	v4 =	vld.idx.msk [tilespmem:v57+s4+$0x0], $0xffff;
	[tilespmem:s21+$0x0] =	vst v6  }
0x11d: {  	v61 =	vadd.s32 $0x1280, v0;
	s8 =	sor.u32 s7, s8;
	v6 =	vld.idx.msk [tilespmem:v58+s4+$0x0], $0xffff;
	[tilespmem:s22+$0x0] =	vst v8  }
0x11e: {  	v62 =	vadd.s32 $0x1280, v2;
	v8 =	vld.idx.msk [tilespmem:v59+s4+$0x0], $0xffff;
	[tilespmem:s8+$0x0] =	vst v10  }
0x11f: {  	v63 =	vadd.s32 $0x1280, v3;
	s8 =	sadd.s32 $0x6600, s0;
	v10 =	vld.idx.msk [tilespmem:v60+s4+$0x0], $0xffff  }
0x120: {  	v12 =	vadd.s32 $0x1280, v1;
	s21 =	sor.u32 s31, s8  }
0x121: {  	s22 =	sor.u32 s1, s8;
	[tilespmem:s21+$0x0] =	vst v4  }
0x122: {  	s21 =	sor.u32 s6, s8;
	v4 =	vld.idx.msk [tilespmem:v61+s4+$0x0], $0xffff;
	[tilespmem:s22+$0x0] =	vst v6  }
0x123: {  	v13 =	vadd.s32 $0x1300, v0;
	s8 =	sor.u32 s7, s8;
	v6 =	vld.idx.msk [tilespmem:v62+s4+$0x0], $0xffff;
	[tilespmem:s21+$0x0] =	vst v8  }
0x124: {  	v14 =	vadd.s32 $0x1300, v2;
	v8 =	vld.idx.msk [tilespmem:v63+s4+$0x0], $0xffff;
	[tilespmem:s8+$0x0] =	vst v10  }
0x125: {  	v15 =	vadd.s32 $0x1300, v3;
	s8 =	sadd.s32 $0x6680, s0;
	v10 =	vld.idx.msk [tilespmem:v12+s4+$0x0], $0xffff  }
0x126: {  	v16 =	vadd.s32 $0x1300, v1;
	s22 =	sor.u32 s31, s8  }
0x127: {  	s21 =	sor.u32 s1, s8;
	[tilespmem:s22+$0x0] =	vst v4  }
0x128: {  	s22 =	sor.u32 s6, s8;
	v4 =	vld.idx.msk [tilespmem:v13+s4+$0x0], $0xffff;
	[tilespmem:s21+$0x0] =	vst v6  }
0x129: {  	v17 =	vadd.s32 $0x1380, v0;
	s8 =	sor.u32 s7, s8;
	v6 =	vld.idx.msk [tilespmem:v14+s4+$0x0], $0xffff;
	[tilespmem:s22+$0x0] =	vst v8  }
0x12a: {  	v18 =	vadd.s32 $0x1380, v2;
	v8 =	vld.idx.msk [tilespmem:v15+s4+$0x0], $0xffff;
	[tilespmem:s8+$0x0] =	vst v10  }
0x12b: {  	v19 =	vadd.s32 $0x1380, v3;
	s8 =	sadd.s32 $0x6700, s0;
	v10 =	vld.idx.msk [tilespmem:v16+s4+$0x0], $0xffff  }
0x12c: {  	v20 =	vadd.s32 $0x1380, v1;
	s21 =	sor.u32 s31, s8  }
0x12d: {  	s22 =	sor.u32 s1, s8;
	[tilespmem:s21+$0x0] =	vst v4  }
0x12e: {  	s21 =	sor.u32 s6, s8;
	v4 =	vld.idx.msk [tilespmem:v17+s4+$0x0], $0xffff;
	[tilespmem:s22+$0x0] =	vst v6  }
0x12f: {  	v21 =	vadd.s32 $0x1400, v0;
	s8 =	sor.u32 s7, s8;
	v6 =	vld.idx.msk [tilespmem:v18+s4+$0x0], $0xffff;
	[tilespmem:s21+$0x0] =	vst v8  }
0x130: {  	v22 =	vadd.s32 $0x1400, v2;
	v8 =	vld.idx.msk [tilespmem:v19+s4+$0x0], $0xffff;
	[tilespmem:s8+$0x0] =	vst v10  }
0x131: {  	v23 =	vadd.s32 $0x1400, v3;
	s8 =	sadd.s32 $0x6780, s0;
	v10 =	vld.idx.msk [tilespmem:v20+s4+$0x0], $0xffff  }
0x132: {  	v24 =	vadd.s32 $0x1400, v1;
	s22 =	sor.u32 s31, s8  }
0x133: {  	s21 =	sor.u32 s1, s8;
	[tilespmem:s22+$0x0] =	vst v4  }
0x134: {  	s22 =	sor.u32 s6, s8;
	v4 =	vld.idx.msk [tilespmem:v21+s4+$0x0], $0xffff;
	[tilespmem:s21+$0x0] =	vst v6  }
0x135: {  	v25 =	vadd.s32 $0x1480, v0;
	s8 =	sor.u32 s7, s8;
	v6 =	vld.idx.msk [tilespmem:v22+s4+$0x0], $0xffff;
	[tilespmem:s22+$0x0] =	vst v8  }
0x136: {  	v26 =	vadd.s32 $0x1480, v2;
	v8 =	vld.idx.msk [tilespmem:v23+s4+$0x0], $0xffff;
	[tilespmem:s8+$0x0] =	vst v10  }
0x137: {  	v27 =	vadd.s32 $0x1480, v3;
	s8 =	sadd.s32 $0x7400, s0;
	v10 =	vld.idx.msk [tilespmem:v24+s4+$0x0], $0xffff  }
0x138: {  	v28 =	vadd.s32 $0x1480, v1;
	s21 =	sor.u32 s31, s8  }
0x139: {  	s22 =	sor.u32 s1, s8;
	[tilespmem:s21+$0x0] =	vst v4  }
0x13a: {  	s21 =	sor.u32 s6, s8;
	v4 =	vld.idx.msk [tilespmem:v25+s4+$0x0], $0xffff;
	[tilespmem:s22+$0x0] =	vst v6  }
0x13b: {  	v29 =	vadd.s32 $0x1500, v0;
	s8 =	sor.u32 s7, s8;
	v6 =	vld.idx.msk [tilespmem:v26+s4+$0x0], $0xffff;
	[tilespmem:s21+$0x0] =	vst v8  }
0x13c: {  	v30 =	vadd.s32 $0x1500, v2;
	v8 =	vld.idx.msk [tilespmem:v27+s4+$0x0], $0xffff;
	[tilespmem:s8+$0x0] =	vst v10  }
0x13d: {  	v31 =	vadd.s32 $0x1500, v3;
	s8 =	sadd.s32 $0x7480, s0;
	v10 =	vld.idx.msk [tilespmem:v28+s4+$0x0], $0xffff  }
0x13e: {  	v32 =	vadd.s32 $0x1500, v1;
	s22 =	sor.u32 s31, s8  }
0x13f: {  	s21 =	sor.u32 s1, s8;
	[tilespmem:s22+$0x0] =	vst v4  }
0x140: {  	s22 =	sor.u32 s6, s8;
	v4 =	vld.idx.msk [tilespmem:v29+s4+$0x0], $0xffff;
	[tilespmem:s21+$0x0] =	vst v6  }
0x141: {  	v33 =	vadd.s32 $0x1580, v0;
	s8 =	sor.u32 s7, s8;
	v6 =	vld.idx.msk [tilespmem:v30+s4+$0x0], $0xffff;
	[tilespmem:s22+$0x0] =	vst v8  }
0x142: {  	v34 =	vadd.s32 $0x1580, v2;
	v8 =	vld.idx.msk [tilespmem:v31+s4+$0x0], $0xffff;
	[tilespmem:s8+$0x0] =	vst v10  }
0x143: {  	v35 =	vadd.s32 $0x1580, v3;
	s8 =	sadd.s32 $0x7500, s0;
	v10 =	vld.idx.msk [tilespmem:v32+s4+$0x0], $0xffff  }
0x144: {  	v36 =	vadd.s32 $0x1580, v1;
	s21 =	sor.u32 s31, s8  }
0x145: {  	s22 =	sor.u32 s1, s8;
	[tilespmem:s21+$0x0] =	vst v4  }
0x146: {  	s21 =	sor.u32 s6, s8;
	v4 =	vld.idx.msk [tilespmem:v33+s4+$0x0], $0xffff;
	[tilespmem:s22+$0x0] =	vst v6  }
0x147: {  	v37 =	vadd.s32 $0x1600, v0;
	s8 =	sor.u32 s7, s8;
	v6 =	vld.idx.msk [tilespmem:v34+s4+$0x0], $0xffff;
	[tilespmem:s21+$0x0] =	vst v8  }
0x148: {  	v38 =	vadd.s32 $0x1600, v2;
	v8 =	vld.idx.msk [tilespmem:v35+s4+$0x0], $0xffff;
	[tilespmem:s8+$0x0] =	vst v10  }
0x149: {  	v39 =	vadd.s32 $0x1600, v3;
	s8 =	sadd.s32 $0x7580, s0;
	v10 =	vld.idx.msk [tilespmem:v36+s4+$0x0], $0xffff  }
0x14a: {  	v40 =	vadd.s32 $0x1600, v1;
	s22 =	sor.u32 s31, s8  }
0x14b: {  	s21 =	sor.u32 s1, s8;
	[tilespmem:s22+$0x0] =	vst v4  }
0x14c: {  	s22 =	sor.u32 s6, s8;
	v4 =	vld.idx.msk [tilespmem:v37+s4+$0x0], $0xffff;
	[tilespmem:s21+$0x0] =	vst v6  }
0x14d: {  	v41 =	vadd.s32 $0x1680, v0;
	s8 =	sor.u32 s7, s8;
	v6 =	vld.idx.msk [tilespmem:v38+s4+$0x0], $0xffff;
	[tilespmem:s22+$0x0] =	vst v8  }
0x14e: {  	v42 =	vadd.s32 $0x1680, v2;
	v8 =	vld.idx.msk [tilespmem:v39+s4+$0x0], $0xffff;
	[tilespmem:s8+$0x0] =	vst v10  }
0x14f: {  	v43 =	vadd.s32 $0x1680, v3;
	s8 =	sadd.s32 $0x7600, s0;
	v10 =	vld.idx.msk [tilespmem:v40+s4+$0x0], $0xffff  }
0x150: {  	v44 =	vadd.s32 $0x1680, v1;
	s21 =	sor.u32 s31, s8  }
0x151: {  	s22 =	sor.u32 s1, s8;
	[tilespmem:s21+$0x0] =	vst v4  }
0x152: {  	s21 =	sor.u32 s6, s8;
	v4 =	vld.idx.msk [tilespmem:v41+s4+$0x0], $0xffff;
	[tilespmem:s22+$0x0] =	vst v6  }
0x153: {  	v45 =	vadd.s32 $0x1700, v0;
	s8 =	sor.u32 s7, s8;
	v6 =	vld.idx.msk [tilespmem:v42+s4+$0x0], $0xffff;
	[tilespmem:s21+$0x0] =	vst v8  }
0x154: {  	v46 =	vadd.s32 $0x1700, v2;
	v8 =	vld.idx.msk [tilespmem:v43+s4+$0x0], $0xffff;
	[tilespmem:s8+$0x0] =	vst v10  }
0x155: {  	v47 =	vadd.s32 $0x1700, v3;
	s8 =	sadd.s32 $0x7680, s0;
	v10 =	vld.idx.msk [tilespmem:v44+s4+$0x0], $0xffff  }
0x156: {  	v48 =	vadd.s32 $0x1700, v1;
	s22 =	sor.u32 s31, s8  }
0x157: {  	s21 =	sor.u32 s1, s8;
	[tilespmem:s22+$0x0] =	vst v4  }
0x158: {  	s22 =	sor.u32 s6, s8;
	v4 =	vld.idx.msk [tilespmem:v45+s4+$0x0], $0xffff;
	[tilespmem:s21+$0x0] =	vst v6  }
0x159: {  	v49 =	vadd.s32 $0x1780, v0;
	s8 =	sor.u32 s7, s8;
	v6 =	vld.idx.msk [tilespmem:v46+s4+$0x0], $0xffff;
	[tilespmem:s22+$0x0] =	vst v8  }
0x15a: {  	v50 =	vadd.s32 $0x1780, v2;
	v8 =	vld.idx.msk [tilespmem:v47+s4+$0x0], $0xffff;
	[tilespmem:s8+$0x0] =	vst v10  }
0x15b: {  	v51 =	vadd.s32 $0x1780, v3;
	s8 =	sadd.s32 $0x7700, s0;
	v10 =	vld.idx.msk [tilespmem:v48+s4+$0x0], $0xffff  }
0x15c: {  	v52 =	vadd.s32 $0x1780, v1;
	s21 =	sor.u32 s31, s8  }
0x15d: {  	s22 =	sor.u32 s1, s8;
	[tilespmem:s21+$0x0] =	vst v4  }
0x15e: {  	s21 =	sor.u32 s6, s8;
	v4 =	vld.idx.msk [tilespmem:v49+s4+$0x0], $0xffff;
	[tilespmem:s22+$0x0] =	vst v6  }
0x15f: {  	v53 =	vadd.s32 $0x1800, v0;
	s8 =	sor.u32 s7, s8;
	v6 =	vld.idx.msk [tilespmem:v50+s4+$0x0], $0xffff;
	[tilespmem:s21+$0x0] =	vst v8  }
0x160: {  	v54 =	vadd.s32 $0x1800, v2;
	v8 =	vld.idx.msk [tilespmem:v51+s4+$0x0], $0xffff;
	[tilespmem:s8+$0x0] =	vst v10  }
0x161: {  	v55 =	vadd.s32 $0x1800, v3;
	s8 =	sadd.s32 $0x7780, s0;
	v10 =	vld.idx.msk [tilespmem:v52+s4+$0x0], $0xffff  }
0x162: {  	v56 =	vadd.s32 $0x1800, v1;
	s22 =	sor.u32 s31, s8  }
0x163: {  	s21 =	sor.u32 s1, s8;
	[tilespmem:s22+$0x0] =	vst v4  }
0x164: {  	s22 =	sor.u32 s6, s8;
	v4 =	vld.idx.msk [tilespmem:v53+s4+$0x0], $0xffff;
	[tilespmem:s21+$0x0] =	vst v6  }
0x165: {  	v57 =	vadd.s32 $0x1880, v0;
	s8 =	sor.u32 s7, s8;
	v6 =	vld.idx.msk [tilespmem:v54+s4+$0x0], $0xffff;
	[tilespmem:s22+$0x0] =	vst v8  }
0x166: {  	v58 =	vadd.s32 $0x1880, v2;
	v8 =	vld.idx.msk [tilespmem:v55+s4+$0x0], $0xffff;
	[tilespmem:s8+$0x0] =	vst v10  }
0x167: {  	v59 =	vadd.s32 $0x1880, v3;
	s8 =	sadd.s32 $0x8400, s0;
	v10 =	vld.idx.msk [tilespmem:v56+s4+$0x0], $0xffff  }
0x168: {  	v60 =	vadd.s32 $0x1880, v1;
	s21 =	sor.u32 s31, s8  }
0x169: {  	s22 =	sor.u32 s1, s8;
	[tilespmem:s21+$0x0] =	vst v4  }
0x16a: {  	s21 =	sor.u32 s6, s8;
	v4 =	vld.idx.msk [tilespmem:v57+s4+$0x0], $0xffff;
	[tilespmem:s22+$0x0] =	vst v6  }
0x16b: {  	v61 =	vadd.s32 $0x1900, v0;
	s8 =	sor.u32 s7, s8;
	v6 =	vld.idx.msk [tilespmem:v58+s4+$0x0], $0xffff;
	[tilespmem:s21+$0x0] =	vst v8  }
0x16c: {  	v62 =	vadd.s32 $0x1900, v2;
	v8 =	vld.idx.msk [tilespmem:v59+s4+$0x0], $0xffff;
	[tilespmem:s8+$0x0] =	vst v10  }
0x16d: {  	v63 =	vadd.s32 $0x1900, v3;
	s8 =	sadd.s32 $0x8480, s0;
	v10 =	vld.idx.msk [tilespmem:v60+s4+$0x0], $0xffff  }
0x16e: {  	v12 =	vadd.s32 $0x1900, v1;
	s22 =	sor.u32 s31, s8  }
0x16f: {  	s21 =	sor.u32 s1, s8;
	[tilespmem:s22+$0x0] =	vst v4  }
0x170: {  	s22 =	sor.u32 s6, s8;
	v4 =	vld.idx.msk [tilespmem:v61+s4+$0x0], $0xffff;
	[tilespmem:s21+$0x0] =	vst v6  }
0x171: {  	v13 =	vadd.s32 $0x1980, v0;
	s8 =	sor.u32 s7, s8;
	v6 =	vld.idx.msk [tilespmem:v62+s4+$0x0], $0xffff;
	[tilespmem:s22+$0x0] =	vst v8  }
0x172: {  	v14 =	vadd.s32 $0x1980, v2;
	v8 =	vld.idx.msk [tilespmem:v63+s4+$0x0], $0xffff;
	[tilespmem:s8+$0x0] =	vst v10  }
0x173: {  	v15 =	vadd.s32 $0x1980, v3;
	s8 =	sadd.s32 $0x8500, s0;
	v10 =	vld.idx.msk [tilespmem:v12+s4+$0x0], $0xffff  }
0x174: {  	v16 =	vadd.s32 $0x1980, v1;
	s21 =	sor.u32 s31, s8  }
0x175: {  	s22 =	sor.u32 s1, s8;
	[tilespmem:s21+$0x0] =	vst v4  }
0x176: {  	s21 =	sor.u32 s6, s8;
	v4 =	vld.idx.msk [tilespmem:v13+s4+$0x0], $0xffff;
	[tilespmem:s22+$0x0] =	vst v6  }
0x177: {  	v17 =	vadd.s32 $0x1A00, v0;
	s8 =	sor.u32 s7, s8;
	v6 =	vld.idx.msk [tilespmem:v14+s4+$0x0], $0xffff;
	[tilespmem:s21+$0x0] =	vst v8  }
0x178: {  	v18 =	vadd.s32 $0x1A00, v2;
	v8 =	vld.idx.msk [tilespmem:v15+s4+$0x0], $0xffff;
	[tilespmem:s8+$0x0] =	vst v10  }
0x179: {  	v19 =	vadd.s32 $0x1A00, v3;
	s8 =	sadd.s32 $0x8580, s0;
	v10 =	vld.idx.msk [tilespmem:v16+s4+$0x0], $0xffff  }
0x17a: {  	v20 =	vadd.s32 $0x1A00, v1;
	s22 =	sor.u32 s31, s8  }
0x17b: {  	s21 =	sor.u32 s1, s8;
	[tilespmem:s22+$0x0] =	vst v4  }
0x17c: {  	s22 =	sor.u32 s6, s8;
	v4 =	vld.idx.msk [tilespmem:v17+s4+$0x0], $0xffff;
	[tilespmem:s21+$0x0] =	vst v6  }
0x17d: {  	v21 =	vadd.s32 $0x1A80, v0;
	s8 =	sor.u32 s7, s8;
	v6 =	vld.idx.msk [tilespmem:v18+s4+$0x0], $0xffff;
	[tilespmem:s22+$0x0] =	vst v8  }
0x17e: {  	v22 =	vadd.s32 $0x1A80, v2;
	v8 =	vld.idx.msk [tilespmem:v19+s4+$0x0], $0xffff;
	[tilespmem:s8+$0x0] =	vst v10  }
0x17f: {  	v23 =	vadd.s32 $0x1A80, v3;
	s8 =	sadd.s32 $0x8600, s0;
	v10 =	vld.idx.msk [tilespmem:v20+s4+$0x0], $0xffff  }
0x180: {  	v24 =	vadd.s32 $0x1A80, v1;
	s21 =	sor.u32 s31, s8  }
0x181: {  	s22 =	sor.u32 s1, s8;
	[tilespmem:s21+$0x0] =	vst v4  }
0x182: {  	s21 =	sor.u32 s6, s8;
	v4 =	vld.idx.msk [tilespmem:v21+s4+$0x0], $0xffff;
	[tilespmem:s22+$0x0] =	vst v6  }
0x183: {  	v25 =	vadd.s32 $0x1B00, v0;
	s8 =	sor.u32 s7, s8;
	v6 =	vld.idx.msk [tilespmem:v22+s4+$0x0], $0xffff;
	[tilespmem:s21+$0x0] =	vst v8  }
0x184: {  	v26 =	vadd.s32 $0x1B00, v2;
	v8 =	vld.idx.msk [tilespmem:v23+s4+$0x0], $0xffff;
	[tilespmem:s8+$0x0] =	vst v10  }
0x185: {  	v27 =	vadd.s32 $0x1B00, v3;
	s8 =	sadd.s32 $0x8680, s0;
	v10 =	vld.idx.msk [tilespmem:v24+s4+$0x0], $0xffff  }
0x186: {  	v28 =	vadd.s32 $0x1B00, v1;
	s22 =	sor.u32 s31, s8  }
0x187: {  	s21 =	sor.u32 s1, s8;
	[tilespmem:s22+$0x0] =	vst v4  }
0x188: {  	s22 =	sor.u32 s6, s8;
	v4 =	vld.idx.msk [tilespmem:v25+s4+$0x0], $0xffff;
	[tilespmem:s21+$0x0] =	vst v6  }
0x189: {  	v29 =	vadd.s32 $0x1B80, v0;
	s8 =	sor.u32 s7, s8;
	v6 =	vld.idx.msk [tilespmem:v26+s4+$0x0], $0xffff;
	[tilespmem:s22+$0x0] =	vst v8  }
0x18a: {  	v30 =	vadd.s32 $0x1B80, v2;
	v8 =	vld.idx.msk [tilespmem:v27+s4+$0x0], $0xffff;
	[tilespmem:s8+$0x0] =	vst v10  }
0x18b: {  	v31 =	vadd.s32 $0x1B80, v3;
	s8 =	sadd.s32 $0x8700, s0;
	v10 =	vld.idx.msk [tilespmem:v28+s4+$0x0], $0xffff  }
0x18c: {  	v32 =	vadd.s32 $0x1B80, v1;
	s21 =	sor.u32 s31, s8  }
0x18d: {  	s22 =	sor.u32 s1, s8;
	[tilespmem:s21+$0x0] =	vst v4  }
0x18e: {  	s21 =	sor.u32 s6, s8;
	v4 =	vld.idx.msk [tilespmem:v29+s4+$0x0], $0xffff;
	[tilespmem:s22+$0x0] =	vst v6  }
0x18f: {  	v33 =	vadd.s32 $0x1C00, v0;
	s8 =	sor.u32 s7, s8;
	v6 =	vld.idx.msk [tilespmem:v30+s4+$0x0], $0xffff;
	[tilespmem:s21+$0x0] =	vst v8  }
0x190: {  	v34 =	vadd.s32 $0x1C00, v2;
	v8 =	vld.idx.msk [tilespmem:v31+s4+$0x0], $0xffff;
	[tilespmem:s8+$0x0] =	vst v10  }
0x191: {  	v35 =	vadd.s32 $0x1C00, v3;
	s8 =	sadd.s32 $0x8780, s0;
	v10 =	vld.idx.msk [tilespmem:v32+s4+$0x0], $0xffff  }
0x192: {  	v36 =	vadd.s32 $0x1C00, v1;
	s22 =	sor.u32 s31, s8  }
0x193: {  	s21 =	sor.u32 s1, s8;
	[tilespmem:s22+$0x0] =	vst v4  }
0x194: {  	s22 =	sor.u32 s6, s8;
	v4 =	vld.idx.msk [tilespmem:v33+s4+$0x0], $0xffff;
	[tilespmem:s21+$0x0] =	vst v6  }
0x195: {  	v37 =	vadd.s32 $0x1C80, v0;
	s8 =	sor.u32 s7, s8;
	v6 =	vld.idx.msk [tilespmem:v34+s4+$0x0], $0xffff;
	[tilespmem:s22+$0x0] =	vst v8  }
0x196: {  	v38 =	vadd.s32 $0x1C80, v2;
	v8 =	vld.idx.msk [tilespmem:v35+s4+$0x0], $0xffff;
	[tilespmem:s8+$0x0] =	vst v10  }
0x197: {  	v39 =	vadd.s32 $0x1C80, v3;
	s8 =	sadd.s32 $0x9400, s0;
	v10 =	vld.idx.msk [tilespmem:v36+s4+$0x0], $0xffff  }
0x198: {  	v40 =	vadd.s32 $0x1C80, v1;
	s21 =	sor.u32 s31, s8  }
0x199: {  	s22 =	sor.u32 s1, s8;
	[tilespmem:s21+$0x0] =	vst v4  }
0x19a: {  	s21 =	sor.u32 s6, s8;
	v4 =	vld.idx.msk [tilespmem:v37+s4+$0x0], $0xffff;
	[tilespmem:s22+$0x0] =	vst v6  }
0x19b: {  	v41 =	vadd.s32 $0x1D00, v0;
	s8 =	sor.u32 s7, s8;
	v6 =	vld.idx.msk [tilespmem:v38+s4+$0x0], $0xffff;
	[tilespmem:s21+$0x0] =	vst v8  }
0x19c: {  	v42 =	vadd.s32 $0x1D00, v2;
	v8 =	vld.idx.msk [tilespmem:v39+s4+$0x0], $0xffff;
	[tilespmem:s8+$0x0] =	vst v10  }
0x19d: {  	v43 =	vadd.s32 $0x1D00, v3;
	s8 =	sadd.s32 $0x9480, s0;
	v10 =	vld.idx.msk [tilespmem:v40+s4+$0x0], $0xffff  }
0x19e: {  	v44 =	vadd.s32 $0x1D00, v1;
	s22 =	sor.u32 s31, s8  }
0x19f: {  	s21 =	sor.u32 s1, s8;
	[tilespmem:s22+$0x0] =	vst v4  }
0x1a0: {  	s22 =	sor.u32 s6, s8;
	v4 =	vld.idx.msk [tilespmem:v41+s4+$0x0], $0xffff;
	[tilespmem:s21+$0x0] =	vst v6  }
0x1a1: {  	v45 =	vadd.s32 $0x1D80, v0;
	s8 =	sor.u32 s7, s8;
	v6 =	vld.idx.msk [tilespmem:v42+s4+$0x0], $0xffff;
	[tilespmem:s22+$0x0] =	vst v8  }
0x1a2: {  	v46 =	vadd.s32 $0x1D80, v2;
	v8 =	vld.idx.msk [tilespmem:v43+s4+$0x0], $0xffff;
	[tilespmem:s8+$0x0] =	vst v10  }
0x1a3: {  	v47 =	vadd.s32 $0x1D80, v3;
	s8 =	sadd.s32 $0x9500, s0;
	v10 =	vld.idx.msk [tilespmem:v44+s4+$0x0], $0xffff  }
0x1a4: {  	v48 =	vadd.s32 $0x1D80, v1;
	s21 =	sor.u32 s31, s8  }
0x1a5: {  	s22 =	sor.u32 s1, s8;
	[tilespmem:s21+$0x0] =	vst v4  }
0x1a6: {  	s21 =	sor.u32 s6, s8;
	v4 =	vld.idx.msk [tilespmem:v45+s4+$0x0], $0xffff;
	[tilespmem:s22+$0x0] =	vst v6  }
0x1a7: {  	v49 =	vadd.s32 $0x1E00, v0;
	s8 =	sor.u32 s7, s8;
	v6 =	vld.idx.msk [tilespmem:v46+s4+$0x0], $0xffff;
	[tilespmem:s21+$0x0] =	vst v8  }
0x1a8: {  	v50 =	vadd.s32 $0x1E00, v2;
	v8 =	vld.idx.msk [tilespmem:v47+s4+$0x0], $0xffff;
	[tilespmem:s8+$0x0] =	vst v10  }
0x1a9: {  	v51 =	vadd.s32 $0x1E00, v3;
	s8 =	sadd.s32 $0x9580, s0;
	v10 =	vld.idx.msk [tilespmem:v48+s4+$0x0], $0xffff  }
0x1aa: {  	v52 =	vadd.s32 $0x1E00, v1;
	s22 =	sor.u32 s31, s8  }
0x1ab: {  	s21 =	sor.u32 s1, s8;
	[tilespmem:s22+$0x0] =	vst v4  }
0x1ac: {  	s22 =	sor.u32 s6, s8;
	v4 =	vld.idx.msk [tilespmem:v49+s4+$0x0], $0xffff;
	[tilespmem:s21+$0x0] =	vst v6  }
0x1ad: {  	v53 =	vadd.s32 $0x1E80, v0;
	s8 =	sor.u32 s7, s8;
	v6 =	vld.idx.msk [tilespmem:v50+s4+$0x0], $0xffff;
	[tilespmem:s22+$0x0] =	vst v8  }
0x1ae: {  	v54 =	vadd.s32 $0x1E80, v2;
	v8 =	vld.idx.msk [tilespmem:v51+s4+$0x0], $0xffff;
	[tilespmem:s8+$0x0] =	vst v10  }
0x1af: {  	v55 =	vadd.s32 $0x1E80, v3;
	s8 =	sadd.s32 $0x9600, s0;
	v10 =	vld.idx.msk [tilespmem:v52+s4+$0x0], $0xffff  }
0x1b0: {  	v56 =	vadd.s32 $0x1E80, v1;
	s21 =	sor.u32 s31, s8  }
0x1b1: {  	s22 =	sor.u32 s1, s8;
	[tilespmem:s21+$0x0] =	vst v4  }
0x1b2: {  	s21 =	sor.u32 s6, s8;
	v4 =	vld.idx.msk [tilespmem:v53+s4+$0x0], $0xffff;
	[tilespmem:s22+$0x0] =	vst v6  }
0x1b3: {  	v57 =	vadd.s32 $0x1F00, v0;
	s8 =	sor.u32 s7, s8;
	v6 =	vld.idx.msk [tilespmem:v54+s4+$0x0], $0xffff;
	[tilespmem:s21+$0x0] =	vst v8  }
0x1b4: {  	v58 =	vadd.s32 $0x1F00, v2;
	v8 =	vld.idx.msk [tilespmem:v55+s4+$0x0], $0xffff;
	[tilespmem:s8+$0x0] =	vst v10  }
0x1b5: {  	v59 =	vadd.s32 $0x1F00, v3;
	s8 =	sadd.s32 $0x9680, s0;
	v10 =	vld.idx.msk [tilespmem:v56+s4+$0x0], $0xffff  }
0x1b6: {  	v60 =	vadd.s32 $0x1F00, v1;
	s22 =	sor.u32 s31, s8  }
0x1b7: {  	s21 =	sor.u32 s1, s8;
	[tilespmem:s22+$0x0] =	vst v4  }
0x1b8: {  	s22 =	sor.u32 s6, s8;
	v4 =	vld.idx.msk [tilespmem:v57+s4+$0x0], $0xffff;
	[tilespmem:s21+$0x0] =	vst v6  }
0x1b9: {  	v0 =	vadd.s32 $0x1F80, v0;
	s8 =	sor.u32 s7, s8;
	[tilespmem:s22+$0x0] =	vst v8;
	v61 =	vld.idx.msk [tilespmem:v58+s4+$0x0], $0xffff  }
0x1ba: {  	v2 =	vadd.s32 $0x1F80, v2;
	[tilespmem:s8+$0x0] =	vst v10;
	v62 =	vld.idx.msk [tilespmem:v59+s4+$0x0], $0xffff  }
0x1bb: {  	v3 =	vadd.s32 $0x1F80, v3;
	s8 =	sadd.s32 $0x9700, s0;
	v63 =	vld.idx.msk [tilespmem:v60+s4+$0x0], $0xffff  }
0x1bc: {  	v1 =	vadd.s32 $0x1F80, v1;
	s21 =	sor.u32 s31, s8  }
0x1bd: {  	s22 =	sor.u32 s1, s8;
	[tilespmem:s21+$0x0] =	vst v4  }
0x1be: {  	s21 =	sor.u32 s6, s8;
	v0 =	vld.idx.msk [tilespmem:v0+s4+$0x0], $0xffff;
	[tilespmem:s22+$0x0] =	vst v61  }
0x1bf: {  	s8 =	sor.u32 s7, s8;
	[tilespmem:s21+$0x0] =	vst v62;
	v2 =	vld.idx.msk [tilespmem:v2+s4+$0x0], $0xffff  }
0x1c0: {  	s26 =	sadd.s32 $0x4, s26;
	[tilespmem:s8+$0x0] =	vst v63;
	v3 =	vld.idx.msk [tilespmem:v3+s4+$0x0], $0xffff  }
0x1c1: {  	p2 =	slt.u32 s26, $0x1C;
	s0 =	sadd.s32 $0x9780, s0;
	v1 =	vld.idx.msk [tilespmem:v1+s4+$0x0], $0xffff  }
.Ltmp0:
0x1c2: {  	s22 =	sor.u32 s31, s0;
	(pc) =	sbr.rel @p2 .LBB2_3-.Ltmp0, $4  }
0x1c3: {  	s1 =	sor.u32 s1, s0;
	[tilespmem:s22+$0x0] =	vst v0  }
0x1c4: {  	s31 =	sor.u32 s6, s0;
	[tilespmem:s1+$0x0] =	vst v2  }
0x1c5: {  	s29 =	sadd.s32 $0x40, s29;
	s0 =	sor.u32 s7, s0;
	[tilespmem:s31+$0x0] =	vst v3  }
0x1c6: {  	p1 =	por !p1, !p1;
	s30 =	sadd.s32 $0x200, s30;
	s28 =	sadd.s32 $0x40, s28;
	[tilespmem:s0+$0x0] =	vst v1  }
0x1c7: {  	p1 =	sne.s32 s23, $0x63  }
.Ltmp1:
0x1c8: {  	s0 =	sshll.u32 s23, $0x15;
	(pc) =	sbr.rel @p1 .LBB2_6-.Ltmp1, $4  }
0x1c9: {  	s0 =	sor.u32 s5, s0  }
0x1ca: {  	s0 =	sshrl.u32 s0, $0x3  }
0x1cb: {  	s0 =	sadd.s32 s3, s0  }
0x1cc: {  	[hbm4b:s0+s15] =	stream.strided.scatter [tilespmem:s17], [sflag:$0x3], $0x8000, s16, s15, $0x38;
	[tilespmem:$0x12400] =	vst v63  }
.Ltmp2:
0x1cd: {  	(pc) =	sbr.rel .LBB2_7-.Ltmp2, $4  }
0x1ce: {  	_ = 	snop  }
0x1cf: {  	_ =	swait.ge [sflag:s18], $0x200  }
0x1d0: {  	[sflag:s18] =	ssyncset.done $0x0  }
0x1d1: {  	[sflag:s18] =	ssyncadd.s32 $0xFFFFFE00  }
.LBB2_6:
0x1d2: {  	s0 =	sadd.s32 $0x2, s25  }
0x1d3: {  	s1 =	sshll.u32 s0, $0x7;
	s0 =	sshll.u32 s0, $0xE  }
0x1d4: {  	s1 =	sand.u32 $0x300, s1;
	s0 =	sand.u32 $0x7E0000, s0  }
0x1d5: {  	s0 =	sor.u32 s0, s1  }
0x1d6: {  	s0 =	sor.u32 s5, s0  }
0x1d7: {  	s0 =	sshrl.u32 s0, $0x3  }
.Ltmp3:
0x1d8: {  	s0 =	sadd.s32 s2, s0;
	(pc) =	sbr.rel @p0 .LBB2_8-.Ltmp3, $4  }
0x1d9: {  	[tilespmem:s12], [sflag:$0x1] =	stream.strided.gather [hbm4b:s0+s10], $0x200, s11, s10, $0x38;
	[tilespmem:$0x12400] =	vst v63  }
0x1da: {  	_ =	swait.ge [sflag:s18], $0x200  }
0x1db: {  	[sflag:s18] =	ssyncset.done $0x0  }
0x1dc: {  	[sflag:s18] =	ssyncadd.s32 $0xFFFFFE00  }
.LBB2_7:
0x1dd: {  	_ =	swait.ge [sflag:s19], $0x8000  }
0x1de: {  	[sflag:s19] =	ssyncset.done $0x0  }
0x1df: {  	[sflag:s19] =	ssyncadd.s32 $0xFFFF8000  }
.LBB2_8:
0x1e0: {  	s25 =	simm.s32 $0xFFFFFFFC;
	p0 =	por $0x0, $0x0  }
0x1e1: {  	s26 =	simm.s32 $0x0;
	s28 =	simm.s32 $0x2230;
	s29 =	simm.s32 $0x0  }
.LBB2_9:
0x1e2: {  	s0 =	sand.u32 $0x1C0, s26  }
0x1e3: {  	v0 =	vld [tilespmem:s0+$0x2200];
	_ =	sdelay $0x7  }
0x1e4: {  	v1 =	vld.idx.msk [tilespmem:v0+s4+$0x0], $0xffff  }
0x1e5: {  	v2 =	vadd.s32 $0x80, v0  }
0x1e6: {  	s30 =	sand.u32 $0xC00, s29  }
0x1e7: {  	s0 =	sand.u32 $0x40, s26;
	s9 =	sadd.s32 $0xA400, s30  }
0x1e8: {  	s1 =	sor.u32 s0, s9  }
0x1e9: {  	[tilespmem:s1+$0x0] =	vst v1  }
0x1ea: {  	v1 =	vld.idx.msk [tilespmem:v2+s4+$0x0], $0xffff  }
0x1eb: {  	v27 =	vadd.s32 $0x100, v0;
	_ =	sdelay $0x3  }
0x1ec: {  	[tilespmem:s1+$0x80] =	vst v1  }
0x1ed: {  	v1 =	vld.idx.msk [tilespmem:v27+s4+$0x0], $0xffff  }
0x1ee: {  	v28 =	vadd.s32 $0x180, v0;
	_ =	sdelay $0x3  }
0x1ef: {  	[tilespmem:s1+$0x100] =	vst v1  }
0x1f0: {  	v1 =	vld.idx.msk [tilespmem:v28+s4+$0x0], $0xffff  }
0x1f1: {  	v29 =	vadd.s32 $0x200, v0;
	_ =	sdelay $0x3  }
0x1f2: {  	[tilespmem:s1+$0x180] =	vst v1  }
0x1f3: {  	s1 =	simm.s32 $0x1;
	v1 =	vld.idx.msk [tilespmem:v29+s4+$0x0], $0xffff  }
0x1f4: {  	v30 =	vadd.s32 $0x280, v0;
	s1 =	simm.s32 @!p0 $0x0  }
0x1f5: {  	s1 =	sshll.u32 s1, $0x6  }
0x1f6: {  	s8 =	sadd.s32 s1, s29  }
0x1f7: {  	s1 =	sor.u32 $0x200, s8  }
0x1f8: {  	[tilespmem:s1+$0xA400] =	vst v1  }
0x1f9: {  	v1 =	vld.idx.msk [tilespmem:v30+s4+$0x0], $0xffff  }
0x1fa: {  	v31 =	vadd.s32 $0x300, v0;
	_ =	sdelay $0x2  }
0x1fb: {  	s7 =	sor.u32 $0x280, s8  }
0x1fc: {  	[tilespmem:s7+$0xA400] =	vst v1  }
0x1fd: {  	v1 =	vld.idx.msk [tilespmem:v31+s4+$0x0], $0xffff  }
0x1fe: {  	v32 =	vadd.s32 $0x380, v0;
	_ =	sdelay $0x2  }
0x1ff: {  	s21 =	sor.u32 $0x300, s8  }
0x200: {  	[tilespmem:s21+$0xA400] =	vst v1  }
0x201: {  	v1 =	vld.idx.msk [tilespmem:v32+s4+$0x0], $0xffff;
	_ =	sdelay $0x2  }
0x202: {  	s22 =	sor.u32 s29, s26  }
0x203: {  	s1 =	sor.u32 $0x380, s22  }
0x204: {  	[tilespmem:s1+$0xA400] =	vst v1  }
0x205: {  	v3 =	vld [tilespmem:s28+$0xFFFFFFE0]  }
0x206: {  	v2 =	vld [tilespmem:s28+$0xFFFFFFF0]  }
0x207: {  	v1 =	vld [tilespmem:s28+$0x0];
	_ =	sdelay $0x5  }
0x208: {  	v4 =	vld.idx.msk [tilespmem:v3+s4+$0x0], $0xffff  }
0x209: {  	v5 =	vadd.s32 $0x80, v3;
	v6 =	vld.idx.msk [tilespmem:v2+s4+$0x0], $0xffff  }
0x20a: {  	v7 =	vadd.s32 $0x80, v2;
	v8 =	vld.idx.msk [tilespmem:v1+s4+$0x0], $0xffff  }
0x20b: {  	s1 =	sor.u32 $0x10, s0;
	v9 =	vadd.s32 $0x80, v1  }
0x20c: {  	s6 =	sor.u32 $0x20, s0;
	s21 =	sor.u32 s1, s9  }
0x20d: {  	s22 =	sor.u32 s6, s9;
	s7 =	sor.u32 $0x30, s0;
	[tilespmem:s21+$0x0] =	vst v4  }
0x20e: {  	s9 =	sor.u32 s7, s9;
	[tilespmem:s22+$0x0] =	vst v6;
	v4 =	vld.idx.msk [tilespmem:v5+s4+$0x0], $0xffff  }
0x20f: {  	v33 =	vadd.s32 $0x100, v3;
	[tilespmem:s9+$0x0] =	vst v8;
	v6 =	vld.idx.msk [tilespmem:v7+s4+$0x0], $0xffff  }
0x210: {  	v34 =	vadd.s32 $0x100, v2;
	v8 =	vld.idx.msk [tilespmem:v9+s4+$0x0], $0xffff  }
0x211: {  	v35 =	vadd.s32 $0x100, v1;
	_ =	sdelay $0x1  }
0x212: {  	[tilespmem:s21+$0x80] =	vst v4  }
0x213: {  	[tilespmem:s22+$0x80] =	vst v6;
	v4 =	vld.idx.msk [tilespmem:v33+s4+$0x0], $0xffff  }
0x214: {  	v36 =	vadd.s32 $0x180, v3;
	[tilespmem:s9+$0x80] =	vst v8;
	v6 =	vld.idx.msk [tilespmem:v34+s4+$0x0], $0xffff  }
0x215: {  	v37 =	vadd.s32 $0x180, v2;
	v8 =	vld.idx.msk [tilespmem:v35+s4+$0x0], $0xffff  }
0x216: {  	v38 =	vadd.s32 $0x180, v1;
	_ =	sdelay $0x1  }
0x217: {  	[tilespmem:s21+$0x100] =	vst v4  }
0x218: {  	[tilespmem:s22+$0x100] =	vst v6;
	v4 =	vld.idx.msk [tilespmem:v36+s4+$0x0], $0xffff  }
0x219: {  	v39 =	vadd.s32 $0x200, v3;
	[tilespmem:s9+$0x100] =	vst v8;
	v6 =	vld.idx.msk [tilespmem:v37+s4+$0x0], $0xffff  }
0x21a: {  	v40 =	vadd.s32 $0x200, v2;
	v8 =	vld.idx.msk [tilespmem:v38+s4+$0x0], $0xffff  }
0x21b: {  	v41 =	vadd.s32 $0x200, v1;
	_ =	sdelay $0x1  }
0x21c: {  	[tilespmem:s21+$0x180] =	vst v4  }
0x21d: {  	[tilespmem:s22+$0x180] =	vst v6;
	v4 =	vld.idx.msk [tilespmem:v39+s4+$0x0], $0xffff  }
0x21e: {  	v42 =	vadd.s32 $0x280, v3;
	[tilespmem:s9+$0x180] =	vst v8;
	v6 =	vld.idx.msk [tilespmem:v40+s4+$0x0], $0xffff  }
0x21f: {  	v43 =	vadd.s32 $0x280, v2;
	v8 =	vld.idx.msk [tilespmem:v41+s4+$0x0], $0xffff  }
0x220: {  	v44 =	vadd.s32 $0x280, v1;
	s9 =	sadd.s32 $0x10, s8  }
0x221: {  	s22 =	sadd.s32 $0x20, s8;
	s31 =	sor.u32 $0x200, s9  }
0x222: {  	s8 =	sadd.s32 $0x30, s8;
	[tilespmem:s31+$0xA400] =	vst v4;
	s31 =	sor.u32 $0x200, s22  }
0x223: {  	v4 =	vld.idx.msk [tilespmem:v42+s4+$0x0], $0xffff;
	[tilespmem:s31+$0xA400] =	vst v6;
	s31 =	sor.u32 $0x200, s8  }
0x224: {  	v45 =	vadd.s32 $0x300, v3;
	v6 =	vld.idx.msk [tilespmem:v43+s4+$0x0], $0xffff;
	[tilespmem:s31+$0xA400] =	vst v8  }
0x225: {  	v46 =	vadd.s32 $0x300, v2;
	v8 =	vld.idx.msk [tilespmem:v44+s4+$0x0], $0xffff  }
0x226: {  	v47 =	vadd.s32 $0x300, v1  }
0x227: {  	s31 =	sor.u32 $0x280, s9  }
0x228: {  	[tilespmem:s31+$0xA400] =	vst v4;
	s31 =	sor.u32 $0x280, s22  }
0x229: {  	v4 =	vld.idx.msk [tilespmem:v45+s4+$0x0], $0xffff;
	[tilespmem:s31+$0xA400] =	vst v6;
	s31 =	sor.u32 $0x280, s8  }
0x22a: {  	v48 =	vadd.s32 $0x380, v3;
	v6 =	vld.idx.msk [tilespmem:v46+s4+$0x0], $0xffff;
	[tilespmem:s31+$0xA400] =	vst v8  }
0x22b: {  	v49 =	vadd.s32 $0x380, v2;
	v8 =	vld.idx.msk [tilespmem:v47+s4+$0x0], $0xffff  }
0x22c: {  	v50 =	vadd.s32 $0x380, v1  }
0x22d: {  	s31 =	sor.u32 $0x300, s9  }
0x22e: {  	[tilespmem:s31+$0xA400] =	vst v4;
	s31 =	sor.u32 $0x300, s22  }
0x22f: {  	v51 =	vadd.s32 $0x400, v0;
	v5 =	vld.idx.msk [tilespmem:v48+s4+$0x0], $0xffff;
	[tilespmem:s31+$0xA400] =	vst v6;
	s31 =	sor.u32 $0x300, s8  }
0x230: {  	v52 =	vadd.s32 $0x400, v3;
	[tilespmem:s31+$0xA400] =	vst v8;
	v7 =	vld.idx.msk [tilespmem:v49+s4+$0x0], $0xffff  }
0x231: {  	v53 =	vadd.s32 $0x400, v2;
	v9 =	vld.idx.msk [tilespmem:v50+s4+$0x0], $0xffff  }
0x232: {  	v10 =	vadd.s32 $0x400, v1  }
0x233: {  	s9 =	sor.u32 $0x380, s9  }
0x234: {  	v4 =	vld.idx.msk [tilespmem:v51+s4+$0x0], $0xffff;
	s31 =	sor.u32 $0x380, s22;
	[tilespmem:s9+$0xA400] =	vst v5  }
0x235: {  	v54 =	vadd.s32 $0x480, v0;
	s8 =	sor.u32 $0x380, s8;
	v6 =	vld.idx.msk [tilespmem:v52+s4+$0x0], $0xffff;
	[tilespmem:s31+$0xA400] =	vst v7  }
0x236: {  	v55 =	vadd.s32 $0x480, v3;
	v8 =	vld.idx.msk [tilespmem:v53+s4+$0x0], $0xffff;
	[tilespmem:s8+$0xA400] =	vst v9  }
0x237: {  	v56 =	vadd.s32 $0x480, v2;
	s8 =	sadd.s32 $0xB400, s30;
	v10 =	vld.idx.msk [tilespmem:v10+s4+$0x0], $0xffff  }
0x238: {  	v11 =	vadd.s32 $0x480, v1;
	s21 =	sor.u32 s0, s8  }
0x239: {  	s22 =	sor.u32 s1, s8;
	[tilespmem:s21+$0x0] =	vst v4  }
0x23a: {  	s31 =	sor.u32 s6, s8;
	v4 =	vld.idx.msk [tilespmem:v54+s4+$0x0], $0xffff;
	[tilespmem:s22+$0x0] =	vst v6  }
0x23b: {  	v57 =	vadd.s32 $0x500, v0;
	s8 =	sor.u32 s7, s8;
	v6 =	vld.idx.msk [tilespmem:v55+s4+$0x0], $0xffff;
	[tilespmem:s31+$0x0] =	vst v8  }
0x23c: {  	v58 =	vadd.s32 $0x500, v3;
	v8 =	vld.idx.msk [tilespmem:v56+s4+$0x0], $0xffff;
	[tilespmem:s8+$0x0] =	vst v10  }
0x23d: {  	v59 =	vadd.s32 $0x500, v2;
	s8 =	sadd.s32 $0xB480, s30;
	v10 =	vld.idx.msk [tilespmem:v11+s4+$0x0], $0xffff  }
0x23e: {  	v60 =	vadd.s32 $0x500, v1;
	s21 =	sor.u32 s0, s8  }
0x23f: {  	s22 =	sor.u32 s1, s8;
	[tilespmem:s21+$0x0] =	vst v4  }
0x240: {  	s31 =	sor.u32 s6, s8;
	v4 =	vld.idx.msk [tilespmem:v57+s4+$0x0], $0xffff;
	[tilespmem:s22+$0x0] =	vst v6  }
0x241: {  	v61 =	vadd.s32 $0x580, v0;
	s8 =	sor.u32 s7, s8;
	v6 =	vld.idx.msk [tilespmem:v58+s4+$0x0], $0xffff;
	[tilespmem:s31+$0x0] =	vst v8  }
0x242: {  	v62 =	vadd.s32 $0x580, v3;
	v8 =	vld.idx.msk [tilespmem:v59+s4+$0x0], $0xffff;
	[tilespmem:s8+$0x0] =	vst v10  }
0x243: {  	v63 =	vadd.s32 $0x580, v2;
	s8 =	sadd.s32 $0xB500, s30;
	v10 =	vld.idx.msk [tilespmem:v60+s4+$0x0], $0xffff  }
0x244: {  	v12 =	vadd.s32 $0x580, v1;
	s21 =	sor.u32 s0, s8  }
0x245: {  	s22 =	sor.u32 s1, s8;
	[tilespmem:s21+$0x0] =	vst v4  }
0x246: {  	s31 =	sor.u32 s6, s8;
	v4 =	vld.idx.msk [tilespmem:v61+s4+$0x0], $0xffff;
	[tilespmem:s22+$0x0] =	vst v6  }
0x247: {  	v13 =	vadd.s32 $0x600, v0;
	s8 =	sor.u32 s7, s8;
	v6 =	vld.idx.msk [tilespmem:v62+s4+$0x0], $0xffff;
	[tilespmem:s31+$0x0] =	vst v8  }
0x248: {  	v14 =	vadd.s32 $0x600, v3;
	v8 =	vld.idx.msk [tilespmem:v63+s4+$0x0], $0xffff;
	[tilespmem:s8+$0x0] =	vst v10  }
0x249: {  	v15 =	vadd.s32 $0x600, v2;
	s8 =	sadd.s32 $0xB580, s30;
	v10 =	vld.idx.msk [tilespmem:v12+s4+$0x0], $0xffff  }
0x24a: {  	v16 =	vadd.s32 $0x600, v1;
	s21 =	sor.u32 s0, s8  }
0x24b: {  	s22 =	sor.u32 s1, s8;
	[tilespmem:s21+$0x0] =	vst v4  }
0x24c: {  	s31 =	sor.u32 s6, s8;
	v4 =	vld.idx.msk [tilespmem:v13+s4+$0x0], $0xffff;
	[tilespmem:s22+$0x0] =	vst v6  }
0x24d: {  	v17 =	vadd.s32 $0x680, v0;
	s8 =	sor.u32 s7, s8;
	v6 =	vld.idx.msk [tilespmem:v14+s4+$0x0], $0xffff;
	[tilespmem:s31+$0x0] =	vst v8  }
0x24e: {  	v18 =	vadd.s32 $0x680, v3;
	v8 =	vld.idx.msk [tilespmem:v15+s4+$0x0], $0xffff;
	[tilespmem:s8+$0x0] =	vst v10  }
0x24f: {  	v19 =	vadd.s32 $0x680, v2;
	s8 =	sadd.s32 $0xB600, s30;
	v10 =	vld.idx.msk [tilespmem:v16+s4+$0x0], $0xffff  }
0x250: {  	v20 =	vadd.s32 $0x680, v1;
	s21 =	sor.u32 s0, s8  }
0x251: {  	s22 =	sor.u32 s1, s8;
	[tilespmem:s21+$0x0] =	vst v4  }
0x252: {  	s31 =	sor.u32 s6, s8;
	v4 =	vld.idx.msk [tilespmem:v17+s4+$0x0], $0xffff;
	[tilespmem:s22+$0x0] =	vst v6  }
0x253: {  	v21 =	vadd.s32 $0x700, v0;
	s8 =	sor.u32 s7, s8;
	v6 =	vld.idx.msk [tilespmem:v18+s4+$0x0], $0xffff;
	[tilespmem:s31+$0x0] =	vst v8  }
0x254: {  	v22 =	vadd.s32 $0x700, v3;
	v8 =	vld.idx.msk [tilespmem:v19+s4+$0x0], $0xffff;
	[tilespmem:s8+$0x0] =	vst v10  }
0x255: {  	v23 =	vadd.s32 $0x700, v2;
	s8 =	sadd.s32 $0xB680, s30;
	v10 =	vld.idx.msk [tilespmem:v20+s4+$0x0], $0xffff  }
0x256: {  	v24 =	vadd.s32 $0x700, v1;
	s21 =	sor.u32 s0, s8  }
0x257: {  	s22 =	sor.u32 s1, s8;
	[tilespmem:s21+$0x0] =	vst v4  }
0x258: {  	s31 =	sor.u32 s6, s8;
	v4 =	vld.idx.msk [tilespmem:v21+s4+$0x0], $0xffff;
	[tilespmem:s22+$0x0] =	vst v6  }
0x259: {  	v25 =	vadd.s32 $0x780, v0;
	s8 =	sor.u32 s7, s8;
	v6 =	vld.idx.msk [tilespmem:v22+s4+$0x0], $0xffff;
	[tilespmem:s31+$0x0] =	vst v8  }
0x25a: {  	v26 =	vadd.s32 $0x780, v3;
	v8 =	vld.idx.msk [tilespmem:v23+s4+$0x0], $0xffff;
	[tilespmem:s8+$0x0] =	vst v10  }
0x25b: {  	v27 =	vadd.s32 $0x780, v2;
	s8 =	sadd.s32 $0xB700, s30;
	v10 =	vld.idx.msk [tilespmem:v24+s4+$0x0], $0xffff  }
0x25c: {  	v28 =	vadd.s32 $0x780, v1;
	s21 =	sor.u32 s0, s8  }
0x25d: {  	s22 =	sor.u32 s1, s8;
	[tilespmem:s21+$0x0] =	vst v4  }
0x25e: {  	s31 =	sor.u32 s6, s8;
	v4 =	vld.idx.msk [tilespmem:v25+s4+$0x0], $0xffff;
	[tilespmem:s22+$0x0] =	vst v6  }
0x25f: {  	v29 =	vadd.s32 $0x800, v0;
	s8 =	sor.u32 s7, s8;
	v6 =	vld.idx.msk [tilespmem:v26+s4+$0x0], $0xffff;
	[tilespmem:s31+$0x0] =	vst v8  }
0x260: {  	v30 =	vadd.s32 $0x800, v3;
	v8 =	vld.idx.msk [tilespmem:v27+s4+$0x0], $0xffff;
	[tilespmem:s8+$0x0] =	vst v10  }
0x261: {  	v31 =	vadd.s32 $0x800, v2;
	s8 =	sadd.s32 $0xB780, s30;
	v10 =	vld.idx.msk [tilespmem:v28+s4+$0x0], $0xffff  }
0x262: {  	v32 =	vadd.s32 $0x800, v1;
	s21 =	sor.u32 s0, s8  }
0x263: {  	s22 =	sor.u32 s1, s8;
	[tilespmem:s21+$0x0] =	vst v4  }
0x264: {  	s31 =	sor.u32 s6, s8;
	v4 =	vld.idx.msk [tilespmem:v29+s4+$0x0], $0xffff;
	[tilespmem:s22+$0x0] =	vst v6  }
0x265: {  	v33 =	vadd.s32 $0x880, v0;
	s8 =	sor.u32 s7, s8;
	v6 =	vld.idx.msk [tilespmem:v30+s4+$0x0], $0xffff;
	[tilespmem:s31+$0x0] =	vst v8  }
0x266: {  	v34 =	vadd.s32 $0x880, v3;
	v8 =	vld.idx.msk [tilespmem:v31+s4+$0x0], $0xffff;
	[tilespmem:s8+$0x0] =	vst v10  }
0x267: {  	v35 =	vadd.s32 $0x880, v2;
	s8 =	sadd.s32 $0xC400, s30;
	v10 =	vld.idx.msk [tilespmem:v32+s4+$0x0], $0xffff  }
0x268: {  	v36 =	vadd.s32 $0x880, v1;
	s21 =	sor.u32 s0, s8  }
0x269: {  	s22 =	sor.u32 s1, s8;
	[tilespmem:s21+$0x0] =	vst v4  }
0x26a: {  	s31 =	sor.u32 s6, s8;
	v4 =	vld.idx.msk [tilespmem:v33+s4+$0x0], $0xffff;
	[tilespmem:s22+$0x0] =	vst v6  }
0x26b: {  	v37 =	vadd.s32 $0x900, v0;
	s8 =	sor.u32 s7, s8;
	v6 =	vld.idx.msk [tilespmem:v34+s4+$0x0], $0xffff;
	[tilespmem:s31+$0x0] =	vst v8  }
0x26c: {  	v38 =	vadd.s32 $0x900, v3;
	v8 =	vld.idx.msk [tilespmem:v35+s4+$0x0], $0xffff;
	[tilespmem:s8+$0x0] =	vst v10  }
0x26d: {  	v39 =	vadd.s32 $0x900, v2;
	s8 =	sadd.s32 $0xC480, s30;
	v10 =	vld.idx.msk [tilespmem:v36+s4+$0x0], $0xffff  }
0x26e: {  	v40 =	vadd.s32 $0x900, v1;
	s21 =	sor.u32 s0, s8  }
0x26f: {  	s22 =	sor.u32 s1, s8;
	[tilespmem:s21+$0x0] =	vst v4  }
0x270: {  	s31 =	sor.u32 s6, s8;
	v4 =	vld.idx.msk [tilespmem:v37+s4+$0x0], $0xffff;
	[tilespmem:s22+$0x0] =	vst v6  }
0x271: {  	v41 =	vadd.s32 $0x980, v0;
	s8 =	sor.u32 s7, s8;
	v6 =	vld.idx.msk [tilespmem:v38+s4+$0x0], $0xffff;
	[tilespmem:s31+$0x0] =	vst v8  }
0x272: {  	v42 =	vadd.s32 $0x980, v3;
	v8 =	vld.idx.msk [tilespmem:v39+s4+$0x0], $0xffff;
	[tilespmem:s8+$0x0] =	vst v10  }
0x273: {  	v43 =	vadd.s32 $0x980, v2;
	s8 =	sadd.s32 $0xC500, s30;
	v10 =	vld.idx.msk [tilespmem:v40+s4+$0x0], $0xffff  }
0x274: {  	v44 =	vadd.s32 $0x980, v1;
	s21 =	sor.u32 s0, s8  }
0x275: {  	s22 =	sor.u32 s1, s8;
	[tilespmem:s21+$0x0] =	vst v4  }
0x276: {  	s31 =	sor.u32 s6, s8;
	v4 =	vld.idx.msk [tilespmem:v41+s4+$0x0], $0xffff;
	[tilespmem:s22+$0x0] =	vst v6  }
0x277: {  	v45 =	vadd.s32 $0xA00, v0;
	s8 =	sor.u32 s7, s8;
	v6 =	vld.idx.msk [tilespmem:v42+s4+$0x0], $0xffff;
	[tilespmem:s31+$0x0] =	vst v8  }
0x278: {  	v46 =	vadd.s32 $0xA00, v3;
	v8 =	vld.idx.msk [tilespmem:v43+s4+$0x0], $0xffff;
	[tilespmem:s8+$0x0] =	vst v10  }
0x279: {  	v47 =	vadd.s32 $0xA00, v2;
	s8 =	sadd.s32 $0xC580, s30;
	v10 =	vld.idx.msk [tilespmem:v44+s4+$0x0], $0xffff  }
0x27a: {  	v48 =	vadd.s32 $0xA00, v1;
	s21 =	sor.u32 s0, s8  }
0x27b: {  	s22 =	sor.u32 s1, s8;
	[tilespmem:s21+$0x0] =	vst v4  }
0x27c: {  	s31 =	sor.u32 s6, s8;
	v4 =	vld.idx.msk [tilespmem:v45+s4+$0x0], $0xffff;
	[tilespmem:s22+$0x0] =	vst v6  }
0x27d: {  	v49 =	vadd.s32 $0xA80, v0;
	s8 =	sor.u32 s7, s8;
	v6 =	vld.idx.msk [tilespmem:v46+s4+$0x0], $0xffff;
	[tilespmem:s31+$0x0] =	vst v8  }
0x27e: {  	v50 =	vadd.s32 $0xA80, v3;
	v8 =	vld.idx.msk [tilespmem:v47+s4+$0x0], $0xffff;
	[tilespmem:s8+$0x0] =	vst v10  }
0x27f: {  	v51 =	vadd.s32 $0xA80, v2;
	s8 =	sadd.s32 $0xC600, s30;
	v10 =	vld.idx.msk [tilespmem:v48+s4+$0x0], $0xffff  }
0x280: {  	v52 =	vadd.s32 $0xA80, v1;
	s21 =	sor.u32 s0, s8  }
0x281: {  	s22 =	sor.u32 s1, s8;
	[tilespmem:s21+$0x0] =	vst v4  }
0x282: {  	s31 =	sor.u32 s6, s8;
	v4 =	vld.idx.msk [tilespmem:v49+s4+$0x0], $0xffff;
	[tilespmem:s22+$0x0] =	vst v6  }
0x283: {  	v53 =	vadd.s32 $0xB00, v0;
	s8 =	sor.u32 s7, s8;
	v6 =	vld.idx.msk [tilespmem:v50+s4+$0x0], $0xffff;
	[tilespmem:s31+$0x0] =	vst v8  }
0x284: {  	v54 =	vadd.s32 $0xB00, v3;
	v8 =	vld.idx.msk [tilespmem:v51+s4+$0x0], $0xffff;
	[tilespmem:s8+$0x0] =	vst v10  }
0x285: {  	v55 =	vadd.s32 $0xB00, v2;
	s8 =	sadd.s32 $0xC680, s30;
	v10 =	vld.idx.msk [tilespmem:v52+s4+$0x0], $0xffff  }
0x286: {  	v56 =	vadd.s32 $0xB00, v1;
	s21 =	sor.u32 s0, s8  }
0x287: {  	s22 =	sor.u32 s1, s8;
	[tilespmem:s21+$0x0] =	vst v4  }
0x288: {  	s31 =	sor.u32 s6, s8;
	v4 =	vld.idx.msk [tilespmem:v53+s4+$0x0], $0xffff;
	[tilespmem:s22+$0x0] =	vst v6  }
0x289: {  	v57 =	vadd.s32 $0xB80, v0;
	s8 =	sor.u32 s7, s8;
	v6 =	vld.idx.msk [tilespmem:v54+s4+$0x0], $0xffff;
	[tilespmem:s31+$0x0] =	vst v8  }
0x28a: {  	v58 =	vadd.s32 $0xB80, v3;
	v8 =	vld.idx.msk [tilespmem:v55+s4+$0x0], $0xffff;
	[tilespmem:s8+$0x0] =	vst v10  }
0x28b: {  	v59 =	vadd.s32 $0xB80, v2;
	s8 =	sadd.s32 $0xC700, s30;
	v10 =	vld.idx.msk [tilespmem:v56+s4+$0x0], $0xffff  }
0x28c: {  	v60 =	vadd.s32 $0xB80, v1;
	s21 =	sor.u32 s0, s8  }
0x28d: {  	s22 =	sor.u32 s1, s8;
	[tilespmem:s21+$0x0] =	vst v4  }
0x28e: {  	s31 =	sor.u32 s6, s8;
	v4 =	vld.idx.msk [tilespmem:v57+s4+$0x0], $0xffff;
	[tilespmem:s22+$0x0] =	vst v6  }
0x28f: {  	v61 =	vadd.s32 $0xC00, v0;
	s8 =	sor.u32 s7, s8;
	v6 =	vld.idx.msk [tilespmem:v58+s4+$0x0], $0xffff;
	[tilespmem:s31+$0x0] =	vst v8  }
0x290: {  	v62 =	vadd.s32 $0xC00, v3;
	v8 =	vld.idx.msk [tilespmem:v59+s4+$0x0], $0xffff;
	[tilespmem:s8+$0x0] =	vst v10  }
0x291: {  	v63 =	vadd.s32 $0xC00, v2;
	s8 =	sadd.s32 $0xC780, s30;
	v10 =	vld.idx.msk [tilespmem:v60+s4+$0x0], $0xffff  }
0x292: {  	v12 =	vadd.s32 $0xC00, v1;
	s21 =	sor.u32 s0, s8  }
0x293: {  	s22 =	sor.u32 s1, s8;
	[tilespmem:s21+$0x0] =	vst v4  }
0x294: {  	s31 =	sor.u32 s6, s8;
	v4 =	vld.idx.msk [tilespmem:v61+s4+$0x0], $0xffff;
	[tilespmem:s22+$0x0] =	vst v6  }
0x295: {  	v13 =	vadd.s32 $0xC80, v0;
	s8 =	sor.u32 s7, s8;
	v6 =	vld.idx.msk [tilespmem:v62+s4+$0x0], $0xffff;
	[tilespmem:s31+$0x0] =	vst v8  }
0x296: {  	v14 =	vadd.s32 $0xC80, v3;
	v8 =	vld.idx.msk [tilespmem:v63+s4+$0x0], $0xffff;
	[tilespmem:s8+$0x0] =	vst v10  }
0x297: {  	v15 =	vadd.s32 $0xC80, v2;
	s8 =	sadd.s32 $0xD400, s30;
	v10 =	vld.idx.msk [tilespmem:v12+s4+$0x0], $0xffff  }
0x298: {  	v16 =	vadd.s32 $0xC80, v1;
	s21 =	sor.u32 s0, s8  }
0x299: {  	s22 =	sor.u32 s1, s8;
	[tilespmem:s21+$0x0] =	vst v4  }
0x29a: {  	s31 =	sor.u32 s6, s8;
	v4 =	vld.idx.msk [tilespmem:v13+s4+$0x0], $0xffff;
	[tilespmem:s22+$0x0] =	vst v6  }
0x29b: {  	v17 =	vadd.s32 $0xD00, v0;
	s8 =	sor.u32 s7, s8;
	v6 =	vld.idx.msk [tilespmem:v14+s4+$0x0], $0xffff;
	[tilespmem:s31+$0x0] =	vst v8  }
0x29c: {  	v18 =	vadd.s32 $0xD00, v3;
	v8 =	vld.idx.msk [tilespmem:v15+s4+$0x0], $0xffff;
	[tilespmem:s8+$0x0] =	vst v10  }
0x29d: {  	v19 =	vadd.s32 $0xD00, v2;
	s8 =	sadd.s32 $0xD480, s30;
	v10 =	vld.idx.msk [tilespmem:v16+s4+$0x0], $0xffff  }
0x29e: {  	v20 =	vadd.s32 $0xD00, v1;
	s21 =	sor.u32 s0, s8  }
0x29f: {  	s22 =	sor.u32 s1, s8;
	[tilespmem:s21+$0x0] =	vst v4  }
0x2a0: {  	s31 =	sor.u32 s6, s8;
	v4 =	vld.idx.msk [tilespmem:v17+s4+$0x0], $0xffff;
	[tilespmem:s22+$0x0] =	vst v6  }
0x2a1: {  	v21 =	vadd.s32 $0xD80, v0;
	s8 =	sor.u32 s7, s8;
	v6 =	vld.idx.msk [tilespmem:v18+s4+$0x0], $0xffff;
	[tilespmem:s31+$0x0] =	vst v8  }
0x2a2: {  	v22 =	vadd.s32 $0xD80, v3;
	v8 =	vld.idx.msk [tilespmem:v19+s4+$0x0], $0xffff;
	[tilespmem:s8+$0x0] =	vst v10  }
0x2a3: {  	v23 =	vadd.s32 $0xD80, v2;
	s8 =	sadd.s32 $0xD500, s30;
	v10 =	vld.idx.msk [tilespmem:v20+s4+$0x0], $0xffff  }
0x2a4: {  	v24 =	vadd.s32 $0xD80, v1;
	s21 =	sor.u32 s0, s8  }
0x2a5: {  	s22 =	sor.u32 s1, s8;
	[tilespmem:s21+$0x0] =	vst v4  }
0x2a6: {  	s31 =	sor.u32 s6, s8;
	v4 =	vld.idx.msk [tilespmem:v21+s4+$0x0], $0xffff;
	[tilespmem:s22+$0x0] =	vst v6  }
0x2a7: {  	v25 =	vadd.s32 $0xE00, v0;
	s8 =	sor.u32 s7, s8;
	v6 =	vld.idx.msk [tilespmem:v22+s4+$0x0], $0xffff;
	[tilespmem:s31+$0x0] =	vst v8  }
0x2a8: {  	v26 =	vadd.s32 $0xE00, v3;
	v8 =	vld.idx.msk [tilespmem:v23+s4+$0x0], $0xffff;
	[tilespmem:s8+$0x0] =	vst v10  }
0x2a9: {  	v27 =	vadd.s32 $0xE00, v2;
	s8 =	sadd.s32 $0xD580, s30;
	v10 =	vld.idx.msk [tilespmem:v24+s4+$0x0], $0xffff  }
0x2aa: {  	v28 =	vadd.s32 $0xE00, v1;
	s21 =	sor.u32 s0, s8  }
0x2ab: {  	s22 =	sor.u32 s1, s8;
	[tilespmem:s21+$0x0] =	vst v4  }
0x2ac: {  	s31 =	sor.u32 s6, s8;
	v4 =	vld.idx.msk [tilespmem:v25+s4+$0x0], $0xffff;
	[tilespmem:s22+$0x0] =	vst v6  }
0x2ad: {  	v29 =	vadd.s32 $0xE80, v0;
	s8 =	sor.u32 s7, s8;
	v6 =	vld.idx.msk [tilespmem:v26+s4+$0x0], $0xffff;
	[tilespmem:s31+$0x0] =	vst v8  }
0x2ae: {  	v30 =	vadd.s32 $0xE80, v3;
	v8 =	vld.idx.msk [tilespmem:v27+s4+$0x0], $0xffff;
	[tilespmem:s8+$0x0] =	vst v10  }
0x2af: {  	v31 =	vadd.s32 $0xE80, v2;
	s8 =	sadd.s32 $0xD600, s30;
	v10 =	vld.idx.msk [tilespmem:v28+s4+$0x0], $0xffff  }
0x2b0: {  	v32 =	vadd.s32 $0xE80, v1;
	s21 =	sor.u32 s0, s8  }
0x2b1: {  	s22 =	sor.u32 s1, s8;
	[tilespmem:s21+$0x0] =	vst v4  }
0x2b2: {  	s31 =	sor.u32 s6, s8;
	v4 =	vld.idx.msk [tilespmem:v29+s4+$0x0], $0xffff;
	[tilespmem:s22+$0x0] =	vst v6  }
0x2b3: {  	v33 =	vadd.s32 $0xF00, v0;
	s8 =	sor.u32 s7, s8;
	v6 =	vld.idx.msk [tilespmem:v30+s4+$0x0], $0xffff;
	[tilespmem:s31+$0x0] =	vst v8  }
0x2b4: {  	v34 =	vadd.s32 $0xF00, v3;
	v8 =	vld.idx.msk [tilespmem:v31+s4+$0x0], $0xffff;
	[tilespmem:s8+$0x0] =	vst v10  }
0x2b5: {  	v35 =	vadd.s32 $0xF00, v2;
	s8 =	sadd.s32 $0xD680, s30;
	v10 =	vld.idx.msk [tilespmem:v32+s4+$0x0], $0xffff  }
0x2b6: {  	v36 =	vadd.s32 $0xF00, v1;
	s21 =	sor.u32 s0, s8  }
0x2b7: {  	s22 =	sor.u32 s1, s8;
	[tilespmem:s21+$0x0] =	vst v4  }
0x2b8: {  	s31 =	sor.u32 s6, s8;
	v4 =	vld.idx.msk [tilespmem:v33+s4+$0x0], $0xffff;
	[tilespmem:s22+$0x0] =	vst v6  }
0x2b9: {  	v37 =	vadd.s32 $0xF80, v0;
	s8 =	sor.u32 s7, s8;
	v6 =	vld.idx.msk [tilespmem:v34+s4+$0x0], $0xffff;
	[tilespmem:s31+$0x0] =	vst v8  }
0x2ba: {  	v38 =	vadd.s32 $0xF80, v3;
	v8 =	vld.idx.msk [tilespmem:v35+s4+$0x0], $0xffff;
	[tilespmem:s8+$0x0] =	vst v10  }
0x2bb: {  	v39 =	vadd.s32 $0xF80, v2;
	s8 =	sadd.s32 $0xD700, s30;
	v10 =	vld.idx.msk [tilespmem:v36+s4+$0x0], $0xffff  }
0x2bc: {  	v40 =	vadd.s32 $0xF80, v1;
	s21 =	sor.u32 s0, s8  }
0x2bd: {  	s22 =	sor.u32 s1, s8;
	[tilespmem:s21+$0x0] =	vst v4  }
0x2be: {  	s31 =	sor.u32 s6, s8;
	v4 =	vld.idx.msk [tilespmem:v37+s4+$0x0], $0xffff;
	[tilespmem:s22+$0x0] =	vst v6  }
0x2bf: {  	v41 =	vadd.s32 $0x1000, v0;
	s8 =	sor.u32 s7, s8;
	v6 =	vld.idx.msk [tilespmem:v38+s4+$0x0], $0xffff;
	[tilespmem:s31+$0x0] =	vst v8  }
0x2c0: {  	v42 =	vadd.s32 $0x1000, v3;
	v8 =	vld.idx.msk [tilespmem:v39+s4+$0x0], $0xffff;
	[tilespmem:s8+$0x0] =	vst v10  }
0x2c1: {  	v43 =	vadd.s32 $0x1000, v2;
	s8 =	sadd.s32 $0xD780, s30;
	v10 =	vld.idx.msk [tilespmem:v40+s4+$0x0], $0xffff  }
0x2c2: {  	v44 =	vadd.s32 $0x1000, v1;
	s21 =	sor.u32 s0, s8  }
0x2c3: {  	s22 =	sor.u32 s1, s8;
	[tilespmem:s21+$0x0] =	vst v4  }
0x2c4: {  	s31 =	sor.u32 s6, s8;
	v4 =	vld.idx.msk [tilespmem:v41+s4+$0x0], $0xffff;
	[tilespmem:s22+$0x0] =	vst v6  }
0x2c5: {  	v45 =	vadd.s32 $0x1080, v0;
	s8 =	sor.u32 s7, s8;
	v6 =	vld.idx.msk [tilespmem:v42+s4+$0x0], $0xffff;
	[tilespmem:s31+$0x0] =	vst v8  }
0x2c6: {  	v46 =	vadd.s32 $0x1080, v3;
	v8 =	vld.idx.msk [tilespmem:v43+s4+$0x0], $0xffff;
	[tilespmem:s8+$0x0] =	vst v10  }
0x2c7: {  	v47 =	vadd.s32 $0x1080, v2;
	s8 =	sadd.s32 $0xE400, s30;
	v10 =	vld.idx.msk [tilespmem:v44+s4+$0x0], $0xffff  }
0x2c8: {  	v48 =	vadd.s32 $0x1080, v1;
	s21 =	sor.u32 s0, s8  }
0x2c9: {  	s22 =	sor.u32 s1, s8;
	[tilespmem:s21+$0x0] =	vst v4  }
0x2ca: {  	s31 =	sor.u32 s6, s8;
	v4 =	vld.idx.msk [tilespmem:v45+s4+$0x0], $0xffff;
	[tilespmem:s22+$0x0] =	vst v6  }
0x2cb: {  	v49 =	vadd.s32 $0x1100, v0;
	s8 =	sor.u32 s7, s8;
	v6 =	vld.idx.msk [tilespmem:v46+s4+$0x0], $0xffff;
	[tilespmem:s31+$0x0] =	vst v8  }
0x2cc: {  	v50 =	vadd.s32 $0x1100, v3;
	v8 =	vld.idx.msk [tilespmem:v47+s4+$0x0], $0xffff;
	[tilespmem:s8+$0x0] =	vst v10  }
0x2cd: {  	v51 =	vadd.s32 $0x1100, v2;
	s8 =	sadd.s32 $0xE480, s30;
	v10 =	vld.idx.msk [tilespmem:v48+s4+$0x0], $0xffff  }
0x2ce: {  	v52 =	vadd.s32 $0x1100, v1;
	s21 =	sor.u32 s0, s8  }
0x2cf: {  	s22 =	sor.u32 s1, s8;
	[tilespmem:s21+$0x0] =	vst v4  }
0x2d0: {  	s31 =	sor.u32 s6, s8;
	v4 =	vld.idx.msk [tilespmem:v49+s4+$0x0], $0xffff;
	[tilespmem:s22+$0x0] =	vst v6  }
0x2d1: {  	v53 =	vadd.s32 $0x1180, v0;
	s8 =	sor.u32 s7, s8;
	v6 =	vld.idx.msk [tilespmem:v50+s4+$0x0], $0xffff;
	[tilespmem:s31+$0x0] =	vst v8  }
0x2d2: {  	v54 =	vadd.s32 $0x1180, v3;
	v8 =	vld.idx.msk [tilespmem:v51+s4+$0x0], $0xffff;
	[tilespmem:s8+$0x0] =	vst v10  }
0x2d3: {  	v55 =	vadd.s32 $0x1180, v2;
	s8 =	sadd.s32 $0xE500, s30;
	v10 =	vld.idx.msk [tilespmem:v52+s4+$0x0], $0xffff  }
0x2d4: {  	v56 =	vadd.s32 $0x1180, v1;
	s21 =	sor.u32 s0, s8  }
0x2d5: {  	s22 =	sor.u32 s1, s8;
	[tilespmem:s21+$0x0] =	vst v4  }
0x2d6: {  	s31 =	sor.u32 s6, s8;
	v4 =	vld.idx.msk [tilespmem:v53+s4+$0x0], $0xffff;
	[tilespmem:s22+$0x0] =	vst v6  }
0x2d7: {  	v57 =	vadd.s32 $0x1200, v0;
	s8 =	sor.u32 s7, s8;
	v6 =	vld.idx.msk [tilespmem:v54+s4+$0x0], $0xffff;
	[tilespmem:s31+$0x0] =	vst v8  }
0x2d8: {  	v58 =	vadd.s32 $0x1200, v3;
	v8 =	vld.idx.msk [tilespmem:v55+s4+$0x0], $0xffff;
	[tilespmem:s8+$0x0] =	vst v10  }
0x2d9: {  	v59 =	vadd.s32 $0x1200, v2;
	s8 =	sadd.s32 $0xE580, s30;
	v10 =	vld.idx.msk [tilespmem:v56+s4+$0x0], $0xffff  }
0x2da: {  	v60 =	vadd.s32 $0x1200, v1;
	s21 =	sor.u32 s0, s8  }
0x2db: {  	s22 =	sor.u32 s1, s8;
	[tilespmem:s21+$0x0] =	vst v4  }
0x2dc: {  	s31 =	sor.u32 s6, s8;
	v4 =	vld.idx.msk [tilespmem:v57+s4+$0x0], $0xffff;
	[tilespmem:s22+$0x0] =	vst v6  }
0x2dd: {  	v61 =	vadd.s32 $0x1280, v0;
	s8 =	sor.u32 s7, s8;
	v6 =	vld.idx.msk [tilespmem:v58+s4+$0x0], $0xffff;
	[tilespmem:s31+$0x0] =	vst v8  }
0x2de: {  	v62 =	vadd.s32 $0x1280, v3;
	v8 =	vld.idx.msk [tilespmem:v59+s4+$0x0], $0xffff;
	[tilespmem:s8+$0x0] =	vst v10  }
0x2df: {  	v63 =	vadd.s32 $0x1280, v2;
	s8 =	sadd.s32 $0xE600, s30;
	v10 =	vld.idx.msk [tilespmem:v60+s4+$0x0], $0xffff  }
0x2e0: {  	v12 =	vadd.s32 $0x1280, v1;
	s21 =	sor.u32 s0, s8  }
0x2e1: {  	s22 =	sor.u32 s1, s8;
	[tilespmem:s21+$0x0] =	vst v4  }
0x2e2: {  	s31 =	sor.u32 s6, s8;
	v4 =	vld.idx.msk [tilespmem:v61+s4+$0x0], $0xffff;
	[tilespmem:s22+$0x0] =	vst v6  }
0x2e3: {  	v13 =	vadd.s32 $0x1300, v0;
	s8 =	sor.u32 s7, s8;
	v6 =	vld.idx.msk [tilespmem:v62+s4+$0x0], $0xffff;
	[tilespmem:s31+$0x0] =	vst v8  }
0x2e4: {  	v14 =	vadd.s32 $0x1300, v3;
	v8 =	vld.idx.msk [tilespmem:v63+s4+$0x0], $0xffff;
	[tilespmem:s8+$0x0] =	vst v10  }
0x2e5: {  	v15 =	vadd.s32 $0x1300, v2;
	s8 =	sadd.s32 $0xE680, s30;
	v10 =	vld.idx.msk [tilespmem:v12+s4+$0x0], $0xffff  }
0x2e6: {  	v16 =	vadd.s32 $0x1300, v1;
	s21 =	sor.u32 s0, s8  }
0x2e7: {  	s22 =	sor.u32 s1, s8;
	[tilespmem:s21+$0x0] =	vst v4  }
0x2e8: {  	s31 =	sor.u32 s6, s8;
	v4 =	vld.idx.msk [tilespmem:v13+s4+$0x0], $0xffff;
	[tilespmem:s22+$0x0] =	vst v6  }
0x2e9: {  	v17 =	vadd.s32 $0x1380, v0;
	s8 =	sor.u32 s7, s8;
	v6 =	vld.idx.msk [tilespmem:v14+s4+$0x0], $0xffff;
	[tilespmem:s31+$0x0] =	vst v8  }
0x2ea: {  	v18 =	vadd.s32 $0x1380, v3;
	v8 =	vld.idx.msk [tilespmem:v15+s4+$0x0], $0xffff;
	[tilespmem:s8+$0x0] =	vst v10  }
0x2eb: {  	v19 =	vadd.s32 $0x1380, v2;
	s8 =	sadd.s32 $0xE700, s30;
	v10 =	vld.idx.msk [tilespmem:v16+s4+$0x0], $0xffff  }
0x2ec: {  	v20 =	vadd.s32 $0x1380, v1;
	s21 =	sor.u32 s0, s8  }
0x2ed: {  	s22 =	sor.u32 s1, s8;
	[tilespmem:s21+$0x0] =	vst v4  }
0x2ee: {  	s31 =	sor.u32 s6, s8;
	v4 =	vld.idx.msk [tilespmem:v17+s4+$0x0], $0xffff;
	[tilespmem:s22+$0x0] =	vst v6  }
0x2ef: {  	v21 =	vadd.s32 $0x1400, v0;
	s8 =	sor.u32 s7, s8;
	v6 =	vld.idx.msk [tilespmem:v18+s4+$0x0], $0xffff;
	[tilespmem:s31+$0x0] =	vst v8  }
0x2f0: {  	v22 =	vadd.s32 $0x1400, v3;
	v8 =	vld.idx.msk [tilespmem:v19+s4+$0x0], $0xffff;
	[tilespmem:s8+$0x0] =	vst v10  }
0x2f1: {  	v23 =	vadd.s32 $0x1400, v2;
	s8 =	sadd.s32 $0xE780, s30;
	v10 =	vld.idx.msk [tilespmem:v20+s4+$0x0], $0xffff  }
0x2f2: {  	v24 =	vadd.s32 $0x1400, v1;
	s21 =	sor.u32 s0, s8  }
0x2f3: {  	s22 =	sor.u32 s1, s8;
	[tilespmem:s21+$0x0] =	vst v4  }
0x2f4: {  	s31 =	sor.u32 s6, s8;
	v4 =	vld.idx.msk [tilespmem:v21+s4+$0x0], $0xffff;
	[tilespmem:s22+$0x0] =	vst v6  }
0x2f5: {  	v25 =	vadd.s32 $0x1480, v0;
	s8 =	sor.u32 s7, s8;
	v6 =	vld.idx.msk [tilespmem:v22+s4+$0x0], $0xffff;
	[tilespmem:s31+$0x0] =	vst v8  }
0x2f6: {  	v26 =	vadd.s32 $0x1480, v3;
	v8 =	vld.idx.msk [tilespmem:v23+s4+$0x0], $0xffff;
	[tilespmem:s8+$0x0] =	vst v10  }
0x2f7: {  	v27 =	vadd.s32 $0x1480, v2;
	s8 =	sadd.s32 $0xF400, s30;
	v10 =	vld.idx.msk [tilespmem:v24+s4+$0x0], $0xffff  }
0x2f8: {  	v28 =	vadd.s32 $0x1480, v1;
	s21 =	sor.u32 s0, s8  }
0x2f9: {  	s22 =	sor.u32 s1, s8;
	[tilespmem:s21+$0x0] =	vst v4  }
0x2fa: {  	s31 =	sor.u32 s6, s8;
	v4 =	vld.idx.msk [tilespmem:v25+s4+$0x0], $0xffff;
	[tilespmem:s22+$0x0] =	vst v6  }
0x2fb: {  	v29 =	vadd.s32 $0x1500, v0;
	s8 =	sor.u32 s7, s8;
	v6 =	vld.idx.msk [tilespmem:v26+s4+$0x0], $0xffff;
	[tilespmem:s31+$0x0] =	vst v8  }
0x2fc: {  	v30 =	vadd.s32 $0x1500, v3;
	v8 =	vld.idx.msk [tilespmem:v27+s4+$0x0], $0xffff;
	[tilespmem:s8+$0x0] =	vst v10  }
0x2fd: {  	v31 =	vadd.s32 $0x1500, v2;
	s8 =	sadd.s32 $0xF480, s30;
	v10 =	vld.idx.msk [tilespmem:v28+s4+$0x0], $0xffff  }
0x2fe: {  	v32 =	vadd.s32 $0x1500, v1;
	s21 =	sor.u32 s0, s8  }
0x2ff: {  	s22 =	sor.u32 s1, s8;
	[tilespmem:s21+$0x0] =	vst v4  }
0x300: {  	s31 =	sor.u32 s6, s8;
	v4 =	vld.idx.msk [tilespmem:v29+s4+$0x0], $0xffff;
	[tilespmem:s22+$0x0] =	vst v6  }
0x301: {  	v33 =	vadd.s32 $0x1580, v0;
	s8 =	sor.u32 s7, s8;
	v6 =	vld.idx.msk [tilespmem:v30+s4+$0x0], $0xffff;
	[tilespmem:s31+$0x0] =	vst v8  }
0x302: {  	v34 =	vadd.s32 $0x1580, v3;
	v8 =	vld.idx.msk [tilespmem:v31+s4+$0x0], $0xffff;
	[tilespmem:s8+$0x0] =	vst v10  }
0x303: {  	v35 =	vadd.s32 $0x1580, v2;
	s8 =	sadd.s32 $0xF500, s30;
	v10 =	vld.idx.msk [tilespmem:v32+s4+$0x0], $0xffff  }
0x304: {  	v36 =	vadd.s32 $0x1580, v1;
	s21 =	sor.u32 s0, s8  }
0x305: {  	s22 =	sor.u32 s1, s8;
	[tilespmem:s21+$0x0] =	vst v4  }
0x306: {  	s31 =	sor.u32 s6, s8;
	v4 =	vld.idx.msk [tilespmem:v33+s4+$0x0], $0xffff;
	[tilespmem:s22+$0x0] =	vst v6  }
0x307: {  	v37 =	vadd.s32 $0x1600, v0;
	s8 =	sor.u32 s7, s8;
	v6 =	vld.idx.msk [tilespmem:v34+s4+$0x0], $0xffff;
	[tilespmem:s31+$0x0] =	vst v8  }
0x308: {  	v38 =	vadd.s32 $0x1600, v3;
	v8 =	vld.idx.msk [tilespmem:v35+s4+$0x0], $0xffff;
	[tilespmem:s8+$0x0] =	vst v10  }
0x309: {  	v39 =	vadd.s32 $0x1600, v2;
	s8 =	sadd.s32 $0xF580, s30;
	v10 =	vld.idx.msk [tilespmem:v36+s4+$0x0], $0xffff  }
0x30a: {  	v40 =	vadd.s32 $0x1600, v1;
	s21 =	sor.u32 s0, s8  }
0x30b: {  	s22 =	sor.u32 s1, s8;
	[tilespmem:s21+$0x0] =	vst v4  }
0x30c: {  	s31 =	sor.u32 s6, s8;
	v4 =	vld.idx.msk [tilespmem:v37+s4+$0x0], $0xffff;
	[tilespmem:s22+$0x0] =	vst v6  }
0x30d: {  	v41 =	vadd.s32 $0x1680, v0;
	s8 =	sor.u32 s7, s8;
	v6 =	vld.idx.msk [tilespmem:v38+s4+$0x0], $0xffff;
	[tilespmem:s31+$0x0] =	vst v8  }
0x30e: {  	v42 =	vadd.s32 $0x1680, v3;
	v8 =	vld.idx.msk [tilespmem:v39+s4+$0x0], $0xffff;
	[tilespmem:s8+$0x0] =	vst v10  }
0x30f: {  	v43 =	vadd.s32 $0x1680, v2;
	s8 =	sadd.s32 $0xF600, s30;
	v10 =	vld.idx.msk [tilespmem:v40+s4+$0x0], $0xffff  }
0x310: {  	v44 =	vadd.s32 $0x1680, v1;
	s21 =	sor.u32 s0, s8  }
0x311: {  	s22 =	sor.u32 s1, s8;
	[tilespmem:s21+$0x0] =	vst v4  }
0x312: {  	s31 =	sor.u32 s6, s8;
	v4 =	vld.idx.msk [tilespmem:v41+s4+$0x0], $0xffff;
	[tilespmem:s22+$0x0] =	vst v6  }
0x313: {  	v45 =	vadd.s32 $0x1700, v0;
	s8 =	sor.u32 s7, s8;
	v6 =	vld.idx.msk [tilespmem:v42+s4+$0x0], $0xffff;
	[tilespmem:s31+$0x0] =	vst v8  }
0x314: {  	v46 =	vadd.s32 $0x1700, v3;
	v8 =	vld.idx.msk [tilespmem:v43+s4+$0x0], $0xffff;
	[tilespmem:s8+$0x0] =	vst v10  }
0x315: {  	v47 =	vadd.s32 $0x1700, v2;
	s8 =	sadd.s32 $0xF680, s30;
	v10 =	vld.idx.msk [tilespmem:v44+s4+$0x0], $0xffff  }
0x316: {  	v48 =	vadd.s32 $0x1700, v1;
	s21 =	sor.u32 s0, s8  }
0x317: {  	s22 =	sor.u32 s1, s8;
	[tilespmem:s21+$0x0] =	vst v4  }
0x318: {  	s31 =	sor.u32 s6, s8;
	v4 =	vld.idx.msk [tilespmem:v45+s4+$0x0], $0xffff;
	[tilespmem:s22+$0x0] =	vst v6  }
0x319: {  	v49 =	vadd.s32 $0x1780, v0;
	s8 =	sor.u32 s7, s8;
	v6 =	vld.idx.msk [tilespmem:v46+s4+$0x0], $0xffff;
	[tilespmem:s31+$0x0] =	vst v8  }
0x31a: {  	v50 =	vadd.s32 $0x1780, v3;
	v8 =	vld.idx.msk [tilespmem:v47+s4+$0x0], $0xffff;
	[tilespmem:s8+$0x0] =	vst v10  }
0x31b: {  	v51 =	vadd.s32 $0x1780, v2;
	s8 =	sadd.s32 $0xF700, s30;
	v10 =	vld.idx.msk [tilespmem:v48+s4+$0x0], $0xffff  }
0x31c: {  	v52 =	vadd.s32 $0x1780, v1;
	s21 =	sor.u32 s0, s8  }
0x31d: {  	s22 =	sor.u32 s1, s8;
	[tilespmem:s21+$0x0] =	vst v4  }
0x31e: {  	s31 =	sor.u32 s6, s8;
	v4 =	vld.idx.msk [tilespmem:v49+s4+$0x0], $0xffff;
	[tilespmem:s22+$0x0] =	vst v6  }
0x31f: {  	v53 =	vadd.s32 $0x1800, v0;
	s8 =	sor.u32 s7, s8;
	v6 =	vld.idx.msk [tilespmem:v50+s4+$0x0], $0xffff;
	[tilespmem:s31+$0x0] =	vst v8  }
0x320: {  	v54 =	vadd.s32 $0x1800, v3;
	v8 =	vld.idx.msk [tilespmem:v51+s4+$0x0], $0xffff;
	[tilespmem:s8+$0x0] =	vst v10  }
0x321: {  	v55 =	vadd.s32 $0x1800, v2;
	s8 =	sadd.s32 $0xF780, s30;
	v10 =	vld.idx.msk [tilespmem:v52+s4+$0x0], $0xffff  }
0x322: {  	v56 =	vadd.s32 $0x1800, v1;
	s21 =	sor.u32 s0, s8  }
0x323: {  	s22 =	sor.u32 s1, s8;
	[tilespmem:s21+$0x0] =	vst v4  }
0x324: {  	s31 =	sor.u32 s6, s8;
	v4 =	vld.idx.msk [tilespmem:v53+s4+$0x0], $0xffff;
	[tilespmem:s22+$0x0] =	vst v6  }
0x325: {  	v57 =	vadd.s32 $0x1880, v0;
	s8 =	sor.u32 s7, s8;
	v6 =	vld.idx.msk [tilespmem:v54+s4+$0x0], $0xffff;
	[tilespmem:s31+$0x0] =	vst v8  }
0x326: {  	v58 =	vadd.s32 $0x1880, v3;
	v8 =	vld.idx.msk [tilespmem:v55+s4+$0x0], $0xffff;
	[tilespmem:s8+$0x0] =	vst v10  }
0x327: {  	v59 =	vadd.s32 $0x1880, v2;
	s8 =	sadd.s32 $0x10400, s30;
	v10 =	vld.idx.msk [tilespmem:v56+s4+$0x0], $0xffff  }
0x328: {  	v60 =	vadd.s32 $0x1880, v1;
	s21 =	sor.u32 s0, s8  }
0x329: {  	s22 =	sor.u32 s1, s8;
	[tilespmem:s21+$0x0] =	vst v4  }
0x32a: {  	s31 =	sor.u32 s6, s8;
	v4 =	vld.idx.msk [tilespmem:v57+s4+$0x0], $0xffff;
	[tilespmem:s22+$0x0] =	vst v6  }
0x32b: {  	v61 =	vadd.s32 $0x1900, v0;
	s8 =	sor.u32 s7, s8;
	v6 =	vld.idx.msk [tilespmem:v58+s4+$0x0], $0xffff;
	[tilespmem:s31+$0x0] =	vst v8  }
0x32c: {  	v62 =	vadd.s32 $0x1900, v3;
	v8 =	vld.idx.msk [tilespmem:v59+s4+$0x0], $0xffff;
	[tilespmem:s8+$0x0] =	vst v10  }
0x32d: {  	v63 =	vadd.s32 $0x1900, v2;
	s8 =	sadd.s32 $0x10480, s30;
	v10 =	vld.idx.msk [tilespmem:v60+s4+$0x0], $0xffff  }
0x32e: {  	v12 =	vadd.s32 $0x1900, v1;
	s21 =	sor.u32 s0, s8  }
0x32f: {  	s22 =	sor.u32 s1, s8;
	[tilespmem:s21+$0x0] =	vst v4  }
0x330: {  	s31 =	sor.u32 s6, s8;
	v4 =	vld.idx.msk [tilespmem:v61+s4+$0x0], $0xffff;
	[tilespmem:s22+$0x0] =	vst v6  }
0x331: {  	v13 =	vadd.s32 $0x1980, v0;
	s8 =	sor.u32 s7, s8;
	v6 =	vld.idx.msk [tilespmem:v62+s4+$0x0], $0xffff;
	[tilespmem:s31+$0x0] =	vst v8  }
0x332: {  	v14 =	vadd.s32 $0x1980, v3;
	v8 =	vld.idx.msk [tilespmem:v63+s4+$0x0], $0xffff;
	[tilespmem:s8+$0x0] =	vst v10  }
0x333: {  	v15 =	vadd.s32 $0x1980, v2;
	s8 =	sadd.s32 $0x10500, s30;
	v10 =	vld.idx.msk [tilespmem:v12+s4+$0x0], $0xffff  }
0x334: {  	v16 =	vadd.s32 $0x1980, v1;
	s21 =	sor.u32 s0, s8  }
0x335: {  	s22 =	sor.u32 s1, s8;
	[tilespmem:s21+$0x0] =	vst v4  }
0x336: {  	s31 =	sor.u32 s6, s8;
	v4 =	vld.idx.msk [tilespmem:v13+s4+$0x0], $0xffff;
	[tilespmem:s22+$0x0] =	vst v6  }
0x337: {  	v17 =	vadd.s32 $0x1A00, v0;
	s8 =	sor.u32 s7, s8;
	v6 =	vld.idx.msk [tilespmem:v14+s4+$0x0], $0xffff;
	[tilespmem:s31+$0x0] =	vst v8  }
0x338: {  	v18 =	vadd.s32 $0x1A00, v3;
	v8 =	vld.idx.msk [tilespmem:v15+s4+$0x0], $0xffff;
	[tilespmem:s8+$0x0] =	vst v10  }
0x339: {  	v19 =	vadd.s32 $0x1A00, v2;
	s8 =	sadd.s32 $0x10580, s30;
	v10 =	vld.idx.msk [tilespmem:v16+s4+$0x0], $0xffff  }
0x33a: {  	v20 =	vadd.s32 $0x1A00, v1;
	s21 =	sor.u32 s0, s8  }
0x33b: {  	s22 =	sor.u32 s1, s8;
	[tilespmem:s21+$0x0] =	vst v4  }
0x33c: {  	s31 =	sor.u32 s6, s8;
	v4 =	vld.idx.msk [tilespmem:v17+s4+$0x0], $0xffff;
	[tilespmem:s22+$0x0] =	vst v6  }
0x33d: {  	v21 =	vadd.s32 $0x1A80, v0;
	s8 =	sor.u32 s7, s8;
	v6 =	vld.idx.msk [tilespmem:v18+s4+$0x0], $0xffff;
	[tilespmem:s31+$0x0] =	vst v8  }
0x33e: {  	v22 =	vadd.s32 $0x1A80, v3;
	v8 =	vld.idx.msk [tilespmem:v19+s4+$0x0], $0xffff;
	[tilespmem:s8+$0x0] =	vst v10  }
0x33f: {  	v23 =	vadd.s32 $0x1A80, v2;
	s8 =	sadd.s32 $0x10600, s30;
	v10 =	vld.idx.msk [tilespmem:v20+s4+$0x0], $0xffff  }
0x340: {  	v24 =	vadd.s32 $0x1A80, v1;
	s21 =	sor.u32 s0, s8  }
0x341: {  	s22 =	sor.u32 s1, s8;
	[tilespmem:s21+$0x0] =	vst v4  }
0x342: {  	s31 =	sor.u32 s6, s8;
	v4 =	vld.idx.msk [tilespmem:v21+s4+$0x0], $0xffff;
	[tilespmem:s22+$0x0] =	vst v6  }
0x343: {  	v25 =	vadd.s32 $0x1B00, v0;
	s8 =	sor.u32 s7, s8;
	v6 =	vld.idx.msk [tilespmem:v22+s4+$0x0], $0xffff;
	[tilespmem:s31+$0x0] =	vst v8  }
0x344: {  	v26 =	vadd.s32 $0x1B00, v3;
	v8 =	vld.idx.msk [tilespmem:v23+s4+$0x0], $0xffff;
	[tilespmem:s8+$0x0] =	vst v10  }
0x345: {  	v27 =	vadd.s32 $0x1B00, v2;
	s8 =	sadd.s32 $0x10680, s30;
	v10 =	vld.idx.msk [tilespmem:v24+s4+$0x0], $0xffff  }
0x346: {  	v28 =	vadd.s32 $0x1B00, v1;
	s21 =	sor.u32 s0, s8  }
0x347: {  	s22 =	sor.u32 s1, s8;
	[tilespmem:s21+$0x0] =	vst v4  }
0x348: {  	s31 =	sor.u32 s6, s8;
	v4 =	vld.idx.msk [tilespmem:v25+s4+$0x0], $0xffff;
	[tilespmem:s22+$0x0] =	vst v6  }
0x349: {  	v29 =	vadd.s32 $0x1B80, v0;
	s8 =	sor.u32 s7, s8;
	v6 =	vld.idx.msk [tilespmem:v26+s4+$0x0], $0xffff;
	[tilespmem:s31+$0x0] =	vst v8  }
0x34a: {  	v30 =	vadd.s32 $0x1B80, v3;
	v8 =	vld.idx.msk [tilespmem:v27+s4+$0x0], $0xffff;
	[tilespmem:s8+$0x0] =	vst v10  }
0x34b: {  	v31 =	vadd.s32 $0x1B80, v2;
	s8 =	sadd.s32 $0x10700, s30;
	v10 =	vld.idx.msk [tilespmem:v28+s4+$0x0], $0xffff  }
0x34c: {  	v32 =	vadd.s32 $0x1B80, v1;
	s21 =	sor.u32 s0, s8  }
0x34d: {  	s22 =	sor.u32 s1, s8;
	[tilespmem:s21+$0x0] =	vst v4  }
0x34e: {  	s31 =	sor.u32 s6, s8;
	v4 =	vld.idx.msk [tilespmem:v29+s4+$0x0], $0xffff;
	[tilespmem:s22+$0x0] =	vst v6  }
0x34f: {  	v33 =	vadd.s32 $0x1C00, v0;
	s8 =	sor.u32 s7, s8;
	v6 =	vld.idx.msk [tilespmem:v30+s4+$0x0], $0xffff;
	[tilespmem:s31+$0x0] =	vst v8  }
0x350: {  	v34 =	vadd.s32 $0x1C00, v3;
	v8 =	vld.idx.msk [tilespmem:v31+s4+$0x0], $0xffff;
	[tilespmem:s8+$0x0] =	vst v10  }
0x351: {  	v35 =	vadd.s32 $0x1C00, v2;
	s8 =	sadd.s32 $0x10780, s30;
	v10 =	vld.idx.msk [tilespmem:v32+s4+$0x0], $0xffff  }
0x352: {  	v36 =	vadd.s32 $0x1C00, v1;
	s21 =	sor.u32 s0, s8  }
0x353: {  	s22 =	sor.u32 s1, s8;
	[tilespmem:s21+$0x0] =	vst v4  }
0x354: {  	s31 =	sor.u32 s6, s8;
	v4 =	vld.idx.msk [tilespmem:v33+s4+$0x0], $0xffff;
	[tilespmem:s22+$0x0] =	vst v6  }
0x355: {  	v37 =	vadd.s32 $0x1C80, v0;
	s8 =	sor.u32 s7, s8;
	v6 =	vld.idx.msk [tilespmem:v34+s4+$0x0], $0xffff;
	[tilespmem:s31+$0x0] =	vst v8  }
0x356: {  	v38 =	vadd.s32 $0x1C80, v3;
	v8 =	vld.idx.msk [tilespmem:v35+s4+$0x0], $0xffff;
	[tilespmem:s8+$0x0] =	vst v10  }
0x357: {  	v39 =	vadd.s32 $0x1C80, v2;
	s8 =	sadd.s32 $0x11400, s30;
	v10 =	vld.idx.msk [tilespmem:v36+s4+$0x0], $0xffff  }
0x358: {  	v40 =	vadd.s32 $0x1C80, v1;
	s21 =	sor.u32 s0, s8  }
0x359: {  	s22 =	sor.u32 s1, s8;
	[tilespmem:s21+$0x0] =	vst v4  }
0x35a: {  	s31 =	sor.u32 s6, s8;
	v4 =	vld.idx.msk [tilespmem:v37+s4+$0x0], $0xffff;
	[tilespmem:s22+$0x0] =	vst v6  }
0x35b: {  	v41 =	vadd.s32 $0x1D00, v0;
	s8 =	sor.u32 s7, s8;
	v6 =	vld.idx.msk [tilespmem:v38+s4+$0x0], $0xffff;
	[tilespmem:s31+$0x0] =	vst v8  }
0x35c: {  	v42 =	vadd.s32 $0x1D00, v3;
	v8 =	vld.idx.msk [tilespmem:v39+s4+$0x0], $0xffff;
	[tilespmem:s8+$0x0] =	vst v10  }
0x35d: {  	v43 =	vadd.s32 $0x1D00, v2;
	s8 =	sadd.s32 $0x11480, s30;
	v10 =	vld.idx.msk [tilespmem:v40+s4+$0x0], $0xffff  }
0x35e: {  	v44 =	vadd.s32 $0x1D00, v1;
	s21 =	sor.u32 s0, s8  }
0x35f: {  	s22 =	sor.u32 s1, s8;
	[tilespmem:s21+$0x0] =	vst v4  }
0x360: {  	s31 =	sor.u32 s6, s8;
	v4 =	vld.idx.msk [tilespmem:v41+s4+$0x0], $0xffff;
	[tilespmem:s22+$0x0] =	vst v6  }
0x361: {  	v45 =	vadd.s32 $0x1D80, v0;
	s8 =	sor.u32 s7, s8;
	v6 =	vld.idx.msk [tilespmem:v42+s4+$0x0], $0xffff;
	[tilespmem:s31+$0x0] =	vst v8  }
0x362: {  	v46 =	vadd.s32 $0x1D80, v3;
	v8 =	vld.idx.msk [tilespmem:v43+s4+$0x0], $0xffff;
	[tilespmem:s8+$0x0] =	vst v10  }
0x363: {  	v47 =	vadd.s32 $0x1D80, v2;
	s8 =	sadd.s32 $0x11500, s30;
	v10 =	vld.idx.msk [tilespmem:v44+s4+$0x0], $0xffff  }
0x364: {  	v48 =	vadd.s32 $0x1D80, v1;
	s21 =	sor.u32 s0, s8  }
0x365: {  	s22 =	sor.u32 s1, s8;
	[tilespmem:s21+$0x0] =	vst v4  }
0x366: {  	s31 =	sor.u32 s6, s8;
	v4 =	vld.idx.msk [tilespmem:v45+s4+$0x0], $0xffff;
	[tilespmem:s22+$0x0] =	vst v6  }
0x367: {  	v49 =	vadd.s32 $0x1E00, v0;
	s8 =	sor.u32 s7, s8;
	v6 =	vld.idx.msk [tilespmem:v46+s4+$0x0], $0xffff;
	[tilespmem:s31+$0x0] =	vst v8  }
0x368: {  	v50 =	vadd.s32 $0x1E00, v3;
	v8 =	vld.idx.msk [tilespmem:v47+s4+$0x0], $0xffff;
	[tilespmem:s8+$0x0] =	vst v10  }
0x369: {  	v51 =	vadd.s32 $0x1E00, v2;
	s8 =	sadd.s32 $0x11580, s30;
	v10 =	vld.idx.msk [tilespmem:v48+s4+$0x0], $0xffff  }
0x36a: {  	v52 =	vadd.s32 $0x1E00, v1;
	s21 =	sor.u32 s0, s8  }
0x36b: {  	s22 =	sor.u32 s1, s8;
	[tilespmem:s21+$0x0] =	vst v4  }
0x36c: {  	s31 =	sor.u32 s6, s8;
	v4 =	vld.idx.msk [tilespmem:v49+s4+$0x0], $0xffff;
	[tilespmem:s22+$0x0] =	vst v6  }
0x36d: {  	v53 =	vadd.s32 $0x1E80, v0;
	s8 =	sor.u32 s7, s8;
	v6 =	vld.idx.msk [tilespmem:v50+s4+$0x0], $0xffff;
	[tilespmem:s31+$0x0] =	vst v8  }
0x36e: {  	v54 =	vadd.s32 $0x1E80, v3;
	v8 =	vld.idx.msk [tilespmem:v51+s4+$0x0], $0xffff;
	[tilespmem:s8+$0x0] =	vst v10  }
0x36f: {  	v55 =	vadd.s32 $0x1E80, v2;
	s8 =	sadd.s32 $0x11600, s30;
	v10 =	vld.idx.msk [tilespmem:v52+s4+$0x0], $0xffff  }
0x370: {  	v56 =	vadd.s32 $0x1E80, v1;
	s21 =	sor.u32 s0, s8  }
0x371: {  	s22 =	sor.u32 s1, s8;
	[tilespmem:s21+$0x0] =	vst v4  }
0x372: {  	s31 =	sor.u32 s6, s8;
	v4 =	vld.idx.msk [tilespmem:v53+s4+$0x0], $0xffff;
	[tilespmem:s22+$0x0] =	vst v6  }
0x373: {  	v57 =	vadd.s32 $0x1F00, v0;
	s8 =	sor.u32 s7, s8;
	v6 =	vld.idx.msk [tilespmem:v54+s4+$0x0], $0xffff;
	[tilespmem:s31+$0x0] =	vst v8  }
0x374: {  	v58 =	vadd.s32 $0x1F00, v3;
	v8 =	vld.idx.msk [tilespmem:v55+s4+$0x0], $0xffff;
	[tilespmem:s8+$0x0] =	vst v10  }
0x375: {  	v59 =	vadd.s32 $0x1F00, v2;
	s8 =	sadd.s32 $0x11680, s30;
	v10 =	vld.idx.msk [tilespmem:v56+s4+$0x0], $0xffff  }
0x376: {  	v60 =	vadd.s32 $0x1F00, v1;
	s21 =	sor.u32 s0, s8  }
0x377: {  	s22 =	sor.u32 s1, s8;
	[tilespmem:s21+$0x0] =	vst v4  }
0x378: {  	s31 =	sor.u32 s6, s8;
	v4 =	vld.idx.msk [tilespmem:v57+s4+$0x0], $0xffff;
	[tilespmem:s22+$0x0] =	vst v6  }
0x379: {  	v0 =	vadd.s32 $0x1F80, v0;
	s8 =	sor.u32 s7, s8;
	[tilespmem:s31+$0x0] =	vst v8;
	v61 =	vld.idx.msk [tilespmem:v58+s4+$0x0], $0xffff  }
0x37a: {  	v3 =	vadd.s32 $0x1F80, v3;
	[tilespmem:s8+$0x0] =	vst v10;
	v62 =	vld.idx.msk [tilespmem:v59+s4+$0x0], $0xffff  }
0x37b: {  	v2 =	vadd.s32 $0x1F80, v2;
	s8 =	sadd.s32 $0x11700, s30;
	v63 =	vld.idx.msk [tilespmem:v60+s4+$0x0], $0xffff  }
0x37c: {  	v1 =	vadd.s32 $0x1F80, v1;
	s21 =	sor.u32 s0, s8  }
0x37d: {  	s22 =	sor.u32 s1, s8;
	[tilespmem:s21+$0x0] =	vst v4  }
0x37e: {  	s31 =	sor.u32 s6, s8;
	v0 =	vld.idx.msk [tilespmem:v0+s4+$0x0], $0xffff;
	[tilespmem:s22+$0x0] =	vst v61  }
0x37f: {  	s8 =	sor.u32 s7, s8;
	[tilespmem:s31+$0x0] =	vst v62;
	v3 =	vld.idx.msk [tilespmem:v3+s4+$0x0], $0xffff  }
0x380: {  	s25 =	sadd.s32 $0x4, s25;
	[tilespmem:s8+$0x0] =	vst v63;
	v2 =	vld.idx.msk [tilespmem:v2+s4+$0x0], $0xffff  }
0x381: {  	p1 =	slt.u32 s25, $0x1C;
	s21 =	sadd.s32 $0x11780, s30;
	v1 =	vld.idx.msk [tilespmem:v1+s4+$0x0], $0xffff  }
.Ltmp4:
0x382: {  	s0 =	sor.u32 s0, s21;
	(pc) =	sbr.rel @p1 .LBB2_9-.Ltmp4, $4  }
0x383: {  	s22 =	sor.u32 s1, s21;
	[tilespmem:s0+$0x0] =	vst v0  }
0x384: {  	s30 =	sor.u32 s6, s21;
	[tilespmem:s22+$0x0] =	vst v3  }
0x385: {  	s26 =	sadd.s32 $0x40, s26;
	s31 =	sor.u32 s7, s21;
	[tilespmem:s30+$0x0] =	vst v2  }
0x386: {  	p0 =	por !p0, !p0;
	s29 =	sadd.s32 $0x200, s29;
	s28 =	sadd.s32 $0x40, s28;
	[tilespmem:s31+$0x0] =	vst v1  }
0x387: {  	s23 =	sadd.s32 $0x1, s23  }
0x388: {  	p0 =	sne.s32 s23, $0x64  }
.Ltmp5:
0x389: {  	s0 =	sshll.u32 s24, $0x14;
	(pc) =	sbr.rel @p0 .LBB2_2-.Ltmp5, $4  }
0x38a: {  	s0 =	sor.u32 s5, s0  }
0x38b: {  	s0 =	sshrl.u32 s0, $0x3  }
0x38c: {  	s0 =	sadd.s32 s3, s0  }
0x38d: {  	[hbm4b:s0+s15] =	stream.strided.scatter [tilespmem:s20], [sflag:$0x4], $0x8000, s16, s15, $0x38;
	[tilespmem:$0x12400] =	vst v63  }
0x38e: {  	s0 =	simm.s32 $0x3  }
0x38f: {  	_ =	swait.ge [sflag:s0], $0x8000  }
0x390: {  	[sflag:s0] =	ssyncset.done $0x0  }
0x391: {  	[sflag:s0] =	ssyncadd.s32 $0xFFFF8000  }
0x392: {  	_ =	swait.ge [sflag:s19], $0x8000  }
0x393: {  	s1 =	rddreg [dreg:$0x7]  }
0x394: {  	s31 =	rddreg [dreg:$0x6];
	s1 =	sadd.s32 $0x1, s1  }
0x395: {  	p0 =	sne.s32 s1, s31  }
.Ltmp6:
0x396: {  	_ = 	snop;
	(pc) =	sbr.rel @p0 .LBB2_1-.Ltmp6, $3  }
0x397: {  	_ =	sdelay $0x1  }
0x398: {  	[sflag:s19] =	ssyncset.done $0x0  }
0x399: {  	[sflag:s19] =	ssyncadd.s32 $0xFFFF8000  }
0x39a: {  	_ =	sfence.sel $0x180000  }
0x39b: {  	[bflag:$0x0] =	sbarrier.arrive $0xFFFF  }
0x39c: {  	_ =	strace $0x90000047  }
0x39d: {  	s0 =	stileid.u32;
	[bflag:$0x2] =	sbarrier.arrive $0xFFFF  }
0x39e: {  	p0 =	sne.s32 s0, $0x0;
	s0 =	rddreg [dreg:$0x3]  }
0x39f: {  	s0 =	sadd.s32 @!p0 $0x100000, s0  }
0x3a0: {  	[sflag:s0] =	ssyncadd.tile.s32 @!p0 $0x1;
	_ =	shalt  }
.Lfunc_end2:
_tile_overlayer_lowered:
.L_overlay_start_2:
0x3a1: {  	(tag) =	ssettag $0x2  }
0x3a2: {  	s0 =	rddreg [dreg:$0x0];
	s2 =	stileid.u32  }
0x3a3: {  	s1 =	rddreg [dreg:$0x1];
	p0 =	sne.s32 s2, $0x0  }
0x3a4: {  	s3 =	rddreg [dreg:$0x2];
	[bflag:$0x3] =	sbarrier.arrive $0xFFFF;
	s2 =	simm.s32 @!p0 $0x1C05  }
0x3a5: {  	[timem:s3], [sflag:s2] =	dma.local @!p0 [hbm:s0], s1  }
0x3a6: {  	s0 =	simm.s32 @!p0 $0x5  }
0x3a7: {  	_ =	swait.ge @!p0 [sflag:s0], s1  }
0x3a8: {  	s1 =	ssub.s32 @!p0 $0x0, s1;
	[sflag:s0] =	ssyncset.done @!p0 $0x0  }
0x3a9: {  	[sflag:s0] =	ssyncadd.s32 @!p0 s1  }
0x3aa: {  	[bflag:$0x3] =	sbarrier.arrive $0xFFFF  }
0x3ab: {  	_ =	shalt  }

</sc_bundles>
